<compile_context>
chip_gen: v7x
topology: tpu7x:2x2x1
jax: 0.10.2.dev20260603
libtpu: 0.0.44.dev20260713+nightly
codegen_flags: <defaults>
</compile_context>

<pallas_src>
import functools

import jax
import jax.numpy as jnp
from jax import lax
from jax.experimental import pallas as pl
from jax.experimental.pallas import tpu as pltpu
from jax.experimental.pallas import tpu_sc as plsc

NC = 2
NS = 16
NW = NC * NS

BATCH = 128


def _sc_aggregate(n_nodes, d, n_tables, e_pad):
    per_tile = e_pad // NW
    chunks = per_tile // BATCH
    zrows_per_tile = -(-(n_nodes + 1) // (NS * BATCH)) * BATCH
    sp_rows = NS * zrows_per_tile
    zchunks = zrows_per_tile // BATCH
    assert sp_rows * d * 4 <= 6 * 1024 * 1024

    mesh = plsc.VectorSubcoreMesh(core_axis_name="c", subcore_axis_name="s")

    @functools.partial(
        pl.kernel,
        mesh=mesh,
        compiler_params=pltpu.CompilerParams(use_tc_tiling_on_sc=False),
        out_type=jax.ShapeDtypeStruct((NC, sp_rows, d), jnp.float32),
        scratch_types=[
            pltpu.VMEM((chunks, BATCH), jnp.int32),
            pltpu.VMEM((chunks, BATCH), jnp.int32),
            pltpu.VMEM((BATCH, d), jnp.float32),
            pltpu.VMEM_SHARED((sp_rows, d), jnp.float32),
            pltpu.SemaphoreType.DMA,
        ],
    )
    def sc_kernel(tab, ksrc, kdst, part, src_v, dst_v, rows_v, acc_sp, sem):
        c = lax.axis_index("c")
        s = lax.axis_index("s")
        w = c * NS + s

        z16 = jnp.zeros((16,), jnp.float32)

        def _zero_row(i, carry):
            for j in range(d // 16):
                rows_v[i, pl.ds(j * 16, 16)] = z16
            return carry

        lax.fori_loop(0, BATCH, _zero_row, 0)

        def _zero_sp(k, carry):
            pltpu.sync_copy(
                rows_v, acc_sp.at[pl.ds(s * zrows_per_tile + k * BATCH, BATCH)]
            )
            return carry

        lax.fori_loop(0, zchunks, _zero_sp, 0)
        plsc.subcore_barrier()

        pltpu.sync_copy(ksrc.at[w], src_v)
        pltpu.sync_copy(kdst.at[w], dst_v)

        def _edge_batch(j, carry):
            pltpu.async_copy(tab.at[src_v.at[j]], rows_v, sem).wait()
            pltpu.sync_copy(rows_v, acc_sp.at[dst_v.at[j]], add=True)
            return carry

        lax.fori_loop(0, chunks, _edge_batch, 0)
        plsc.subcore_barrier()

        def _out(k, carry):
            r0 = s * zrows_per_tile + k * BATCH
            pltpu.sync_copy(acc_sp.at[pl.ds(r0, BATCH)], rows_v)
            pltpu.sync_copy(rows_v, part.at[c, pl.ds(r0, BATCH)])
            return carry

        lax.fori_loop(0, zchunks, _out, 0)

    return sc_kernel, sp_rows


def _tc_round(n_nodes, d, n_types, row_block, emit_tables):
    grid = (n_nodes // row_block,)

    def body(h_ref, p0, p1, ew, wih, whh, bih, bhh, out_ref, *tab_ref):
        h = h_ref[...]
        f32 = jnp.float32
        m = p0[...] + p1[...]
        gi = jnp.dot(m, wih[...], preferred_element_type=f32) + bih[...]
        gh = jnp.dot(h, whh[...], preferred_element_type=f32) + bhh[...]
        r = jax.nn.sigmoid(gi[:, :d] + gh[:, :d])
        z = jax.nn.sigmoid(gi[:, d:2 * d] + gh[:, d:2 * d])
        n = jnp.tanh(gi[:, 2 * d:] + r * gh[:, 2 * d:])
        h_new = (1.0 - z) * n + z * h
        out_ref[...] = h_new
        if emit_tables:
            for t in range(n_types):
                tab_ref[0][t] = jnp.dot(h_new, ew[t],
                                        preferred_element_type=f32)

    row_spec = pl.BlockSpec((row_block, d), lambda i: (i, 0))
    out_shapes = [jax.ShapeDtypeStruct((n_nodes, d), jnp.float32)]
    out_specs = [row_spec]
    if emit_tables:
        out_shapes.append(
            jax.ShapeDtypeStruct((n_types, n_nodes, d), jnp.float32))
        out_specs.append(
            pl.BlockSpec((n_types, row_block, d), lambda i: (0, i, 0)))
    return pl.pallas_call(
        body,
        grid=grid,
        in_specs=[
            row_spec, row_spec, row_spec,
            pl.BlockSpec((n_types, d, d), lambda i: (0, 0, 0)),
            pl.BlockSpec((d, 3 * d), lambda i: (0, 0)),
            pl.BlockSpec((d, 3 * d), lambda i: (0, 0)),
            pl.BlockSpec((1, 3 * d), lambda i: (0, 0)),
            pl.BlockSpec((1, 3 * d), lambda i: (0, 0)),
        ],
        out_specs=out_specs,
        out_shape=out_shapes,
    )


def _tc_tables(n_nodes, d, n_types, row_block):
    grid = (n_nodes // row_block,)

    def body(h_ref, ew, tab_ref):
        h = h_ref[...]
        for t in range(n_types):
            tab_ref[t] = jnp.dot(h, ew[t], preferred_element_type=jnp.float32)

    return pl.pallas_call(
        body,
        grid=grid,
        in_specs=[
            pl.BlockSpec((row_block, d), lambda i: (i, 0)),
            pl.BlockSpec((n_types, d, d), lambda i: (0, 0, 0)),
        ],
        out_specs=pl.BlockSpec((n_types, row_block, d), lambda i: (0, i, 0)),
        out_shape=jax.ShapeDtypeStruct((n_types, n_nodes, d), jnp.float32),
    )


def kernel(node_features, edge_index, edge_type, node_to_graph_id,
           edge_W, W_ih, W_hh, b_ih, b_hh):
    n_nodes, d = node_features.shape
    e = edge_index.shape[1]
    n_types = edge_W.shape[0]
    num_steps = 4

    per_tile = -(-e // NW)
    chunks = -(-per_tile // BATCH)
    e_pad = NW * chunks * BATCH
    pad = e_pad - e

    src = edge_index[0]
    dst = edge_index[1]
    ksrc = edge_type * n_nodes + src
    ksrc = jnp.pad(ksrc, (0, pad)).reshape(NW, chunks, BATCH)
    kdst = jnp.pad(dst, (0, pad), constant_values=n_nodes)
    kdst = kdst.reshape(NW, chunks, BATCH)

    sc_step, sp_rows = _sc_aggregate(n_nodes, d, n_types, e_pad)
    tc_mid = _tc_round(n_nodes, d, n_types, 400, emit_tables=True)
    tc_last = _tc_round(n_nodes, d, n_types, 400, emit_tables=False)
    tc_prep = _tc_tables(n_nodes, d, n_types, 400)

    bih = b_ih.reshape(1, 3 * d)
    bhh = b_hh.reshape(1, 3 * d)

    h = node_features
    tables = tc_prep(h, edge_W)
    for step in range(num_steps):
        part = sc_step(tables.reshape(n_types * n_nodes, d), ksrc, kdst)
        if step < num_steps - 1:
            h, tables = tc_mid(h, part[0], part[1], edge_W,
                               W_ih, W_hh, bih, bhh)
        else:
            (h,) = tc_last(h, part[0], part[1], edge_W, W_ih, W_hh, bih, bhh)
    return h

# --- scband reference (transcript-rebuilt; emitter-appended) ---
"""Pipeline reference for scband-node-embedder-83288005804353 (READ-ONLY COPY).

The authoritative reference and input builder live on the scoring server;
editing this copy changes nothing except your own understanding.
"""

import jax, jax.numpy as jnp
import numpy as np

N = 10000          # nodes
E = 320000         # edges
D = 128            # hidden_layer_size
NT = 3             # number of edge types (edge_names)
T = 4              # num_time_steps


def setup_inputs(seed: int = 0) -> dict:
    key = jax.random.key(seed)
    ks = jax.random.split(key, 10)
    node_features = jax.random.normal(ks[0], (N, D), dtype=jnp.float32)
    edge_index = jax.random.randint(ks[1], (2, E), 0, N, dtype=jnp.int32)
    edge_type = jax.random.randint(ks[2], (E,), 0, NT, dtype=jnp.int32)
    node_to_graph_id = jnp.sort(jax.random.randint(ks[3], (N,), 0, 256, dtype=jnp.int32))
    # learned parameters: per-edge-type message transforms + GRU cell weights
    edge_W = jax.random.normal(ks[4], (NT, D, D), dtype=jnp.float32) * (1.0 / np.sqrt(D))
    W_ih = jax.random.normal(ks[5], (D, 3 * D), dtype=jnp.float32) * (1.0 / np.sqrt(D))
    W_hh = jax.random.normal(ks[6], (D, 3 * D), dtype=jnp.float32) * (1.0 / np.sqrt(D))
    b_ih = jnp.zeros((3 * D,), dtype=jnp.float32)
    b_hh = jnp.zeros((3 * D,), dtype=jnp.float32)
    return {
        "node_features": node_features,
        "edge_index": edge_index,
        "edge_type": edge_type,
        "node_to_graph_id": node_to_graph_id,
        "edge_W": edge_W,
        "W_ih": W_ih,
        "W_hh": W_hh,
        "b_ih": b_ih,
        "b_hh": b_hh,
    }


def reference(node_features, edge_index, edge_type, node_to_graph_id, edge_W, W_ih, W_hh, b_ih, b_hh):
    # GGNNSparse: T rounds of typed message passing followed by a GRU cell update.
    src = edge_index[0]
    dst = edge_index[1]
    h = node_features
    for _ in range(T):
        # transform node states once per edge type: [NT, N, D]
        h_types = jnp.einsum('nd,edk->enk', h, edge_W)
        # gather per-edge messages according to (edge_type, src)
        msgs = h_types[edge_type, src]            # [E, D]
        # scatter-add messages into destination nodes
        m = jnp.zeros_like(h).at[dst].add(msgs)   # [N, D]
        # GRU cell update
        gi = m @ W_ih + b_ih
        gh = h @ W_hh + b_hh
        i_r, i_z, i_n = jnp.split(gi, 3, axis=1)
        h_r, h_z, h_n = jnp.split(gh, 3, axis=1)
        r = jax.nn.sigmoid(i_r + h_r)
        z = jax.nn.sigmoid(i_z + h_z)
        n = jnp.tanh(i_n + r * h_n)
        h = (1.0 - z) * n + z * h
    # TorchGraph(node_features=h, node_to_graphid=...): embeddings are the node features
    return h

if __name__ == "__main__":
    import jax
    _d = setup_inputs()
    print(jax.jit(kernel)(*tuple(_d.values())))

</pallas_src>

<mosaic_0001>
#map = affine_map<(d0, d1) -> (0, 0)>
#map1 = affine_map<(d0, d1) -> (0, 0, 0)>
module attributes {stable_mosaic.version = 14 : i64} {
  func.func @sc_kernel(%arg0: i32, %arg1: i32, %arg2: memref<30000x128xf32, #tpu.memory_space<hbm>>, %arg3: memref<32x79x128xi32, #tpu.memory_space<hbm>>, %arg4: memref<32x79x128xi32, #tpu.memory_space<hbm>>, %arg5: memref<2x10240x128xf32, #tpu.memory_space<hbm>>, %arg6: memref<79x128xi32, #tpu.memory_space<vmem>>, %arg7: memref<79x128xi32, #tpu.memory_space<vmem>>, %arg8: memref<128x128xf32, #tpu.memory_space<vmem>>, %arg9: memref<10240x128xf32, #tpu.memory_space<vmem_shared>>, %arg10: memref<!tpu.dma_semaphore, #tpu.memory_space<semaphore_mem>>) attributes {dimension_semantics = [#tpu.dimension_semantics<core_parallel>, #tpu.dimension_semantics<subcore_parallel>], iteration_bounds = array<i64: 2, 16>, scalar_prefetch = 0 : i64, scratch_operands = 5 : i64, tpu.core_type = #tpu.core_type<sc_vector_subcore>, window_params = [{transform_indices = #map}, {transform_indices = #map1}, {transform_indices = #map1}, {transform_indices = #map1}]} {
    %mul3A = arith.constant 16 : i32
    %mul3A_0 = arith.muli %arg0, %mul3A : i32
    %add3A = arith.addi %mul3A_0, %arg1 : i32
    %broadcast_in_dim3A = arith.constant 0.000000e+00 : f32
    %broadcast_in_dim3A_1 = vector.broadcast %broadcast_in_dim3A : f32 to vector<16xf32>
    %scan3A = arith.constant 0 : i32
    %scan3A_2 = arith.constant 0 : i32
    %scan3A_3 = arith.constant 128 : i32
    %scan3A_4 = arith.addi %scan3A_2, %scan3A_3 : i32
    %scan3A_5 = arith.constant 1 : i32
    scf.for %scan3A_26 = %scan3A_2 to %scan3A_4 step %scan3A_5  : i32 {
      %swap3A = arith.index_cast %scan3A_26 : i32 to index
      %swap3A_27 = arith.constant 0 : index
      %swap3A_28 = tpu.vector_load %arg8[%swap3A, %swap3A_27] {strides = array<i32>} : memref<128x128xf32, #tpu.memory_space<vmem>>, vector<1x16xf32>,
      %swap3A_29 = vector.shape_cast %swap3A_28 : vector<1x16xf32> to vector<16xf32>
      %swap3A_30 = vector.shape_cast %broadcast_in_dim3A_1 : vector<16xf32> to vector<1x16xf32>
      tpu.vector_store %arg8[%swap3A, %swap3A_27], %swap3A_30 {strides = array<i32>} : memref<128x128xf32, #tpu.memory_space<vmem>>, vector<1x16xf32>,
      %swap3A_31 = arith.index_cast %scan3A_26 : i32 to index
      %swap3A_32 = arith.constant 16 : index
      %swap3A_33 = tpu.vector_load %arg8[%swap3A_31, %swap3A_32] {strides = array<i32>} : memref<128x128xf32, #tpu.memory_space<vmem>>, vector<1x16xf32>,
      %swap3A_34 = vector.shape_cast %swap3A_33 : vector<1x16xf32> to vector<16xf32>
      %swap3A_35 = vector.shape_cast %broadcast_in_dim3A_1 : vector<16xf32> to vector<1x16xf32>
      tpu.vector_store %arg8[%swap3A_31, %swap3A_32], %swap3A_35 {strides = array<i32>} : memref<128x128xf32, #tpu.memory_space<vmem>>, vector<1x16xf32>,
      %swap3A_36 = arith.index_cast %scan3A_26 : i32 to index
      %swap3A_37 = arith.constant 32 : index
      %swap3A_38 = tpu.vector_load %arg8[%swap3A_36, %swap3A_37] {strides = array<i32>} : memref<128x128xf32, #tpu.memory_space<vmem>>, vector<1x16xf32>,
      %swap3A_39 = vector.shape_cast %swap3A_38 : vector<1x16xf32> to vector<16xf32>
      %swap3A_40 = vector.shape_cast %broadcast_in_dim3A_1 : vector<16xf32> to vector<1x16xf32>
      tpu.vector_store %arg8[%swap3A_36, %swap3A_37], %swap3A_40 {strides = array<i32>} : memref<128x128xf32, #tpu.memory_space<vmem>>, vector<1x16xf32>,
      %swap3A_41 = arith.index_cast %scan3A_26 : i32 to index
      %swap3A_42 = arith.constant 48 : index
      %swap3A_43 = tpu.vector_load %arg8[%swap3A_41, %swap3A_42] {strides = array<i32>} : memref<128x128xf32, #tpu.memory_space<vmem>>, vector<1x16xf32>,
      %swap3A_44 = vector.shape_cast %swap3A_43 : vector<1x16xf32> to vector<16xf32>
      %swap3A_45 = vector.shape_cast %broadcast_in_dim3A_1 : vector<16xf32> to vector<1x16xf32>
      tpu.vector_store %arg8[%swap3A_41, %swap3A_42], %swap3A_45 {strides = array<i32>} : memref<128x128xf32, #tpu.memory_space<vmem>>, vector<1x16xf32>,
      %swap3A_46 = arith.index_cast %scan3A_26 : i32 to index
      %swap3A_47 = arith.constant 64 : index
      %swap3A_48 = tpu.vector_load %arg8[%swap3A_46, %swap3A_47] {strides = array<i32>} : memref<128x128xf32, #tpu.memory_space<vmem>>, vector<1x16xf32>,
      %swap3A_49 = vector.shape_cast %swap3A_48 : vector<1x16xf32> to vector<16xf32>
      %swap3A_50 = vector.shape_cast %broadcast_in_dim3A_1 : vector<16xf32> to vector<1x16xf32>
      tpu.vector_store %arg8[%swap3A_46, %swap3A_47], %swap3A_50 {strides = array<i32>} : memref<128x128xf32, #tpu.memory_space<vmem>>, vector<1x16xf32>,
      %swap3A_51 = arith.index_cast %scan3A_26 : i32 to index
      %swap3A_52 = arith.constant 80 : index
      %swap3A_53 = tpu.vector_load %arg8[%swap3A_51, %swap3A_52] {strides = array<i32>} : memref<128x128xf32, #tpu.memory_space<vmem>>, vector<1x16xf32>,
      %swap3A_54 = vector.shape_cast %swap3A_53 : vector<1x16xf32> to vector<16xf32>
      %swap3A_55 = vector.shape_cast %broadcast_in_dim3A_1 : vector<16xf32> to vector<1x16xf32>
      tpu.vector_store %arg8[%swap3A_51, %swap3A_52], %swap3A_55 {strides = array<i32>} : memref<128x128xf32, #tpu.memory_space<vmem>>, vector<1x16xf32>,
      %swap3A_56 = arith.index_cast %scan3A_26 : i32 to index
      %swap3A_57 = arith.constant 96 : index
      %swap3A_58 = tpu.vector_load %arg8[%swap3A_56, %swap3A_57] {strides = array<i32>} : memref<128x128xf32, #tpu.memory_space<vmem>>, vector<1x16xf32>,
      %swap3A_59 = vector.shape_cast %swap3A_58 : vector<1x16xf32> to vector<16xf32>
      %swap3A_60 = vector.shape_cast %broadcast_in_dim3A_1 : vector<16xf32> to vector<1x16xf32>
      tpu.vector_store %arg8[%swap3A_56, %swap3A_57], %swap3A_60 {strides = array<i32>} : memref<128x128xf32, #tpu.memory_space<vmem>>, vector<1x16xf32>,
      %swap3A_61 = arith.index_cast %scan3A_26 : i32 to index
      %swap3A_62 = arith.constant 112 : index
      %swap3A_63 = tpu.vector_load %arg8[%swap3A_61, %swap3A_62] {strides = array<i32>} : memref<128x128xf32, #tpu.memory_space<vmem>>, vector<1x16xf32>,
      %swap3A_64 = vector.shape_cast %swap3A_63 : vector<1x16xf32> to vector<16xf32>
      %swap3A_65 = vector.shape_cast %broadcast_in_dim3A_1 : vector<16xf32> to vector<1x16xf32>
      tpu.vector_store %arg8[%swap3A_61, %swap3A_62], %swap3A_65 {strides = array<i32>} : memref<128x128xf32, #tpu.memory_space<vmem>>, vector<1x16xf32>,
    }
    %scan3A_6 = arith.constant 128 : i32
    %scan3A_7 = arith.constant 0 : i32
    %scan3A_8 = arith.constant 0 : i32
    %scan3A_9 = arith.constant 5 : i32
    %scan3A_10 = arith.addi %scan3A_8, %scan3A_9 : i32
    %scan3A_11 = arith.constant 1 : i32
    scf.for %scan3A_26 = %scan3A_8 to %scan3A_10 step %scan3A_11  : i32 {
      %mul3A_27 = arith.constant 640 : i32
      %mul3A_28 = arith.muli %arg1, %mul3A_27 : i32
      %mul3A_29 = arith.constant 128 : i32
      %mul3A_30 = arith.muli %scan3A_26, %mul3A_29 : i32
      %add3A_31 = arith.addi %mul3A_28, %mul3A_30 : i32
      "tpu.region"() ({
        %run_scoped3A = tpu.sem_alloc : memref<!tpu.dma_semaphore, #tpu.memory_space<semaphore_mem>>
        %dma_start3A = arith.constant 0 : i32
        %dma_start3A_32 = tpu.memref_slice %arg9[%add3A_31, %dma_start3A] : memref<10240x128xf32, #tpu.memory_space<vmem_shared>> -> memref<128x128xf32, #tpu.memory_space<vmem_shared>>
        %dma_start3A_33 = arith.constant 0 : i32
        %dma_start3A_34 = tpu.memref_slice %arg9[%add3A_31, %dma_start3A_33] : memref<10240x128xf32, #tpu.memory_space<vmem_shared>> -> memref<128x128xf32, #tpu.memory_space<vmem_shared>>
        tpu.enqueue_dma source(%arg8 : memref<128x128xf32, #tpu.memory_space<vmem>>) target(%dma_start3A_34 : memref<128x128xf32, #tpu.memory_space<vmem_shared>>) target_semaphore(%run_scoped3A : memref<!tpu.dma_semaphore, #tpu.memory_space<semaphore_mem>>)
        %dma_wait3A = arith.constant 0 : i32
        %dma_wait3A_35 = tpu.memref_slice %arg9[%add3A_31, %dma_wait3A] : memref<10240x128xf32, #tpu.memory_space<vmem_shared>> -> memref<128x128xf32, #tpu.memory_space<vmem_shared>>
        %dma_wait3A_36 = arith.constant 0 : i32
        %dma_wait3A_37 = tpu.memref_slice %arg9[%add3A_31, %dma_wait3A_36] : memref<10240x128xf32, #tpu.memory_space<vmem_shared>> -> memref<128x128xf32, #tpu.memory_space<vmem_shared>>
        tpu.wait_dma2 semaphore(%run_scoped3A : memref<!tpu.dma_semaphore, #tpu.memory_space<semaphore_mem>>) src(%arg8 : memref<128x128xf32, #tpu.memory_space<vmem>>) dst(%dma_wait3A_37 : memref<128x128xf32, #tpu.memory_space<vmem_shared>>)
        tpu.yield
      }) : () -> ()
    }
    %scan3A_12 = arith.constant 5 : i32
    %barrier3A = arith.constant 0 : index
    tpu.barrier barrier_id(%barrier3A)
    "tpu.region"() ({
      %run_scoped3A = tpu.sem_alloc : memref<!tpu.dma_semaphore, #tpu.memory_space<semaphore_mem>>
      %dma_start3A = arith.constant 0 : i32
      %dma_start3A_26 = arith.constant 0 : i32
      %dma_start3A_27 = tpu.memref_slice %arg3[%add3A, %dma_start3A, %dma_start3A_26] : memref<32x79x128xi32, #tpu.memory_space<hbm>> -> memref<1x79x128xi32, #tpu.memory_space<hbm>>
      %dma_start3A_28 = tpu.memref_squeeze %dma_start3A_27 : memref<1x79x128xi32, #tpu.memory_space<hbm>> -> memref<79x128xi32, #tpu.memory_space<hbm>>
      %dma_start3A_29 = arith.constant 0 : i32
      %dma_start3A_30 = arith.constant 0 : i32
      %dma_start3A_31 = tpu.memref_slice %arg3[%add3A, %dma_start3A_29, %dma_start3A_30] : memref<32x79x128xi32, #tpu.memory_space<hbm>> -> memref<1x79x128xi32, #tpu.memory_space<hbm>>
      %dma_start3A_32 = tpu.memref_squeeze %dma_start3A_31 : memref<1x79x128xi32, #tpu.memory_space<hbm>> -> memref<79x128xi32, #tpu.memory_space<hbm>>
      tpu.enqueue_dma source(%dma_start3A_32 : memref<79x128xi32, #tpu.memory_space<hbm>>) target(%arg6 : memref<79x128xi32, #tpu.memory_space<vmem>>) target_semaphore(%run_scoped3A : memref<!tpu.dma_semaphore, #tpu.memory_space<semaphore_mem>>)
      %dma_wait3A = arith.constant 0 : i32
      %dma_wait3A_33 = arith.constant 0 : i32
      %dma_wait3A_34 = tpu.memref_slice %arg3[%add3A, %dma_wait3A, %dma_wait3A_33] : memref<32x79x128xi32, #tpu.memory_space<hbm>> -> memref<1x79x128xi32, #tpu.memory_space<hbm>>
      %dma_wait3A_35 = tpu.memref_squeeze %dma_wait3A_34 : memref<1x79x128xi32, #tpu.memory_space<hbm>> -> memref<79x128xi32, #tpu.memory_space<hbm>>
      %dma_wait3A_36 = arith.constant 0 : i32
      %dma_wait3A_37 = arith.constant 0 : i32
      %dma_wait3A_38 = tpu.memref_slice %arg3[%add3A, %dma_wait3A_36, %dma_wait3A_37] : memref<32x79x128xi32, #tpu.memory_space<hbm>> -> memref<1x79x128xi32, #tpu.memory_space<hbm>>
      %dma_wait3A_39 = tpu.memref_squeeze %dma_wait3A_38 : memref<1x79x128xi32, #tpu.memory_space<hbm>> -> memref<79x128xi32, #tpu.memory_space<hbm>>
      tpu.wait_dma2 semaphore(%run_scoped3A : memref<!tpu.dma_semaphore, #tpu.memory_space<semaphore_mem>>) src(%dma_wait3A_39 : memref<79x128xi32, #tpu.memory_space<hbm>>) dst(%arg6 : memref<79x128xi32, #tpu.memory_space<vmem>>)
      tpu.yield
    }) : () -> ()
    "tpu.region"() ({
      %run_scoped3A = tpu.sem_alloc : memref<!tpu.dma_semaphore, #tpu.memory_space<semaphore_mem>>
      %dma_start3A = arith.constant 0 : i32
      %dma_start3A_26 = arith.constant 0 : i32
      %dma_start3A_27 = tpu.memref_slice %arg4[%add3A, %dma_start3A, %dma_start3A_26] : memref<32x79x128xi32, #tpu.memory_space<hbm>> -> memref<1x79x128xi32, #tpu.memory_space<hbm>>
      %dma_start3A_28 = tpu.memref_squeeze %dma_start3A_27 : memref<1x79x128xi32, #tpu.memory_space<hbm>> -> memref<79x128xi32, #tpu.memory_space<hbm>>
      %dma_start3A_29 = arith.constant 0 : i32
      %dma_start3A_30 = arith.constant 0 : i32
      %dma_start3A_31 = tpu.memref_slice %arg4[%add3A, %dma_start3A_29, %dma_start3A_30] : memref<32x79x128xi32, #tpu.memory_space<hbm>> -> memref<1x79x128xi32, #tpu.memory_space<hbm>>
      %dma_start3A_32 = tpu.memref_squeeze %dma_start3A_31 : memref<1x79x128xi32, #tpu.memory_space<hbm>> -> memref<79x128xi32, #tpu.memory_space<hbm>>
      tpu.enqueue_dma source(%dma_start3A_32 : memref<79x128xi32, #tpu.memory_space<hbm>>) target(%arg7 : memref<79x128xi32, #tpu.memory_space<vmem>>) target_semaphore(%run_scoped3A : memref<!tpu.dma_semaphore, #tpu.memory_space<semaphore_mem>>)
      %dma_wait3A = arith.constant 0 : i32
      %dma_wait3A_33 = arith.constant 0 : i32
      %dma_wait3A_34 = tpu.memref_slice %arg4[%add3A, %dma_wait3A, %dma_wait3A_33] : memref<32x79x128xi32, #tpu.memory_space<hbm>> -> memref<1x79x128xi32, #tpu.memory_space<hbm>>
      %dma_wait3A_35 = tpu.memref_squeeze %dma_wait3A_34 : memref<1x79x128xi32, #tpu.memory_space<hbm>> -> memref<79x128xi32, #tpu.memory_space<hbm>>
      %dma_wait3A_36 = arith.constant 0 : i32
      %dma_wait3A_37 = arith.constant 0 : i32
      %dma_wait3A_38 = tpu.memref_slice %arg4[%add3A, %dma_wait3A_36, %dma_wait3A_37] : memref<32x79x128xi32, #tpu.memory_space<hbm>> -> memref<1x79x128xi32, #tpu.memory_space<hbm>>
      %dma_wait3A_39 = tpu.memref_squeeze %dma_wait3A_38 : memref<1x79x128xi32, #tpu.memory_space<hbm>> -> memref<79x128xi32, #tpu.memory_space<hbm>>
      tpu.wait_dma2 semaphore(%run_scoped3A : memref<!tpu.dma_semaphore, #tpu.memory_space<semaphore_mem>>) src(%dma_wait3A_39 : memref<79x128xi32, #tpu.memory_space<hbm>>) dst(%arg7 : memref<79x128xi32, #tpu.memory_space<vmem>>)
      tpu.yield
    }) : () -> ()
    %scan3A_13 = arith.constant 0 : i32
    %scan3A_14 = arith.constant 0 : i32
    %scan3A_15 = arith.constant 79 : i32
    %scan3A_16 = arith.addi %scan3A_14, %scan3A_15 : i32
    %scan3A_17 = arith.constant 1 : i32
    scf.for %scan3A_26 = %scan3A_14 to %scan3A_16 step %scan3A_17  : i32 {
      %dma_start3A = arith.constant 0 : i32
      %dma_start3A_27 = tpu.memref_slice %arg6[%scan3A_26, %dma_start3A] : memref<79x128xi32, #tpu.memory_space<vmem>> -> memref<1x128xi32, #tpu.memory_space<vmem>>
      %dma_start3A_28 = tpu.memref_squeeze %dma_start3A_27 : memref<1x128xi32, #tpu.memory_space<vmem>> -> memref<128xi32, #tpu.memory_space<vmem>>
      %dma_start3A_29 = arith.constant 0 : i32
      %dma_start3A_30 = arith.constant 0 : i32
      %dma_start3A_31 = tpu.memref_slice %arg2[%dma_start3A_29, %dma_start3A_30] : memref<30000x128xf32, #tpu.memory_space<hbm>> -> memref<30000x128xf32, #tpu.memory_space<hbm>>
      tpu.enqueue_indirect_dma source(%dma_start3A_31 : memref<30000x128xf32, #tpu.memory_space<hbm>>) target(%arg8 : memref<128x128xf32, #tpu.memory_space<vmem>>) offsets(%dma_start3A_28 : memref<128xi32, #tpu.memory_space<vmem>>) semaphore(%arg10 : memref<!tpu.dma_semaphore, #tpu.memory_space<semaphore_mem>>)
      %dma_wait3A = arith.constant 0 : i32
      %dma_wait3A_32 = tpu.memref_slice %arg6[%scan3A_26, %dma_wait3A] : memref<79x128xi32, #tpu.memory_space<vmem>> -> memref<1x128xi32, #tpu.memory_space<vmem>>
      %dma_wait3A_33 = tpu.memref_squeeze %dma_wait3A_32 : memref<1x128xi32, #tpu.memory_space<vmem>> -> memref<128xi32, #tpu.memory_space<vmem>>
      %dma_wait3A_34 = arith.constant 0 : i32
      %dma_wait3A_35 = arith.constant 0 : i32
      %dma_wait3A_36 = tpu.memref_slice %arg2[%dma_wait3A_34, %dma_wait3A_35] : memref<30000x128xf32, #tpu.memory_space<hbm>> -> memref<30000x128xf32, #tpu.memory_space<hbm>>
      tpu.wait_indirect_dma semaphore(%arg10 : memref<!tpu.dma_semaphore, #tpu.memory_space<semaphore_mem>>) src(%dma_wait3A_36 : memref<30000x128xf32, #tpu.memory_space<hbm>>) dst(%arg8 : memref<128x128xf32, #tpu.memory_space<vmem>>)
      "tpu.region"() ({
        %run_scoped3A = tpu.sem_alloc : memref<!tpu.dma_semaphore, #tpu.memory_space<semaphore_mem>>
        %dma_start3A_37 = arith.constant 0 : i32
        %dma_start3A_38 = tpu.memref_slice %arg7[%scan3A_26, %dma_start3A_37] : memref<79x128xi32, #tpu.memory_space<vmem>> -> memref<1x128xi32, #tpu.memory_space<vmem>>
        %dma_start3A_39 = tpu.memref_squeeze %dma_start3A_38 : memref<1x128xi32, #tpu.memory_space<vmem>> -> memref<128xi32, #tpu.memory_space<vmem>>
        %dma_start3A_40 = arith.constant 0 : i32
        %dma_start3A_41 = arith.constant 0 : i32
        %dma_start3A_42 = tpu.memref_slice %arg9[%dma_start3A_40, %dma_start3A_41] : memref<10240x128xf32, #tpu.memory_space<vmem_shared>> -> memref<10240x128xf32, #tpu.memory_space<vmem_shared>>
        tpu.enqueue_indirect_dma source(%arg8 : memref<128x128xf32, #tpu.memory_space<vmem>>) target(%dma_start3A_42 : memref<10240x128xf32, #tpu.memory_space<vmem_shared>>) offsets(%dma_start3A_39 : memref<128xi32, #tpu.memory_space<vmem>>) semaphore(%run_scoped3A : memref<!tpu.dma_semaphore, #tpu.memory_space<semaphore_mem>>) {add = true}
        %dma_wait3A_43 = arith.constant 0 : i32
        %dma_wait3A_44 = tpu.memref_slice %arg7[%scan3A_26, %dma_wait3A_43] : memref<79x128xi32, #tpu.memory_space<vmem>> -> memref<1x128xi32, #tpu.memory_space<vmem>>
        %dma_wait3A_45 = tpu.memref_squeeze %dma_wait3A_44 : memref<1x128xi32, #tpu.memory_space<vmem>> -> memref<128xi32, #tpu.memory_space<vmem>>
        %dma_wait3A_46 = arith.constant 0 : i32
        %dma_wait3A_47 = arith.constant 0 : i32
        %dma_wait3A_48 = tpu.memref_slice %arg9[%dma_wait3A_46, %dma_wait3A_47] : memref<10240x128xf32, #tpu.memory_space<vmem_shared>> -> memref<10240x128xf32, #tpu.memory_space<vmem_shared>>
        tpu.wait_indirect_dma semaphore(%run_scoped3A : memref<!tpu.dma_semaphore, #tpu.memory_space<semaphore_mem>>) src(%arg8 : memref<128x128xf32, #tpu.memory_space<vmem>>) dst(%dma_wait3A_48 : memref<10240x128xf32, #tpu.memory_space<vmem_shared>>)
        tpu.yield
      }) : () -> ()
    }
    %scan3A_18 = arith.constant 79 : i32
    %barrier3A_19 = arith.constant 0 : index
    tpu.barrier barrier_id(%barrier3A_19)
    %scan3A_20 = arith.constant 0 : i32
    %scan3A_21 = arith.constant 0 : i32
    %scan3A_22 = arith.constant 5 : i32
    %scan3A_23 = arith.addi %scan3A_21, %scan3A_22 : i32
    %scan3A_24 = arith.constant 1 : i32
    scf.for %scan3A_26 = %scan3A_21 to %scan3A_23 step %scan3A_24  : i32 {
      %mul3A_27 = arith.constant 640 : i32
      %mul3A_28 = arith.muli %arg1, %mul3A_27 : i32
      %mul3A_29 = arith.constant 128 : i32
      %mul3A_30 = arith.muli %scan3A_26, %mul3A_29 : i32
      %add3A_31 = arith.addi %mul3A_28, %mul3A_30 : i32
      "tpu.region"() ({
        %run_scoped3A = tpu.sem_alloc : memref<!tpu.dma_semaphore, #tpu.memory_space<semaphore_mem>>
        %dma_start3A = arith.constant 0 : i32
        %dma_start3A_32 = tpu.memref_slice %arg9[%add3A_31, %dma_start3A] : memref<10240x128xf32, #tpu.memory_space<vmem_shared>> -> memref<128x128xf32, #tpu.memory_space<vmem_shared>>
        %dma_start3A_33 = arith.constant 0 : i32
        %dma_start3A_34 = tpu.memref_slice %arg9[%add3A_31, %dma_start3A_33] : memref<10240x128xf32, #tpu.memory_space<vmem_shared>> -> memref<128x128xf32, #tpu.memory_space<vmem_shared>>
        tpu.enqueue_dma source(%dma_start3A_34 : memref<128x128xf32, #tpu.memory_space<vmem_shared>>) target(%arg8 : memref<128x128xf32, #tpu.memory_space<vmem>>) target_semaphore(%run_scoped3A : memref<!tpu.dma_semaphore, #tpu.memory_space<semaphore_mem>>)
        %dma_wait3A = arith.constant 0 : i32
        %dma_wait3A_35 = tpu.memref_slice %arg9[%add3A_31, %dma_wait3A] : memref<10240x128xf32, #tpu.memory_space<vmem_shared>> -> memref<128x128xf32, #tpu.memory_space<vmem_shared>>
        %dma_wait3A_36 = arith.constant 0 : i32
        %dma_wait3A_37 = tpu.memref_slice %arg9[%add3A_31, %dma_wait3A_36] : memref<10240x128xf32, #tpu.memory_space<vmem_shared>> -> memref<128x128xf32, #tpu.memory_space<vmem_shared>>
        tpu.wait_dma2 semaphore(%run_scoped3A : memref<!tpu.dma_semaphore, #tpu.memory_space<semaphore_mem>>) src(%dma_wait3A_37 : memref<128x128xf32, #tpu.memory_space<vmem_shared>>) dst(%arg8 : memref<128x128xf32, #tpu.memory_space<vmem>>)
        tpu.yield
      }) : () -> ()
      "tpu.region"() ({
        %run_scoped3A = tpu.sem_alloc : memref<!tpu.dma_semaphore, #tpu.memory_space<semaphore_mem>>
        %dma_start3A = arith.constant 0 : i32
        %dma_start3A_32 = tpu.memref_slice %arg5[%arg0, %add3A_31, %dma_start3A] : memref<2x10240x128xf32, #tpu.memory_space<hbm>> -> memref<1x128x128xf32, #tpu.memory_space<hbm>>
        %dma_start3A_33 = tpu.memref_squeeze %dma_start3A_32 : memref<1x128x128xf32, #tpu.memory_space<hbm>> -> memref<128x128xf32, #tpu.memory_space<hbm>>
        %dma_start3A_34 = arith.constant 0 : i32
        %dma_start3A_35 = tpu.memref_slice %arg5[%arg0, %add3A_31, %dma_start3A_34] : memref<2x10240x128xf32, #tpu.memory_space<hbm>> -> memref<1x128x128xf32, #tpu.memory_space<hbm>>
        %dma_start3A_36 = tpu.memref_squeeze %dma_start3A_35 : memref<1x128x128xf32, #tpu.memory_space<hbm>> -> memref<128x128xf32, #tpu.memory_space<hbm>>
        tpu.enqueue_dma source(%arg8 : memref<128x128xf32, #tpu.memory_space<vmem>>) target(%dma_start3A_36 : memref<128x128xf32, #tpu.memory_space<hbm>>) target_semaphore(%run_scoped3A : memref<!tpu.dma_semaphore, #tpu.memory_space<semaphore_mem>>)
        %dma_wait3A = arith.constant 0 : i32
        %dma_wait3A_37 = tpu.memref_slice %arg5[%arg0, %add3A_31, %dma_wait3A] : memref<2x10240x128xf32, #tpu.memory_space<hbm>> -> memref<1x128x128xf32, #tpu.memory_space<hbm>>
        %dma_wait3A_38 = tpu.memref_squeeze %dma_wait3A_37 : memref<1x128x128xf32, #tpu.memory_space<hbm>> -> memref<128x128xf32, #tpu.memory_space<hbm>>
        %dma_wait3A_39 = arith.constant 0 : i32
        %dma_wait3A_40 = tpu.memref_slice %arg5[%arg0, %add3A_31, %dma_wait3A_39] : memref<2x10240x128xf32, #tpu.memory_space<hbm>> -> memref<1x128x128xf32, #tpu.memory_space<hbm>>
        %dma_wait3A_41 = tpu.memref_squeeze %dma_wait3A_40 : memref<1x128x128xf32, #tpu.memory_space<hbm>> -> memref<128x128xf32, #tpu.memory_space<hbm>>
        tpu.wait_dma2 semaphore(%run_scoped3A : memref<!tpu.dma_semaphore, #tpu.memory_space<semaphore_mem>>) src(%arg8 : memref<128x128xf32, #tpu.memory_space<vmem>>) dst(%dma_wait3A_41 : memref<128x128xf32, #tpu.memory_space<hbm>>)
        tpu.yield
      }) : () -> ()
    }
    %scan3A_25 = arith.constant 5 : i32
    return
  }
}

#map = affine_map<(d0, d1) -> (0, 0)>
#map1 = affine_map<(d0, d1) -> (0, 0, 0)>
module attributes {stable_mosaic.version = 14 : i64} {
  func.func @sc_kernel(%arg0: i32, %arg1: i32, %arg2: memref<30000x128xf32, #tpu.memory_space<hbm>>, %arg3: memref<32x79x128xi32, #tpu.memory_space<hbm>>, %arg4: memref<32x79x128xi32, #tpu.memory_space<hbm>>, %arg5: memref<2x10240x128xf32, #tpu.memory_space<hbm>>, %arg6: memref<79x128xi32, #tpu.memory_space<vmem>>, %arg7: memref<79x128xi32, #tpu.memory_space<vmem>>, %arg8: memref<128x128xf32, #tpu.memory_space<vmem>>, %arg9: memref<10240x128xf32, #tpu.memory_space<vmem_shared>>, %arg10: memref<!tpu.dma_semaphore, #tpu.memory_space<semaphore_mem>>) attributes {dimension_semantics = [#tpu.dimension_semantics<core_parallel>, #tpu.dimension_semantics<subcore_parallel>], iteration_bounds = array<i64: 2, 16>, scalar_prefetch = 0 : i64, scratch_operands = 5 : i64, tpu.core_type = #tpu.core_type<sc_vector_subcore>, window_params = [{transform_indices = #map}, {transform_indices = #map1}, {transform_indices = #map1}, {transform_indices = #map1}]} {
    %mul3A = arith.constant 16 : i32
    %mul3A_0 = arith.muli %arg0, %mul3A : i32
    %add3A = arith.addi %mul3A_0, %arg1 : i32
    %broadcast_in_dim3A = arith.constant 0.000000e+00 : f32
    %broadcast_in_dim3A_1 = vector.broadcast %broadcast_in_dim3A : f32 to vector<16xf32>
    %scan3A = arith.constant 0 : i32
    %scan3A_2 = arith.constant 0 : i32
    %scan3A_3 = arith.constant 128 : i32
    %scan3A_4 = arith.addi %scan3A_2, %scan3A_3 : i32
    %scan3A_5 = arith.constant 1 : i32
    scf.for %scan3A_26 = %scan3A_2 to %scan3A_4 step %scan3A_5  : i32 {
      %swap3A = arith.index_cast %scan3A_26 : i32 to index
      %swap3A_27 = arith.constant 0 : index
      %swap3A_28 = tpu.vector_load %arg8[%swap3A, %swap3A_27] {strides = array<i32>} : memref<128x128xf32, #tpu.memory_space<vmem>>, vector<1x16xf32>,
      %swap3A_29 = vector.shape_cast %swap3A_28 : vector<1x16xf32> to vector<16xf32>
      %swap3A_30 = vector.shape_cast %broadcast_in_dim3A_1 : vector<16xf32> to vector<1x16xf32>
      tpu.vector_store %arg8[%swap3A, %swap3A_27], %swap3A_30 {strides = array<i32>} : memref<128x128xf32, #tpu.memory_space<vmem>>, vector<1x16xf32>,
      %swap3A_31 = arith.index_cast %scan3A_26 : i32 to index
      %swap3A_32 = arith.constant 16 : index
      %swap3A_33 = tpu.vector_load %arg8[%swap3A_31, %swap3A_32] {strides = array<i32>} : memref<128x128xf32, #tpu.memory_space<vmem>>, vector<1x16xf32>,
      %swap3A_34 = vector.shape_cast %swap3A_33 : vector<1x16xf32> to vector<16xf32>
      %swap3A_35 = vector.shape_cast %broadcast_in_dim3A_1 : vector<16xf32> to vector<1x16xf32>
      tpu.vector_store %arg8[%swap3A_31, %swap3A_32], %swap3A_35 {strides = array<i32>} : memref<128x128xf32, #tpu.memory_space<vmem>>, vector<1x16xf32>,
      %swap3A_36 = arith.index_cast %scan3A_26 : i32 to index
      %swap3A_37 = arith.constant 32 : index
      %swap3A_38 = tpu.vector_load %arg8[%swap3A_36, %swap3A_37] {strides = array<i32>} : memref<128x128xf32, #tpu.memory_space<vmem>>, vector<1x16xf32>,
      %swap3A_39 = vector.shape_cast %swap3A_38 : vector<1x16xf32> to vector<16xf32>
      %swap3A_40 = vector.shape_cast %broadcast_in_dim3A_1 : vector<16xf32> to vector<1x16xf32>
      tpu.vector_store %arg8[%swap3A_36, %swap3A_37], %swap3A_40 {strides = array<i32>} : memref<128x128xf32, #tpu.memory_space<vmem>>, vector<1x16xf32>,
      %swap3A_41 = arith.index_cast %scan3A_26 : i32 to index
      %swap3A_42 = arith.constant 48 : index
      %swap3A_43 = tpu.vector_load %arg8[%swap3A_41, %swap3A_42] {strides = array<i32>} : memref<128x128xf32, #tpu.memory_space<vmem>>, vector<1x16xf32>,
      %swap3A_44 = vector.shape_cast %swap3A_43 : vector<1x16xf32> to vector<16xf32>
      %swap3A_45 = vector.shape_cast %broadcast_in_dim3A_1 : vector<16xf32> to vector<1x16xf32>
      tpu.vector_store %arg8[%swap3A_41, %swap3A_42], %swap3A_45 {strides = array<i32>} : memref<128x128xf32, #tpu.memory_space<vmem>>, vector<1x16xf32>,
      %swap3A_46 = arith.index_cast %scan3A_26 : i32 to index
      %swap3A_47 = arith.constant 64 : index
      %swap3A_48 = tpu.vector_load %arg8[%swap3A_46, %swap3A_47] {strides = array<i32>} : memref<128x128xf32, #tpu.memory_space<vmem>>, vector<1x16xf32>,
      %swap3A_49 = vector.shape_cast %swap3A_48 : vector<1x16xf32> to vector<16xf32>
      %swap3A_50 = vector.shape_cast %broadcast_in_dim3A_1 : vector<16xf32> to vector<1x16xf32>
      tpu.vector_store %arg8[%swap3A_46, %swap3A_47], %swap3A_50 {strides = array<i32>} : memref<128x128xf32, #tpu.memory_space<vmem>>, vector<1x16xf32>,
      %swap3A_51 = arith.index_cast %scan3A_26 : i32 to index
      %swap3A_52 = arith.constant 80 : index
      %swap3A_53 = tpu.vector_load %arg8[%swap3A_51, %swap3A_52] {strides = array<i32>} : memref<128x128xf32, #tpu.memory_space<vmem>>, vector<1x16xf32>,
      %swap3A_54 = vector.shape_cast %swap3A_53 : vector<1x16xf32> to vector<16xf32>
      %swap3A_55 = vector.shape_cast %broadcast_in_dim3A_1 : vector<16xf32> to vector<1x16xf32>
      tpu.vector_store %arg8[%swap3A_51, %swap3A_52], %swap3A_55 {strides = array<i32>} : memref<128x128xf32, #tpu.memory_space<vmem>>, vector<1x16xf32>,
      %swap3A_56 = arith.index_cast %scan3A_26 : i32 to index
      %swap3A_57 = arith.constant 96 : index
      %swap3A_58 = tpu.vector_load %arg8[%swap3A_56, %swap3A_57] {strides = array<i32>} : memref<128x128xf32, #tpu.memory_space<vmem>>, vector<1x16xf32>,
      %swap3A_59 = vector.shape_cast %swap3A_58 : vector<1x16xf32> to vector<16xf32>
      %swap3A_60 = vector.shape_cast %broadcast_in_dim3A_1 : vector<16xf32> to vector<1x16xf32>
      tpu.vector_store %arg8[%swap3A_56, %swap3A_57], %swap3A_60 {strides = array<i32>} : memref<128x128xf32, #tpu.memory_space<vmem>>, vector<1x16xf32>,
      %swap3A_61 = arith.index_cast %scan3A_26 : i32 to index
      %swap3A_62 = arith.constant 112 : index
      %swap3A_63 = tpu.vector_load %arg8[%swap3A_61, %swap3A_62] {strides = array<i32>} : memref<128x128xf32, #tpu.memory_space<vmem>>, vector<1x16xf32>,
      %swap3A_64 = vector.shape_cast %swap3A_63 : vector<1x16xf32> to vector<16xf32>
      %swap3A_65 = vector.shape_cast %broadcast_in_dim3A_1 : vector<16xf32> to vector<1x16xf32>
      tpu.vector_store %arg8[%swap3A_61, %swap3A_62], %swap3A_65 {strides = array<i32>} : memref<128x128xf32, #tpu.memory_space<vmem>>, vector<1x16xf32>,
    }
    %scan3A_6 = arith.constant 128 : i32
    %scan3A_7 = arith.constant 0 : i32
    %scan3A_8 = arith.constant 0 : i32
    %scan3A_9 = arith.constant 5 : i32
    %scan3A_10 = arith.addi %scan3A_8, %scan3A_9 : i32
    %scan3A_11 = arith.constant 1 : i32
    scf.for %scan3A_26 = %scan3A_8 to %scan3A_10 step %scan3A_11  : i32 {
      %mul3A_27 = arith.constant 640 : i32
      %mul3A_28 = arith.muli %arg1, %mul3A_27 : i32
      %mul3A_29 = arith.constant 128 : i32
      %mul3A_30 = arith.muli %scan3A_26, %mul3A_29 : i32
      %add3A_31 = arith.addi %mul3A_28, %mul3A_30 : i32
      "tpu.region"() ({
        %run_scoped3A = tpu.sem_alloc : memref<!tpu.dma_semaphore, #tpu.memory_space<semaphore_mem>>
        %dma_start3A = arith.constant 0 : i32
        %dma_start3A_32 = tpu.memref_slice %arg9[%add3A_31, %dma_start3A] : memref<10240x128xf32, #tpu.memory_space<vmem_shared>> -> memref<128x128xf32, #tpu.memory_space<vmem_shared>>
        %dma_start3A_33 = arith.constant 0 : i32
        %dma_start3A_34 = tpu.memref_slice %arg9[%add3A_31, %dma_start3A_33] : memref<10240x128xf32, #tpu.memory_space<vmem_shared>> -> memref<128x128xf32, #tpu.memory_space<vmem_shared>>
        tpu.enqueue_dma source(%arg8 : memref<128x128xf32, #tpu.memory_space<vmem>>) target(%dma_start3A_34 : memref<128x128xf32, #tpu.memory_space<vmem_shared>>) target_semaphore(%run_scoped3A : memref<!tpu.dma_semaphore, #tpu.memory_space<semaphore_mem>>)
        %dma_wait3A = arith.constant 0 : i32
        %dma_wait3A_35 = tpu.memref_slice %arg9[%add3A_31, %dma_wait3A] : memref<10240x128xf32, #tpu.memory_space<vmem_shared>> -> memref<128x128xf32, #tpu.memory_space<vmem_shared>>
        %dma_wait3A_36 = arith.constant 0 : i32
        %dma_wait3A_37 = tpu.memref_slice %arg9[%add3A_31, %dma_wait3A_36] : memref<10240x128xf32, #tpu.memory_space<vmem_shared>> -> memref<128x128xf32, #tpu.memory_space<vmem_shared>>
        tpu.wait_dma2 semaphore(%run_scoped3A : memref<!tpu.dma_semaphore, #tpu.memory_space<semaphore_mem>>) src(%arg8 : memref<128x128xf32, #tpu.memory_space<vmem>>) dst(%dma_wait3A_37 : memref<128x128xf32, #tpu.memory_space<vmem_shared>>)
        tpu.yield
      }) : () -> ()
    }
    %scan3A_12 = arith.constant 5 : i32
    %barrier3A = arith.constant 0 : index
    tpu.barrier barrier_id(%barrier3A)
    "tpu.region"() ({
      %run_scoped3A = tpu.sem_alloc : memref<!tpu.dma_semaphore, #tpu.memory_space<semaphore_mem>>
      %dma_start3A = arith.constant 0 : i32
      %dma_start3A_26 = arith.constant 0 : i32
      %dma_start3A_27 = tpu.memref_slice %arg3[%add3A, %dma_start3A, %dma_start3A_26] : memref<32x79x128xi32, #tpu.memory_space<hbm>> -> memref<1x79x128xi32, #tpu.memory_space<hbm>>
      %dma_start3A_28 = tpu.memref_squeeze %dma_start3A_27 : memref<1x79x128xi32, #tpu.memory_space<hbm>> -> memref<79x128xi32, #tpu.memory_space<hbm>>
      %dma_start3A_29 = arith.constant 0 : i32
      %dma_start3A_30 = arith.constant 0 : i32
      %dma_start3A_31 = tpu.memref_slice %arg3[%add3A, %dma_start3A_29, %dma_start3A_30] : memref<32x79x128xi32, #tpu.memory_space<hbm>> -> memref<1x79x128xi32, #tpu.memory_space<hbm>>
      %dma_start3A_32 = tpu.memref_squeeze %dma_start3A_31 : memref<1x79x128xi32, #tpu.memory_space<hbm>> -> memref<79x128xi32, #tpu.memory_space<hbm>>
      tpu.enqueue_dma source(%dma_start3A_32 : memref<79x128xi32, #tpu.memory_space<hbm>>) target(%arg6 : memref<79x128xi32, #tpu.memory_space<vmem>>) target_semaphore(%run_scoped3A : memref<!tpu.dma_semaphore, #tpu.memory_space<semaphore_mem>>)
      %dma_wait3A = arith.constant 0 : i32
      %dma_wait3A_33 = arith.constant 0 : i32
      %dma_wait3A_34 = tpu.memref_slice %arg3[%add3A, %dma_wait3A, %dma_wait3A_33] : memref<32x79x128xi32, #tpu.memory_space<hbm>> -> memref<1x79x128xi32, #tpu.memory_space<hbm>>
      %dma_wait3A_35 = tpu.memref_squeeze %dma_wait3A_34 : memref<1x79x128xi32, #tpu.memory_space<hbm>> -> memref<79x128xi32, #tpu.memory_space<hbm>>
      %dma_wait3A_36 = arith.constant 0 : i32
      %dma_wait3A_37 = arith.constant 0 : i32
      %dma_wait3A_38 = tpu.memref_slice %arg3[%add3A, %dma_wait3A_36, %dma_wait3A_37] : memref<32x79x128xi32, #tpu.memory_space<hbm>> -> memref<1x79x128xi32, #tpu.memory_space<hbm>>
      %dma_wait3A_39 = tpu.memref_squeeze %dma_wait3A_38 : memref<1x79x128xi32, #tpu.memory_space<hbm>> -> memref<79x128xi32, #tpu.memory_space<hbm>>
      tpu.wait_dma2 semaphore(%run_scoped3A : memref<!tpu.dma_semaphore, #tpu.memory_space<semaphore_mem>>) src(%dma_wait3A_39 : memref<79x128xi32, #tpu.memory_space<hbm>>) dst(%arg6 : memref<79x128xi32, #tpu.memory_space<vmem>>)
      tpu.yield
    }) : () -> ()
    "tpu.region"() ({
      %run_scoped3A = tpu.sem_alloc : memref<!tpu.dma_semaphore, #tpu.memory_space<semaphore_mem>>
      %dma_start3A = arith.constant 0 : i32
      %dma_start3A_26 = arith.constant 0 : i32
      %dma_start3A_27 = tpu.memref_slice %arg4[%add3A, %dma_start3A, %dma_start3A_26] : memref<32x79x128xi32, #tpu.memory_space<hbm>> -> memref<1x79x128xi32, #tpu.memory_space<hbm>>
      %dma_start3A_28 = tpu.memref_squeeze %dma_start3A_27 : memref<1x79x128xi32, #tpu.memory_space<hbm>> -> memref<79x128xi32, #tpu.memory_space<hbm>>
      %dma_start3A_29 = arith.constant 0 : i32
      %dma_start3A_30 = arith.constant 0 : i32
      %dma_start3A_31 = tpu.memref_slice %arg4[%add3A, %dma_start3A_29, %dma_start3A_30] : memref<32x79x128xi32, #tpu.memory_space<hbm>> -> memref<1x79x128xi32, #tpu.memory_space<hbm>>
      %dma_start3A_32 = tpu.memref_squeeze %dma_start3A_31 : memref<1x79x128xi32, #tpu.memory_space<hbm>> -> memref<79x128xi32, #tpu.memory_space<hbm>>
      tpu.enqueue_dma source(%dma_start3A_32 : memref<79x128xi32, #tpu.memory_space<hbm>>) target(%arg7 : memref<79x128xi32, #tpu.memory_space<vmem>>) target_semaphore(%run_scoped3A : memref<!tpu.dma_semaphore, #tpu.memory_space<semaphore_mem>>)
      %dma_wait3A = arith.constant 0 : i32
      %dma_wait3A_33 = arith.constant 0 : i32
      %dma_wait3A_34 = tpu.memref_slice %arg4[%add3A, %dma_wait3A, %dma_wait3A_33] : memref<32x79x128xi32, #tpu.memory_space<hbm>> -> memref<1x79x128xi32, #tpu.memory_space<hbm>>
      %dma_wait3A_35 = tpu.memref_squeeze %dma_wait3A_34 : memref<1x79x128xi32, #tpu.memory_space<hbm>> -> memref<79x128xi32, #tpu.memory_space<hbm>>
      %dma_wait3A_36 = arith.constant 0 : i32
      %dma_wait3A_37 = arith.constant 0 : i32
      %dma_wait3A_38 = tpu.memref_slice %arg4[%add3A, %dma_wait3A_36, %dma_wait3A_37] : memref<32x79x128xi32, #tpu.memory_space<hbm>> -> memref<1x79x128xi32, #tpu.memory_space<hbm>>
      %dma_wait3A_39 = tpu.memref_squeeze %dma_wait3A_38 : memref<1x79x128xi32, #tpu.memory_space<hbm>> -> memref<79x128xi32, #tpu.memory_space<hbm>>
      tpu.wait_dma2 semaphore(%run_scoped3A : memref<!tpu.dma_semaphore, #tpu.memory_space<semaphore_mem>>) src(%dma_wait3A_39 : memref<79x128xi32, #tpu.memory_space<hbm>>) dst(%arg7 : memref<79x128xi32, #tpu.memory_space<vmem>>)
      tpu.yield
    }) : () -> ()
    %scan3A_13 = arith.constant 0 : i32
    %scan3A_14 = arith.constant 0 : i32
    %scan3A_15 = arith.constant 79 : i32
    %scan3A_16 = arith.addi %scan3A_14, %scan3A_15 : i32
    %scan3A_17 = arith.constant 1 : i32
    scf.for %scan3A_26 = %scan3A_14 to %scan3A_16 step %scan3A_17  : i32 {
      %dma_start3A = arith.constant 0 : i32
      %dma_start3A_27 = tpu.memref_slice %arg6[%scan3A_26, %dma_start3A] : memref<79x128xi32, #tpu.memory_space<vmem>> -> memref<1x128xi32, #tpu.memory_space<vmem>>
      %dma_start3A_28 = tpu.memref_squeeze %dma_start3A_27 : memref<1x128xi32, #tpu.memory_space<vmem>> -> memref<128xi32, #tpu.memory_space<vmem>>
      %dma_start3A_29 = arith.constant 0 : i32
      %dma_start3A_30 = arith.constant 0 : i32
      %dma_start3A_31 = tpu.memref_slice %arg2[%dma_start3A_29, %dma_start3A_30] : memref<30000x128xf32, #tpu.memory_space<hbm>> -> memref<30000x128xf32, #tpu.memory_space<hbm>>
      tpu.enqueue_indirect_dma source(%dma_start3A_31 : memref<30000x128xf32, #tpu.memory_space<hbm>>) target(%arg8 : memref<128x128xf32, #tpu.memory_space<vmem>>) offsets(%dma_start3A_28 : memref<128xi32, #tpu.memory_space<vmem>>) semaphore(%arg10 : memref<!tpu.dma_semaphore, #tpu.memory_space<semaphore_mem>>)
      %dma_wait3A = arith.constant 0 : i32
      %dma_wait3A_32 = tpu.memref_slice %arg6[%scan3A_26, %dma_wait3A] : memref<79x128xi32, #tpu.memory_space<vmem>> -> memref<1x128xi32, #tpu.memory_space<vmem>>
      %dma_wait3A_33 = tpu.memref_squeeze %dma_wait3A_32 : memref<1x128xi32, #tpu.memory_space<vmem>> -> memref<128xi32, #tpu.memory_space<vmem>>
      %dma_wait3A_34 = arith.constant 0 : i32
      %dma_wait3A_35 = arith.constant 0 : i32
      %dma_wait3A_36 = tpu.memref_slice %arg2[%dma_wait3A_34, %dma_wait3A_35] : memref<30000x128xf32, #tpu.memory_space<hbm>> -> memref<30000x128xf32, #tpu.memory_space<hbm>>
      tpu.wait_indirect_dma semaphore(%arg10 : memref<!tpu.dma_semaphore, #tpu.memory_space<semaphore_mem>>) src(%dma_wait3A_36 : memref<30000x128xf32, #tpu.memory_space<hbm>>) dst(%arg8 : memref<128x128xf32, #tpu.memory_space<vmem>>)
      "tpu.region"() ({
        %run_scoped3A = tpu.sem_alloc : memref<!tpu.dma_semaphore, #tpu.memory_space<semaphore_mem>>
        %dma_start3A_37 = arith.constant 0 : i32
        %dma_start3A_38 = tpu.memref_slice %arg7[%scan3A_26, %dma_start3A_37] : memref<79x128xi32, #tpu.memory_space<vmem>> -> memref<1x128xi32, #tpu.memory_space<vmem>>
        %dma_start3A_39 = tpu.memref_squeeze %dma_start3A_38 : memref<1x128xi32, #tpu.memory_space<vmem>> -> memref<128xi32, #tpu.memory_space<vmem>>
        %dma_start3A_40 = arith.constant 0 : i32
        %dma_start3A_41 = arith.constant 0 : i32
        %dma_start3A_42 = tpu.memref_slice %arg9[%dma_start3A_40, %dma_start3A_41] : memref<10240x128xf32, #tpu.memory_space<vmem_shared>> -> memref<10240x128xf32, #tpu.memory_space<vmem_shared>>
        tpu.enqueue_indirect_dma source(%arg8 : memref<128x128xf32, #tpu.memory_space<vmem>>) target(%dma_start3A_42 : memref<10240x128xf32, #tpu.memory_space<vmem_shared>>) offsets(%dma_start3A_39 : memref<128xi32, #tpu.memory_space<vmem>>) semaphore(%run_scoped3A : memref<!tpu.dma_semaphore, #tpu.memory_space<semaphore_mem>>) {add = true}
        %dma_wait3A_43 = arith.constant 0 : i32
        %dma_wait3A_44 = tpu.memref_slice %arg7[%scan3A_26, %dma_wait3A_43] : memref<79x128xi32, #tpu.memory_space<vmem>> -> memref<1x128xi32, #tpu.memory_space<vmem>>
        %dma_wait3A_45 = tpu.memref_squeeze %dma_wait3A_44 : memref<1x128xi32, #tpu.memory_space<vmem>> -> memref<128xi32, #tpu.memory_space<vmem>>
        %dma_wait3A_46 = arith.constant 0 : i32
        %dma_wait3A_47 = arith.constant 0 : i32
        %dma_wait3A_48 = tpu.memref_slice %arg9[%dma_wait3A_46, %dma_wait3A_47] : memref<10240x128xf32, #tpu.memory_space<vmem_shared>> -> memref<10240x128xf32, #tpu.memory_space<vmem_shared>>
        tpu.wait_indirect_dma semaphore(%run_scoped3A : memref<!tpu.dma_semaphore, #tpu.memory_space<semaphore_mem>>) src(%arg8 : memref<128x128xf32, #tpu.memory_space<vmem>>) dst(%dma_wait3A_48 : memref<10240x128xf32, #tpu.memory_space<vmem_shared>>)
        tpu.yield
      }) : () -> ()
    }
    %scan3A_18 = arith.constant 79 : i32
    %barrier3A_19 = arith.constant 0 : index
    tpu.barrier barrier_id(%barrier3A_19)
    %scan3A_20 = arith.constant 0 : i32
    %scan3A_21 = arith.constant 0 : i32
    %scan3A_22 = arith.constant 5 : i32
    %scan3A_23 = arith.addi %scan3A_21, %scan3A_22 : i32
    %scan3A_24 = arith.constant 1 : i32
    scf.for %scan3A_26 = %scan3A_21 to %scan3A_23 step %scan3A_24  : i32 {
      %mul3A_27 = arith.constant 640 : i32
      %mul3A_28 = arith.muli %arg1, %mul3A_27 : i32
      %mul3A_29 = arith.constant 128 : i32
      %mul3A_30 = arith.muli %scan3A_26, %mul3A_29 : i32
      %add3A_31 = arith.addi %mul3A_28, %mul3A_30 : i32
      "tpu.region"() ({
        %run_scoped3A = tpu.sem_alloc : memref<!tpu.dma_semaphore, #tpu.memory_space<semaphore_mem>>
        %dma_start3A = arith.constant 0 : i32
        %dma_start3A_32 = tpu.memref_slice %arg9[%add3A_31, %dma_start3A] : memref<10240x128xf32, #tpu.memory_space<vmem_shared>> -> memref<128x128xf32, #tpu.memory_space<vmem_shared>>
        %dma_start3A_33 = arith.constant 0 : i32
        %dma_start3A_34 = tpu.memref_slice %arg9[%add3A_31, %dma_start3A_33] : memref<10240x128xf32, #tpu.memory_space<vmem_shared>> -> memref<128x128xf32, #tpu.memory_space<vmem_shared>>
        tpu.enqueue_dma source(%dma_start3A_34 : memref<128x128xf32, #tpu.memory_space<vmem_shared>>) target(%arg8 : memref<128x128xf32, #tpu.memory_space<vmem>>) target_semaphore(%run_scoped3A : memref<!tpu.dma_semaphore, #tpu.memory_space<semaphore_mem>>)
        %dma_wait3A = arith.constant 0 : i32
        %dma_wait3A_35 = tpu.memref_slice %arg9[%add3A_31, %dma_wait3A] : memref<10240x128xf32, #tpu.memory_space<vmem_shared>> -> memref<128x128xf32, #tpu.memory_space<vmem_shared>>
        %dma_wait3A_36 = arith.constant 0 : i32
        %dma_wait3A_37 = tpu.memref_slice %arg9[%add3A_31, %dma_wait3A_36] : memref<10240x128xf32, #tpu.memory_space<vmem_shared>> -> memref<128x128xf32, #tpu.memory_space<vmem_shared>>
        tpu.wait_dma2 semaphore(%run_scoped3A : memref<!tpu.dma_semaphore, #tpu.memory_space<semaphore_mem>>) src(%dma_wait3A_37 : memref<128x128xf32, #tpu.memory_space<vmem_shared>>) dst(%arg8 : memref<128x128xf32, #tpu.memory_space<vmem>>)
        tpu.yield
      }) : () -> ()
      "tpu.region"() ({
        %run_scoped3A = tpu.sem_alloc : memref<!tpu.dma_semaphore, #tpu.memory_space<semaphore_mem>>
        %dma_start3A = arith.constant 0 : i32
        %dma_start3A_32 = tpu.memref_slice %arg5[%arg0, %add3A_31, %dma_start3A] : memref<2x10240x128xf32, #tpu.memory_space<hbm>> -> memref<1x128x128xf32, #tpu.memory_space<hbm>>
        %dma_start3A_33 = tpu.memref_squeeze %dma_start3A_32 : memref<1x128x128xf32, #tpu.memory_space<hbm>> -> memref<128x128xf32, #tpu.memory_space<hbm>>
        %dma_start3A_34 = arith.constant 0 : i32
        %dma_start3A_35 = tpu.memref_slice %arg5[%arg0, %add3A_31, %dma_start3A_34] : memref<2x10240x128xf32, #tpu.memory_space<hbm>> -> memref<1x128x128xf32, #tpu.memory_space<hbm>>
        %dma_start3A_36 = tpu.memref_squeeze %dma_start3A_35 : memref<1x128x128xf32, #tpu.memory_space<hbm>> -> memref<128x128xf32, #tpu.memory_space<hbm>>
        tpu.enqueue_dma source(%arg8 : memref<128x128xf32, #tpu.memory_space<vmem>>) target(%dma_start3A_36 : memref<128x128xf32, #tpu.memory_space<hbm>>) target_semaphore(%run_scoped3A : memref<!tpu.dma_semaphore, #tpu.memory_space<semaphore_mem>>)
        %dma_wait3A = arith.constant 0 : i32
        %dma_wait3A_37 = tpu.memref_slice %arg5[%arg0, %add3A_31, %dma_wait3A] : memref<2x10240x128xf32, #tpu.memory_space<hbm>> -> memref<1x128x128xf32, #tpu.memory_space<hbm>>
        %dma_wait3A_38 = tpu.memref_squeeze %dma_wait3A_37 : memref<1x128x128xf32, #tpu.memory_space<hbm>> -> memref<128x128xf32, #tpu.memory_space<hbm>>
        %dma_wait3A_39 = arith.constant 0 : i32
        %dma_wait3A_40 = tpu.memref_slice %arg5[%arg0, %add3A_31, %dma_wait3A_39] : memref<2x10240x128xf32, #tpu.memory_space<hbm>> -> memref<1x128x128xf32, #tpu.memory_space<hbm>>
        %dma_wait3A_41 = tpu.memref_squeeze %dma_wait3A_40 : memref<1x128x128xf32, #tpu.memory_space<hbm>> -> memref<128x128xf32, #tpu.memory_space<hbm>>
        tpu.wait_dma2 semaphore(%run_scoped3A : memref<!tpu.dma_semaphore, #tpu.memory_space<semaphore_mem>>) src(%arg8 : memref<128x128xf32, #tpu.memory_space<vmem>>) dst(%dma_wait3A_41 : memref<128x128xf32, #tpu.memory_space<hbm>>)
        tpu.yield
      }) : () -> ()
    }
    %scan3A_25 = arith.constant 5 : i32
    return
  }
}

#map = affine_map<(d0, d1) -> (0, 0)>
#map1 = affine_map<(d0, d1) -> (0, 0, 0)>
module attributes {stable_mosaic.version = 14 : i64} {
  func.func @sc_kernel(%arg0: i32, %arg1: i32, %arg2: memref<30000x128xf32, #tpu.memory_space<hbm>>, %arg3: memref<32x79x128xi32, #tpu.memory_space<hbm>>, %arg4: memref<32x79x128xi32, #tpu.memory_space<hbm>>, %arg5: memref<2x10240x128xf32, #tpu.memory_space<hbm>>, %arg6: memref<79x128xi32, #tpu.memory_space<vmem>>, %arg7: memref<79x128xi32, #tpu.memory_space<vmem>>, %arg8: memref<128x128xf32, #tpu.memory_space<vmem>>, %arg9: memref<10240x128xf32, #tpu.memory_space<vmem_shared>>, %arg10: memref<!tpu.dma_semaphore, #tpu.memory_space<semaphore_mem>>) attributes {dimension_semantics = [#tpu.dimension_semantics<core_parallel>, #tpu.dimension_semantics<subcore_parallel>], iteration_bounds = array<i64: 2, 16>, scalar_prefetch = 0 : i64, scratch_operands = 5 : i64, tpu.core_type = #tpu.core_type<sc_vector_subcore>, window_params = [{transform_indices = #map}, {transform_indices = #map1}, {transform_indices = #map1}, {transform_indices = #map1}]} {
    %mul3A = arith.constant 16 : i32
    %mul3A_0 = arith.muli %arg0, %mul3A : i32
    %add3A = arith.addi %mul3A_0, %arg1 : i32
    %broadcast_in_dim3A = arith.constant 0.000000e+00 : f32
    %broadcast_in_dim3A_1 = vector.broadcast %broadcast_in_dim3A : f32 to vector<16xf32>
    %scan3A = arith.constant 0 : i32
    %scan3A_2 = arith.constant 0 : i32
    %scan3A_3 = arith.constant 128 : i32
    %scan3A_4 = arith.addi %scan3A_2, %scan3A_3 : i32
    %scan3A_5 = arith.constant 1 : i32
    scf.for %scan3A_26 = %scan3A_2 to %scan3A_4 step %scan3A_5  : i32 {
      %swap3A = arith.index_cast %scan3A_26 : i32 to index
      %swap3A_27 = arith.constant 0 : index
      %swap3A_28 = tpu.vector_load %arg8[%swap3A, %swap3A_27] {strides = array<i32>} : memref<128x128xf32, #tpu.memory_space<vmem>>, vector<1x16xf32>,
      %swap3A_29 = vector.shape_cast %swap3A_28 : vector<1x16xf32> to vector<16xf32>
      %swap3A_30 = vector.shape_cast %broadcast_in_dim3A_1 : vector<16xf32> to vector<1x16xf32>
      tpu.vector_store %arg8[%swap3A, %swap3A_27], %swap3A_30 {strides = array<i32>} : memref<128x128xf32, #tpu.memory_space<vmem>>, vector<1x16xf32>,
      %swap3A_31 = arith.index_cast %scan3A_26 : i32 to index
      %swap3A_32 = arith.constant 16 : index
      %swap3A_33 = tpu.vector_load %arg8[%swap3A_31, %swap3A_32] {strides = array<i32>} : memref<128x128xf32, #tpu.memory_space<vmem>>, vector<1x16xf32>,
      %swap3A_34 = vector.shape_cast %swap3A_33 : vector<1x16xf32> to vector<16xf32>
      %swap3A_35 = vector.shape_cast %broadcast_in_dim3A_1 : vector<16xf32> to vector<1x16xf32>
      tpu.vector_store %arg8[%swap3A_31, %swap3A_32], %swap3A_35 {strides = array<i32>} : memref<128x128xf32, #tpu.memory_space<vmem>>, vector<1x16xf32>,
      %swap3A_36 = arith.index_cast %scan3A_26 : i32 to index
      %swap3A_37 = arith.constant 32 : index
      %swap3A_38 = tpu.vector_load %arg8[%swap3A_36, %swap3A_37] {strides = array<i32>} : memref<128x128xf32, #tpu.memory_space<vmem>>, vector<1x16xf32>,
      %swap3A_39 = vector.shape_cast %swap3A_38 : vector<1x16xf32> to vector<16xf32>
      %swap3A_40 = vector.shape_cast %broadcast_in_dim3A_1 : vector<16xf32> to vector<1x16xf32>
      tpu.vector_store %arg8[%swap3A_36, %swap3A_37], %swap3A_40 {strides = array<i32>} : memref<128x128xf32, #tpu.memory_space<vmem>>, vector<1x16xf32>,
      %swap3A_41 = arith.index_cast %scan3A_26 : i32 to index
      %swap3A_42 = arith.constant 48 : index
      %swap3A_43 = tpu.vector_load %arg8[%swap3A_41, %swap3A_42] {strides = array<i32>} : memref<128x128xf32, #tpu.memory_space<vmem>>, vector<1x16xf32>,
      %swap3A_44 = vector.shape_cast %swap3A_43 : vector<1x16xf32> to vector<16xf32>
      %swap3A_45 = vector.shape_cast %broadcast_in_dim3A_1 : vector<16xf32> to vector<1x16xf32>
      tpu.vector_store %arg8[%swap3A_41, %swap3A_42], %swap3A_45 {strides = array<i32>} : memref<128x128xf32, #tpu.memory_space<vmem>>, vector<1x16xf32>,
      %swap3A_46 = arith.index_cast %scan3A_26 : i32 to index
      %swap3A_47 = arith.constant 64 : index
      %swap3A_48 = tpu.vector_load %arg8[%swap3A_46, %swap3A_47] {strides = array<i32>} : memref<128x128xf32, #tpu.memory_space<vmem>>, vector<1x16xf32>,
      %swap3A_49 = vector.shape_cast %swap3A_48 : vector<1x16xf32> to vector<16xf32>
      %swap3A_50 = vector.shape_cast %broadcast_in_dim3A_1 : vector<16xf32> to vector<1x16xf32>
      tpu.vector_store %arg8[%swap3A_46, %swap3A_47], %swap3A_50 {strides = array<i32>} : memref<128x128xf32, #tpu.memory_space<vmem>>, vector<1x16xf32>,
      %swap3A_51 = arith.index_cast %scan3A_26 : i32 to index
      %swap3A_52 = arith.constant 80 : index
      %swap3A_53 = tpu.vector_load %arg8[%swap3A_51, %swap3A_52] {strides = array<i32>} : memref<128x128xf32, #tpu.memory_space<vmem>>, vector<1x16xf32>,
      %swap3A_54 = vector.shape_cast %swap3A_53 : vector<1x16xf32> to vector<16xf32>
      %swap3A_55 = vector.shape_cast %broadcast_in_dim3A_1 : vector<16xf32> to vector<1x16xf32>
      tpu.vector_store %arg8[%swap3A_51, %swap3A_52], %swap3A_55 {strides = array<i32>} : memref<128x128xf32, #tpu.memory_space<vmem>>, vector<1x16xf32>,
      %swap3A_56 = arith.index_cast %scan3A_26 : i32 to index
      %swap3A_57 = arith.constant 96 : index
      %swap3A_58 = tpu.vector_load %arg8[%swap3A_56, %swap3A_57] {strides = array<i32>} : memref<128x128xf32, #tpu.memory_space<vmem>>, vector<1x16xf32>,
      %swap3A_59 = vector.shape_cast %swap3A_58 : vector<1x16xf32> to vector<16xf32>
      %swap3A_60 = vector.shape_cast %broadcast_in_dim3A_1 : vector<16xf32> to vector<1x16xf32>
      tpu.vector_store %arg8[%swap3A_56, %swap3A_57], %swap3A_60 {strides = array<i32>} : memref<128x128xf32, #tpu.memory_space<vmem>>, vector<1x16xf32>,
      %swap3A_61 = arith.index_cast %scan3A_26 : i32 to index
      %swap3A_62 = arith.constant 112 : index
      %swap3A_63 = tpu.vector_load %arg8[%swap3A_61, %swap3A_62] {strides = array<i32>} : memref<128x128xf32, #tpu.memory_space<vmem>>, vector<1x16xf32>,
      %swap3A_64 = vector.shape_cast %swap3A_63 : vector<1x16xf32> to vector<16xf32>
      %swap3A_65 = vector.shape_cast %broadcast_in_dim3A_1 : vector<16xf32> to vector<1x16xf32>
      tpu.vector_store %arg8[%swap3A_61, %swap3A_62], %swap3A_65 {strides = array<i32>} : memref<128x128xf32, #tpu.memory_space<vmem>>, vector<1x16xf32>,
    }
    %scan3A_6 = arith.constant 128 : i32
    %scan3A_7 = arith.constant 0 : i32
    %scan3A_8 = arith.constant 0 : i32
    %scan3A_9 = arith.constant 5 : i32
    %scan3A_10 = arith.addi %scan3A_8, %scan3A_9 : i32
    %scan3A_11 = arith.constant 1 : i32
    scf.for %scan3A_26 = %scan3A_8 to %scan3A_10 step %scan3A_11  : i32 {
      %mul3A_27 = arith.constant 640 : i32
      %mul3A_28 = arith.muli %arg1, %mul3A_27 : i32
      %mul3A_29 = arith.constant 128 : i32
      %mul3A_30 = arith.muli %scan3A_26, %mul3A_29 : i32
      %add3A_31 = arith.addi %mul3A_28, %mul3A_30 : i32
      "tpu.region"() ({
        %run_scoped3A = tpu.sem_alloc : memref<!tpu.dma_semaphore, #tpu.memory_space<semaphore_mem>>
        %dma_start3A = arith.constant 0 : i32
        %dma_start3A_32 = tpu.memref_slice %arg9[%add3A_31, %dma_start3A] : memref<10240x128xf32, #tpu.memory_space<vmem_shared>> -> memref<128x128xf32, #tpu.memory_space<vmem_shared>>
        %dma_start3A_33 = arith.constant 0 : i32
        %dma_start3A_34 = tpu.memref_slice %arg9[%add3A_31, %dma_start3A_33] : memref<10240x128xf32, #tpu.memory_space<vmem_shared>> -> memref<128x128xf32, #tpu.memory_space<vmem_shared>>
        tpu.enqueue_dma source(%arg8 : memref<128x128xf32, #tpu.memory_space<vmem>>) target(%dma_start3A_34 : memref<128x128xf32, #tpu.memory_space<vmem_shared>>) target_semaphore(%run_scoped3A : memref<!tpu.dma_semaphore, #tpu.memory_space<semaphore_mem>>)
        %dma_wait3A = arith.constant 0 : i32
        %dma_wait3A_35 = tpu.memref_slice %arg9[%add3A_31, %dma_wait3A] : memref<10240x128xf32, #tpu.memory_space<vmem_shared>> -> memref<128x128xf32, #tpu.memory_space<vmem_shared>>
        %dma_wait3A_36 = arith.constant 0 : i32
        %dma_wait3A_37 = tpu.memref_slice %arg9[%add3A_31, %dma_wait3A_36] : memref<10240x128xf32, #tpu.memory_space<vmem_shared>> -> memref<128x128xf32, #tpu.memory_space<vmem_shared>>
        tpu.wait_dma2 semaphore(%run_scoped3A : memref<!tpu.dma_semaphore, #tpu.memory_space<semaphore_mem>>) src(%arg8 : memref<128x128xf32, #tpu.memory_space<vmem>>) dst(%dma_wait3A_37 : memref<128x128xf32, #tpu.memory_space<vmem_shared>>)
        tpu.yield
      }) : () -> ()
    }
    %scan3A_12 = arith.constant 5 : i32
    %barrier3A = arith.constant 0 : index
    tpu.barrier barrier_id(%barrier3A)
    "tpu.region"() ({
      %run_scoped3A = tpu.sem_alloc : memref<!tpu.dma_semaphore, #tpu.memory_space<semaphore_mem>>
      %dma_start3A = arith.constant 0 : i32
      %dma_start3A_26 = arith.constant 0 : i32
      %dma_start3A_27 = tpu.memref_slice %arg3[%add3A, %dma_start3A, %dma_start3A_26] : memref<32x79x128xi32, #tpu.memory_space<hbm>> -> memref<1x79x128xi32, #tpu.memory_space<hbm>>
      %dma_start3A_28 = tpu.memref_squeeze %dma_start3A_27 : memref<1x79x128xi32, #tpu.memory_space<hbm>> -> memref<79x128xi32, #tpu.memory_space<hbm>>
      %dma_start3A_29 = arith.constant 0 : i32
      %dma_start3A_30 = arith.constant 0 : i32
      %dma_start3A_31 = tpu.memref_slice %arg3[%add3A, %dma_start3A_29, %dma_start3A_30] : memref<32x79x128xi32, #tpu.memory_space<hbm>> -> memref<1x79x128xi32, #tpu.memory_space<hbm>>
      %dma_start3A_32 = tpu.memref_squeeze %dma_start3A_31 : memref<1x79x128xi32, #tpu.memory_space<hbm>> -> memref<79x128xi32, #tpu.memory_space<hbm>>
      tpu.enqueue_dma source(%dma_start3A_32 : memref<79x128xi32, #tpu.memory_space<hbm>>) target(%arg6 : memref<79x128xi32, #tpu.memory_space<vmem>>) target_semaphore(%run_scoped3A : memref<!tpu.dma_semaphore, #tpu.memory_space<semaphore_mem>>)
      %dma_wait3A = arith.constant 0 : i32
      %dma_wait3A_33 = arith.constant 0 : i32
      %dma_wait3A_34 = tpu.memref_slice %arg3[%add3A, %dma_wait3A, %dma_wait3A_33] : memref<32x79x128xi32, #tpu.memory_space<hbm>> -> memref<1x79x128xi32, #tpu.memory_space<hbm>>
      %dma_wait3A_35 = tpu.memref_squeeze %dma_wait3A_34 : memref<1x79x128xi32, #tpu.memory_space<hbm>> -> memref<79x128xi32, #tpu.memory_space<hbm>>
      %dma_wait3A_36 = arith.constant 0 : i32
      %dma_wait3A_37 = arith.constant 0 : i32
      %dma_wait3A_38 = tpu.memref_slice %arg3[%add3A, %dma_wait3A_36, %dma_wait3A_37] : memref<32x79x128xi32, #tpu.memory_space<hbm>> -> memref<1x79x128xi32, #tpu.memory_space<hbm>>
      %dma_wait3A_39 = tpu.memref_squeeze %dma_wait3A_38 : memref<1x79x128xi32, #tpu.memory_space<hbm>> -> memref<79x128xi32, #tpu.memory_space<hbm>>
      tpu.wait_dma2 semaphore(%run_scoped3A : memref<!tpu.dma_semaphore, #tpu.memory_space<semaphore_mem>>) src(%dma_wait3A_39 : memref<79x128xi32, #tpu.memory_space<hbm>>) dst(%arg6 : memref<79x128xi32, #tpu.memory_space<vmem>>)
      tpu.yield
    }) : () -> ()
    "tpu.region"() ({
      %run_scoped3A = tpu.sem_alloc : memref<!tpu.dma_semaphore, #tpu.memory_space<semaphore_mem>>
      %dma_start3A = arith.constant 0 : i32
      %dma_start3A_26 = arith.constant 0 : i32
      %dma_start3A_27 = tpu.memref_slice %arg4[%add3A, %dma_start3A, %dma_start3A_26] : memref<32x79x128xi32, #tpu.memory_space<hbm>> -> memref<1x79x128xi32, #tpu.memory_space<hbm>>
      %dma_start3A_28 = tpu.memref_squeeze %dma_start3A_27 : memref<1x79x128xi32, #tpu.memory_space<hbm>> -> memref<79x128xi32, #tpu.memory_space<hbm>>
      %dma_start3A_29 = arith.constant 0 : i32
      %dma_start3A_30 = arith.constant 0 : i32
      %dma_start3A_31 = tpu.memref_slice %arg4[%add3A, %dma_start3A_29, %dma_start3A_30] : memref<32x79x128xi32, #tpu.memory_space<hbm>> -> memref<1x79x128xi32, #tpu.memory_space<hbm>>
      %dma_start3A_32 = tpu.memref_squeeze %dma_start3A_31 : memref<1x79x128xi32, #tpu.memory_space<hbm>> -> memref<79x128xi32, #tpu.memory_space<hbm>>
      tpu.enqueue_dma source(%dma_start3A_32 : memref<79x128xi32, #tpu.memory_space<hbm>>) target(%arg7 : memref<79x128xi32, #tpu.memory_space<vmem>>) target_semaphore(%run_scoped3A : memref<!tpu.dma_semaphore, #tpu.memory_space<semaphore_mem>>)
      %dma_wait3A = arith.constant 0 : i32
      %dma_wait3A_33 = arith.constant 0 : i32
      %dma_wait3A_34 = tpu.memref_slice %arg4[%add3A, %dma_wait3A, %dma_wait3A_33] : memref<32x79x128xi32, #tpu.memory_space<hbm>> -> memref<1x79x128xi32, #tpu.memory_space<hbm>>
      %dma_wait3A_35 = tpu.memref_squeeze %dma_wait3A_34 : memref<1x79x128xi32, #tpu.memory_space<hbm>> -> memref<79x128xi32, #tpu.memory_space<hbm>>
      %dma_wait3A_36 = arith.constant 0 : i32
      %dma_wait3A_37 = arith.constant 0 : i32
      %dma_wait3A_38 = tpu.memref_slice %arg4[%add3A, %dma_wait3A_36, %dma_wait3A_37] : memref<32x79x128xi32, #tpu.memory_space<hbm>> -> memref<1x79x128xi32, #tpu.memory_space<hbm>>
      %dma_wait3A_39 = tpu.memref_squeeze %dma_wait3A_38 : memref<1x79x128xi32, #tpu.memory_space<hbm>> -> memref<79x128xi32, #tpu.memory_space<hbm>>
      tpu.wait_dma2 semaphore(%run_scoped3A : memref<!tpu.dma_semaphore, #tpu.memory_space<semaphore_mem>>) src(%dma_wait3A_39 : memref<79x128xi32, #tpu.memory_space<hbm>>) dst(%arg7 : memref<79x128xi32, #tpu.memory_space<vmem>>)
      tpu.yield
    }) : () -> ()
    %scan3A_13 = arith.constant 0 : i32
    %scan3A_14 = arith.constant 0 : i32
    %scan3A_15 = arith.constant 79 : i32
    %scan3A_16 = arith.addi %scan3A_14, %scan3A_15 : i32
    %scan3A_17 = arith.constant 1 : i32
    scf.for %scan3A_26 = %scan3A_14 to %scan3A_16 step %scan3A_17  : i32 {
      %dma_start3A = arith.constant 0 : i32
      %dma_start3A_27 = tpu.memref_slice %arg6[%scan3A_26, %dma_start3A] : memref<79x128xi32, #tpu.memory_space<vmem>> -> memref<1x128xi32, #tpu.memory_space<vmem>>
      %dma_start3A_28 = tpu.memref_squeeze %dma_start3A_27 : memref<1x128xi32, #tpu.memory_space<vmem>> -> memref<128xi32, #tpu.memory_space<vmem>>
      %dma_start3A_29 = arith.constant 0 : i32
      %dma_start3A_30 = arith.constant 0 : i32
      %dma_start3A_31 = tpu.memref_slice %arg2[%dma_start3A_29, %dma_start3A_30] : memref<30000x128xf32, #tpu.memory_space<hbm>> -> memref<30000x128xf32, #tpu.memory_space<hbm>>
      tpu.enqueue_indirect_dma source(%dma_start3A_31 : memref<30000x128xf32, #tpu.memory_space<hbm>>) target(%arg8 : memref<128x128xf32, #tpu.memory_space<vmem>>) offsets(%dma_start3A_28 : memref<128xi32, #tpu.memory_space<vmem>>) semaphore(%arg10 : memref<!tpu.dma_semaphore, #tpu.memory_space<semaphore_mem>>)
      %dma_wait3A = arith.constant 0 : i32
      %dma_wait3A_32 = tpu.memref_slice %arg6[%scan3A_26, %dma_wait3A] : memref<79x128xi32, #tpu.memory_space<vmem>> -> memref<1x128xi32, #tpu.memory_space<vmem>>
      %dma_wait3A_33 = tpu.memref_squeeze %dma_wait3A_32 : memref<1x128xi32, #tpu.memory_space<vmem>> -> memref<128xi32, #tpu.memory_space<vmem>>
      %dma_wait3A_34 = arith.constant 0 : i32
      %dma_wait3A_35 = arith.constant 0 : i32
      %dma_wait3A_36 = tpu.memref_slice %arg2[%dma_wait3A_34, %dma_wait3A_35] : memref<30000x128xf32, #tpu.memory_space<hbm>> -> memref<30000x128xf32, #tpu.memory_space<hbm>>
      tpu.wait_indirect_dma semaphore(%arg10 : memref<!tpu.dma_semaphore, #tpu.memory_space<semaphore_mem>>) src(%dma_wait3A_36 : memref<30000x128xf32, #tpu.memory_space<hbm>>) dst(%arg8 : memref<128x128xf32, #tpu.memory_space<vmem>>)
      "tpu.region"() ({
        %run_scoped3A = tpu.sem_alloc : memref<!tpu.dma_semaphore, #tpu.memory_space<semaphore_mem>>
        %dma_start3A_37 = arith.constant 0 : i32
        %dma_start3A_38 = tpu.memref_slice %arg7[%scan3A_26, %dma_start3A_37] : memref<79x128xi32, #tpu.memory_space<vmem>> -> memref<1x128xi32, #tpu.memory_space<vmem>>
        %dma_start3A_39 = tpu.memref_squeeze %dma_start3A_38 : memref<1x128xi32, #tpu.memory_space<vmem>> -> memref<128xi32, #tpu.memory_space<vmem>>
        %dma_start3A_40 = arith.constant 0 : i32
        %dma_start3A_41 = arith.constant 0 : i32
        %dma_start3A_42 = tpu.memref_slice %arg9[%dma_start3A_40, %dma_start3A_41] : memref<10240x128xf32, #tpu.memory_space<vmem_shared>> -> memref<10240x128xf32, #tpu.memory_space<vmem_shared>>
        tpu.enqueue_indirect_dma source(%arg8 : memref<128x128xf32, #tpu.memory_space<vmem>>) target(%dma_start3A_42 : memref<10240x128xf32, #tpu.memory_space<vmem_shared>>) offsets(%dma_start3A_39 : memref<128xi32, #tpu.memory_space<vmem>>) semaphore(%run_scoped3A : memref<!tpu.dma_semaphore, #tpu.memory_space<semaphore_mem>>) {add = true}
        %dma_wait3A_43 = arith.constant 0 : i32
        %dma_wait3A_44 = tpu.memref_slice %arg7[%scan3A_26, %dma_wait3A_43] : memref<79x128xi32, #tpu.memory_space<vmem>> -> memref<1x128xi32, #tpu.memory_space<vmem>>
        %dma_wait3A_45 = tpu.memref_squeeze %dma_wait3A_44 : memref<1x128xi32, #tpu.memory_space<vmem>> -> memref<128xi32, #tpu.memory_space<vmem>>
        %dma_wait3A_46 = arith.constant 0 : i32
        %dma_wait3A_47 = arith.constant 0 : i32
        %dma_wait3A_48 = tpu.memref_slice %arg9[%dma_wait3A_46, %dma_wait3A_47] : memref<10240x128xf32, #tpu.memory_space<vmem_shared>> -> memref<10240x128xf32, #tpu.memory_space<vmem_shared>>
        tpu.wait_indirect_dma semaphore(%run_scoped3A : memref<!tpu.dma_semaphore, #tpu.memory_space<semaphore_mem>>) src(%arg8 : memref<128x128xf32, #tpu.memory_space<vmem>>) dst(%dma_wait3A_48 : memref<10240x128xf32, #tpu.memory_space<vmem_shared>>)
        tpu.yield
      }) : () -> ()
    }
    %scan3A_18 = arith.constant 79 : i32
    %barrier3A_19 = arith.constant 0 : index
    tpu.barrier barrier_id(%barrier3A_19)
    %scan3A_20 = arith.constant 0 : i32
    %scan3A_21 = arith.constant 0 : i32
    %scan3A_22 = arith.constant 5 : i32
    %scan3A_23 = arith.addi %scan3A_21, %scan3A_22 : i32
    %scan3A_24 = arith.constant 1 : i32
    scf.for %scan3A_26 = %scan3A_21 to %scan3A_23 step %scan3A_24  : i32 {
      %mul3A_27 = arith.constant 640 : i32
      %mul3A_28 = arith.muli %arg1, %mul3A_27 : i32
      %mul3A_29 = arith.constant 128 : i32
      %mul3A_30 = arith.muli %scan3A_26, %mul3A_29 : i32
      %add3A_31 = arith.addi %mul3A_28, %mul3A_30 : i32
      "tpu.region"() ({
        %run_scoped3A = tpu.sem_alloc : memref<!tpu.dma_semaphore, #tpu.memory_space<semaphore_mem>>
        %dma_start3A = arith.constant 0 : i32
        %dma_start3A_32 = tpu.memref_slice %arg9[%add3A_31, %dma_start3A] : memref<10240x128xf32, #tpu.memory_space<vmem_shared>> -> memref<128x128xf32, #tpu.memory_space<vmem_shared>>
        %dma_start3A_33 = arith.constant 0 : i32
        %dma_start3A_34 = tpu.memref_slice %arg9[%add3A_31, %dma_start3A_33] : memref<10240x128xf32, #tpu.memory_space<vmem_shared>> -> memref<128x128xf32, #tpu.memory_space<vmem_shared>>
        tpu.enqueue_dma source(%dma_start3A_34 : memref<128x128xf32, #tpu.memory_space<vmem_shared>>) target(%arg8 : memref<128x128xf32, #tpu.memory_space<vmem>>) target_semaphore(%run_scoped3A : memref<!tpu.dma_semaphore, #tpu.memory_space<semaphore_mem>>)
        %dma_wait3A = arith.constant 0 : i32
        %dma_wait3A_35 = tpu.memref_slice %arg9[%add3A_31, %dma_wait3A] : memref<10240x128xf32, #tpu.memory_space<vmem_shared>> -> memref<128x128xf32, #tpu.memory_space<vmem_shared>>
        %dma_wait3A_36 = arith.constant 0 : i32
        %dma_wait3A_37 = tpu.memref_slice %arg9[%add3A_31, %dma_wait3A_36] : memref<10240x128xf32, #tpu.memory_space<vmem_shared>> -> memref<128x128xf32, #tpu.memory_space<vmem_shared>>
        tpu.wait_dma2 semaphore(%run_scoped3A : memref<!tpu.dma_semaphore, #tpu.memory_space<semaphore_mem>>) src(%dma_wait3A_37 : memref<128x128xf32, #tpu.memory_space<vmem_shared>>) dst(%arg8 : memref<128x128xf32, #tpu.memory_space<vmem>>)
        tpu.yield
      }) : () -> ()
      "tpu.region"() ({
        %run_scoped3A = tpu.sem_alloc : memref<!tpu.dma_semaphore, #tpu.memory_space<semaphore_mem>>
        %dma_start3A = arith.constant 0 : i32
        %dma_start3A_32 = tpu.memref_slice %arg5[%arg0, %add3A_31, %dma_start3A] : memref<2x10240x128xf32, #tpu.memory_space<hbm>> -> memref<1x128x128xf32, #tpu.memory_space<hbm>>
        %dma_start3A_33 = tpu.memref_squeeze %dma_start3A_32 : memref<1x128x128xf32, #tpu.memory_space<hbm>> -> memref<128x128xf32, #tpu.memory_space<hbm>>
        %dma_start3A_34 = arith.constant 0 : i32
        %dma_start3A_35 = tpu.memref_slice %arg5[%arg0, %add3A_31, %dma_start3A_34] : memref<2x10240x128xf32, #tpu.memory_space<hbm>> -> memref<1x128x128xf32, #tpu.memory_space<hbm>>
        %dma_start3A_36 = tpu.memref_squeeze %dma_start3A_35 : memref<1x128x128xf32, #tpu.memory_space<hbm>> -> memref<128x128xf32, #tpu.memory_space<hbm>>
        tpu.enqueue_dma source(%arg8 : memref<128x128xf32, #tpu.memory_space<vmem>>) target(%dma_start3A_36 : memref<128x128xf32, #tpu.memory_space<hbm>>) target_semaphore(%run_scoped3A : memref<!tpu.dma_semaphore, #tpu.memory_space<semaphore_mem>>)
        %dma_wait3A = arith.constant 0 : i32
        %dma_wait3A_37 = tpu.memref_slice %arg5[%arg0, %add3A_31, %dma_wait3A] : memref<2x10240x128xf32, #tpu.memory_space<hbm>> -> memref<1x128x128xf32, #tpu.memory_space<hbm>>
        %dma_wait3A_38 = tpu.memref_squeeze %dma_wait3A_37 : memref<1x128x128xf32, #tpu.memory_space<hbm>> -> memref<128x128xf32, #tpu.memory_space<hbm>>
        %dma_wait3A_39 = arith.constant 0 : i32
        %dma_wait3A_40 = tpu.memref_slice %arg5[%arg0, %add3A_31, %dma_wait3A_39] : memref<2x10240x128xf32, #tpu.memory_space<hbm>> -> memref<1x128x128xf32, #tpu.memory_space<hbm>>
        %dma_wait3A_41 = tpu.memref_squeeze %dma_wait3A_40 : memref<1x128x128xf32, #tpu.memory_space<hbm>> -> memref<128x128xf32, #tpu.memory_space<hbm>>
        tpu.wait_dma2 semaphore(%run_scoped3A : memref<!tpu.dma_semaphore, #tpu.memory_space<semaphore_mem>>) src(%arg8 : memref<128x128xf32, #tpu.memory_space<vmem>>) dst(%dma_wait3A_41 : memref<128x128xf32, #tpu.memory_space<hbm>>)
        tpu.yield
      }) : () -> ()
    }
    %scan3A_25 = arith.constant 5 : i32
    return
  }
}

#map = affine_map<(d0, d1) -> (0, 0)>
#map1 = affine_map<(d0, d1) -> (0, 0, 0)>
module attributes {stable_mosaic.version = 14 : i64} {
  func.func @sc_kernel(%arg0: i32, %arg1: i32, %arg2: memref<30000x128xf32, #tpu.memory_space<hbm>>, %arg3: memref<32x79x128xi32, #tpu.memory_space<hbm>>, %arg4: memref<32x79x128xi32, #tpu.memory_space<hbm>>, %arg5: memref<2x10240x128xf32, #tpu.memory_space<hbm>>, %arg6: memref<79x128xi32, #tpu.memory_space<vmem>>, %arg7: memref<79x128xi32, #tpu.memory_space<vmem>>, %arg8: memref<128x128xf32, #tpu.memory_space<vmem>>, %arg9: memref<10240x128xf32, #tpu.memory_space<vmem_shared>>, %arg10: memref<!tpu.dma_semaphore, #tpu.memory_space<semaphore_mem>>) attributes {dimension_semantics = [#tpu.dimension_semantics<core_parallel>, #tpu.dimension_semantics<subcore_parallel>], iteration_bounds = array<i64: 2, 16>, scalar_prefetch = 0 : i64, scratch_operands = 5 : i64, tpu.core_type = #tpu.core_type<sc_vector_subcore>, window_params = [{transform_indices = #map}, {transform_indices = #map1}, {transform_indices = #map1}, {transform_indices = #map1}]} {
    %mul3A = arith.constant 16 : i32
    %mul3A_0 = arith.muli %arg0, %mul3A : i32
    %add3A = arith.addi %mul3A_0, %arg1 : i32
    %broadcast_in_dim3A = arith.constant 0.000000e+00 : f32
    %broadcast_in_dim3A_1 = vector.broadcast %broadcast_in_dim3A : f32 to vector<16xf32>
    %scan3A = arith.constant 0 : i32
    %scan3A_2 = arith.constant 0 : i32
    %scan3A_3 = arith.constant 128 : i32
    %scan3A_4 = arith.addi %scan3A_2, %scan3A_3 : i32
    %scan3A_5 = arith.constant 1 : i32
    scf.for %scan3A_26 = %scan3A_2 to %scan3A_4 step %scan3A_5  : i32 {
      %swap3A = arith.index_cast %scan3A_26 : i32 to index
      %swap3A_27 = arith.constant 0 : index
      %swap3A_28 = tpu.vector_load %arg8[%swap3A, %swap3A_27] {strides = array<i32>} : memref<128x128xf32, #tpu.memory_space<vmem>>, vector<1x16xf32>,
      %swap3A_29 = vector.shape_cast %swap3A_28 : vector<1x16xf32> to vector<16xf32>
      %swap3A_30 = vector.shape_cast %broadcast_in_dim3A_1 : vector<16xf32> to vector<1x16xf32>
      tpu.vector_store %arg8[%swap3A, %swap3A_27], %swap3A_30 {strides = array<i32>} : memref<128x128xf32, #tpu.memory_space<vmem>>, vector<1x16xf32>,
      %swap3A_31 = arith.index_cast %scan3A_26 : i32 to index
      %swap3A_32 = arith.constant 16 : index
      %swap3A_33 = tpu.vector_load %arg8[%swap3A_31, %swap3A_32] {strides = array<i32>} : memref<128x128xf32, #tpu.memory_space<vmem>>, vector<1x16xf32>,
      %swap3A_34 = vector.shape_cast %swap3A_33 : vector<1x16xf32> to vector<16xf32>
      %swap3A_35 = vector.shape_cast %broadcast_in_dim3A_1 : vector<16xf32> to vector<1x16xf32>
      tpu.vector_store %arg8[%swap3A_31, %swap3A_32], %swap3A_35 {strides = array<i32>} : memref<128x128xf32, #tpu.memory_space<vmem>>, vector<1x16xf32>,
      %swap3A_36 = arith.index_cast %scan3A_26 : i32 to index
      %swap3A_37 = arith.constant 32 : index
      %swap3A_38 = tpu.vector_load %arg8[%swap3A_36, %swap3A_37] {strides = array<i32>} : memref<128x128xf32, #tpu.memory_space<vmem>>, vector<1x16xf32>,
      %swap3A_39 = vector.shape_cast %swap3A_38 : vector<1x16xf32> to vector<16xf32>
      %swap3A_40 = vector.shape_cast %broadcast_in_dim3A_1 : vector<16xf32> to vector<1x16xf32>
      tpu.vector_store %arg8[%swap3A_36, %swap3A_37], %swap3A_40 {strides = array<i32>} : memref<128x128xf32, #tpu.memory_space<vmem>>, vector<1x16xf32>,
      %swap3A_41 = arith.index_cast %scan3A_26 : i32 to index
      %swap3A_42 = arith.constant 48 : index
      %swap3A_43 = tpu.vector_load %arg8[%swap3A_41, %swap3A_42] {strides = array<i32>} : memref<128x128xf32, #tpu.memory_space<vmem>>, vector<1x16xf32>,
      %swap3A_44 = vector.shape_cast %swap3A_43 : vector<1x16xf32> to vector<16xf32>
      %swap3A_45 = vector.shape_cast %broadcast_in_dim3A_1 : vector<16xf32> to vector<1x16xf32>
      tpu.vector_store %arg8[%swap3A_41, %swap3A_42], %swap3A_45 {strides = array<i32>} : memref<128x128xf32, #tpu.memory_space<vmem>>, vector<1x16xf32>,
      %swap3A_46 = arith.index_cast %scan3A_26 : i32 to index
      %swap3A_47 = arith.constant 64 : index
      %swap3A_48 = tpu.vector_load %arg8[%swap3A_46, %swap3A_47] {strides = array<i32>} : memref<128x128xf32, #tpu.memory_space<vmem>>, vector<1x16xf32>,
      %swap3A_49 = vector.shape_cast %swap3A_48 : vector<1x16xf32> to vector<16xf32>
      %swap3A_50 = vector.shape_cast %broadcast_in_dim3A_1 : vector<16xf32> to vector<1x16xf32>
      tpu.vector_store %arg8[%swap3A_46, %swap3A_47], %swap3A_50 {strides = array<i32>} : memref<128x128xf32, #tpu.memory_space<vmem>>, vector<1x16xf32>,
      %swap3A_51 = arith.index_cast %scan3A_26 : i32 to index
      %swap3A_52 = arith.constant 80 : index
      %swap3A_53 = tpu.vector_load %arg8[%swap3A_51, %swap3A_52] {strides = array<i32>} : memref<128x128xf32, #tpu.memory_space<vmem>>, vector<1x16xf32>,
      %swap3A_54 = vector.shape_cast %swap3A_53 : vector<1x16xf32> to vector<16xf32>
      %swap3A_55 = vector.shape_cast %broadcast_in_dim3A_1 : vector<16xf32> to vector<1x16xf32>
      tpu.vector_store %arg8[%swap3A_51, %swap3A_52], %swap3A_55 {strides = array<i32>} : memref<128x128xf32, #tpu.memory_space<vmem>>, vector<1x16xf32>,
      %swap3A_56 = arith.index_cast %scan3A_26 : i32 to index
      %swap3A_57 = arith.constant 96 : index
      %swap3A_58 = tpu.vector_load %arg8[%swap3A_56, %swap3A_57] {strides = array<i32>} : memref<128x128xf32, #tpu.memory_space<vmem>>, vector<1x16xf32>,
      %swap3A_59 = vector.shape_cast %swap3A_58 : vector<1x16xf32> to vector<16xf32>
      %swap3A_60 = vector.shape_cast %broadcast_in_dim3A_1 : vector<16xf32> to vector<1x16xf32>
      tpu.vector_store %arg8[%swap3A_56, %swap3A_57], %swap3A_60 {strides = array<i32>} : memref<128x128xf32, #tpu.memory_space<vmem>>, vector<1x16xf32>,
      %swap3A_61 = arith.index_cast %scan3A_26 : i32 to index
      %swap3A_62 = arith.constant 112 : index
      %swap3A_63 = tpu.vector_load %arg8[%swap3A_61, %swap3A_62] {strides = array<i32>} : memref<128x128xf32, #tpu.memory_space<vmem>>, vector<1x16xf32>,
      %swap3A_64 = vector.shape_cast %swap3A_63 : vector<1x16xf32> to vector<16xf32>
      %swap3A_65 = vector.shape_cast %broadcast_in_dim3A_1 : vector<16xf32> to vector<1x16xf32>
      tpu.vector_store %arg8[%swap3A_61, %swap3A_62], %swap3A_65 {strides = array<i32>} : memref<128x128xf32, #tpu.memory_space<vmem>>, vector<1x16xf32>,
    }
    %scan3A_6 = arith.constant 128 : i32
    %scan3A_7 = arith.constant 0 : i32
    %scan3A_8 = arith.constant 0 : i32
    %scan3A_9 = arith.constant 5 : i32
    %scan3A_10 = arith.addi %scan3A_8, %scan3A_9 : i32
    %scan3A_11 = arith.constant 1 : i32
    scf.for %scan3A_26 = %scan3A_8 to %scan3A_10 step %scan3A_11  : i32 {
      %mul3A_27 = arith.constant 640 : i32
      %mul3A_28 = arith.muli %arg1, %mul3A_27 : i32
      %mul3A_29 = arith.constant 128 : i32
      %mul3A_30 = arith.muli %scan3A_26, %mul3A_29 : i32
      %add3A_31 = arith.addi %mul3A_28, %mul3A_30 : i32
      "tpu.region"() ({
        %run_scoped3A = tpu.sem_alloc : memref<!tpu.dma_semaphore, #tpu.memory_space<semaphore_mem>>
        %dma_start3A = arith.constant 0 : i32
        %dma_start3A_32 = tpu.memref_slice %arg9[%add3A_31, %dma_start3A] : memref<10240x128xf32, #tpu.memory_space<vmem_shared>> -> memref<128x128xf32, #tpu.memory_space<vmem_shared>>
        %dma_start3A_33 = arith.constant 0 : i32
        %dma_start3A_34 = tpu.memref_slice %arg9[%add3A_31, %dma_start3A_33] : memref<10240x128xf32, #tpu.memory_space<vmem_shared>> -> memref<128x128xf32, #tpu.memory_space<vmem_shared>>
        tpu.enqueue_dma source(%arg8 : memref<128x128xf32, #tpu.memory_space<vmem>>) target(%dma_start3A_34 : memref<128x128xf32, #tpu.memory_space<vmem_shared>>) target_semaphore(%run_scoped3A : memref<!tpu.dma_semaphore, #tpu.memory_space<semaphore_mem>>)
        %dma_wait3A = arith.constant 0 : i32
        %dma_wait3A_35 = tpu.memref_slice %arg9[%add3A_31, %dma_wait3A] : memref<10240x128xf32, #tpu.memory_space<vmem_shared>> -> memref<128x128xf32, #tpu.memory_space<vmem_shared>>
        %dma_wait3A_36 = arith.constant 0 : i32
        %dma_wait3A_37 = tpu.memref_slice %arg9[%add3A_31, %dma_wait3A_36] : memref<10240x128xf32, #tpu.memory_space<vmem_shared>> -> memref<128x128xf32, #tpu.memory_space<vmem_shared>>
        tpu.wait_dma2 semaphore(%run_scoped3A : memref<!tpu.dma_semaphore, #tpu.memory_space<semaphore_mem>>) src(%arg8 : memref<128x128xf32, #tpu.memory_space<vmem>>) dst(%dma_wait3A_37 : memref<128x128xf32, #tpu.memory_space<vmem_shared>>)
        tpu.yield
      }) : () -> ()
    }
    %scan3A_12 = arith.constant 5 : i32
    %barrier3A = arith.constant 0 : index
    tpu.barrier barrier_id(%barrier3A)
    "tpu.region"() ({
      %run_scoped3A = tpu.sem_alloc : memref<!tpu.dma_semaphore, #tpu.memory_space<semaphore_mem>>
      %dma_start3A = arith.constant 0 : i32
      %dma_start3A_26 = arith.constant 0 : i32
      %dma_start3A_27 = tpu.memref_slice %arg3[%add3A, %dma_start3A, %dma_start3A_26] : memref<32x79x128xi32, #tpu.memory_space<hbm>> -> memref<1x79x128xi32, #tpu.memory_space<hbm>>
      %dma_start3A_28 = tpu.memref_squeeze %dma_start3A_27 : memref<1x79x128xi32, #tpu.memory_space<hbm>> -> memref<79x128xi32, #tpu.memory_space<hbm>>
      %dma_start3A_29 = arith.constant 0 : i32
      %dma_start3A_30 = arith.constant 0 : i32
      %dma_start3A_31 = tpu.memref_slice %arg3[%add3A, %dma_start3A_29, %dma_start3A_30] : memref<32x79x128xi32, #tpu.memory_space<hbm>> -> memref<1x79x128xi32, #tpu.memory_space<hbm>>
      %dma_start3A_32 = tpu.memref_squeeze %dma_start3A_31 : memref<1x79x128xi32, #tpu.memory_space<hbm>> -> memref<79x128xi32, #tpu.memory_space<hbm>>
      tpu.enqueue_dma source(%dma_start3A_32 : memref<79x128xi32, #tpu.memory_space<hbm>>) target(%arg6 : memref<79x128xi32, #tpu.memory_space<vmem>>) target_semaphore(%run_scoped3A : memref<!tpu.dma_semaphore, #tpu.memory_space<semaphore_mem>>)
      %dma_wait3A = arith.constant 0 : i32
      %dma_wait3A_33 = arith.constant 0 : i32
      %dma_wait3A_34 = tpu.memref_slice %arg3[%add3A, %dma_wait3A, %dma_wait3A_33] : memref<32x79x128xi32, #tpu.memory_space<hbm>> -> memref<1x79x128xi32, #tpu.memory_space<hbm>>
      %dma_wait3A_35 = tpu.memref_squeeze %dma_wait3A_34 : memref<1x79x128xi32, #tpu.memory_space<hbm>> -> memref<79x128xi32, #tpu.memory_space<hbm>>
      %dma_wait3A_36 = arith.constant 0 : i32
      %dma_wait3A_37 = arith.constant 0 : i32
      %dma_wait3A_38 = tpu.memref_slice %arg3[%add3A, %dma_wait3A_36, %dma_wait3A_37] : memref<32x79x128xi32, #tpu.memory_space<hbm>> -> memref<1x79x128xi32, #tpu.memory_space<hbm>>
      %dma_wait3A_39 = tpu.memref_squeeze %dma_wait3A_38 : memref<1x79x128xi32, #tpu.memory_space<hbm>> -> memref<79x128xi32, #tpu.memory_space<hbm>>
      tpu.wait_dma2 semaphore(%run_scoped3A : memref<!tpu.dma_semaphore, #tpu.memory_space<semaphore_mem>>) src(%dma_wait3A_39 : memref<79x128xi32, #tpu.memory_space<hbm>>) dst(%arg6 : memref<79x128xi32, #tpu.memory_space<vmem>>)
      tpu.yield
    }) : () -> ()
    "tpu.region"() ({
      %run_scoped3A = tpu.sem_alloc : memref<!tpu.dma_semaphore, #tpu.memory_space<semaphore_mem>>
      %dma_start3A = arith.constant 0 : i32
      %dma_start3A_26 = arith.constant 0 : i32
      %dma_start3A_27 = tpu.memref_slice %arg4[%add3A, %dma_start3A, %dma_start3A_26] : memref<32x79x128xi32, #tpu.memory_space<hbm>> -> memref<1x79x128xi32, #tpu.memory_space<hbm>>
      %dma_start3A_28 = tpu.memref_squeeze %dma_start3A_27 : memref<1x79x128xi32, #tpu.memory_space<hbm>> -> memref<79x128xi32, #tpu.memory_space<hbm>>
      %dma_start3A_29 = arith.constant 0 : i32
      %dma_start3A_30 = arith.constant 0 : i32
      %dma_start3A_31 = tpu.memref_slice %arg4[%add3A, %dma_start3A_29, %dma_start3A_30] : memref<32x79x128xi32, #tpu.memory_space<hbm>> -> memref<1x79x128xi32, #tpu.memory_space<hbm>>
      %dma_start3A_32 = tpu.memref_squeeze %dma_start3A_31 : memref<1x79x128xi32, #tpu.memory_space<hbm>> -> memref<79x128xi32, #tpu.memory_space<hbm>>
      tpu.enqueue_dma source(%dma_start3A_32 : memref<79x128xi32, #tpu.memory_space<hbm>>) target(%arg7 : memref<79x128xi32, #tpu.memory_space<vmem>>) target_semaphore(%run_scoped3A : memref<!tpu.dma_semaphore, #tpu.memory_space<semaphore_mem>>)
      %dma_wait3A = arith.constant 0 : i32
      %dma_wait3A_33 = arith.constant 0 : i32
      %dma_wait3A_34 = tpu.memref_slice %arg4[%add3A, %dma_wait3A, %dma_wait3A_33] : memref<32x79x128xi32, #tpu.memory_space<hbm>> -> memref<1x79x128xi32, #tpu.memory_space<hbm>>
      %dma_wait3A_35 = tpu.memref_squeeze %dma_wait3A_34 : memref<1x79x128xi32, #tpu.memory_space<hbm>> -> memref<79x128xi32, #tpu.memory_space<hbm>>
      %dma_wait3A_36 = arith.constant 0 : i32
      %dma_wait3A_37 = arith.constant 0 : i32
      %dma_wait3A_38 = tpu.memref_slice %arg4[%add3A, %dma_wait3A_36, %dma_wait3A_37] : memref<32x79x128xi32, #tpu.memory_space<hbm>> -> memref<1x79x128xi32, #tpu.memory_space<hbm>>
      %dma_wait3A_39 = tpu.memref_squeeze %dma_wait3A_38 : memref<1x79x128xi32, #tpu.memory_space<hbm>> -> memref<79x128xi32, #tpu.memory_space<hbm>>
      tpu.wait_dma2 semaphore(%run_scoped3A : memref<!tpu.dma_semaphore, #tpu.memory_space<semaphore_mem>>) src(%dma_wait3A_39 : memref<79x128xi32, #tpu.memory_space<hbm>>) dst(%arg7 : memref<79x128xi32, #tpu.memory_space<vmem>>)
      tpu.yield
    }) : () -> ()
    %scan3A_13 = arith.constant 0 : i32
    %scan3A_14 = arith.constant 0 : i32
    %scan3A_15 = arith.constant 79 : i32
    %scan3A_16 = arith.addi %scan3A_14, %scan3A_15 : i32
    %scan3A_17 = arith.constant 1 : i32
    scf.for %scan3A_26 = %scan3A_14 to %scan3A_16 step %scan3A_17  : i32 {
      %dma_start3A = arith.constant 0 : i32
      %dma_start3A_27 = tpu.memref_slice %arg6[%scan3A_26, %dma_start3A] : memref<79x128xi32, #tpu.memory_space<vmem>> -> memref<1x128xi32, #tpu.memory_space<vmem>>
      %dma_start3A_28 = tpu.memref_squeeze %dma_start3A_27 : memref<1x128xi32, #tpu.memory_space<vmem>> -> memref<128xi32, #tpu.memory_space<vmem>>
      %dma_start3A_29 = arith.constant 0 : i32
      %dma_start3A_30 = arith.constant 0 : i32
      %dma_start3A_31 = tpu.memref_slice %arg2[%dma_start3A_29, %dma_start3A_30] : memref<30000x128xf32, #tpu.memory_space<hbm>> -> memref<30000x128xf32, #tpu.memory_space<hbm>>
      tpu.enqueue_indirect_dma source(%dma_start3A_31 : memref<30000x128xf32, #tpu.memory_space<hbm>>) target(%arg8 : memref<128x128xf32, #tpu.memory_space<vmem>>) offsets(%dma_start3A_28 : memref<128xi32, #tpu.memory_space<vmem>>) semaphore(%arg10 : memref<!tpu.dma_semaphore, #tpu.memory_space<semaphore_mem>>)
      %dma_wait3A = arith.constant 0 : i32
      %dma_wait3A_32 = tpu.memref_slice %arg6[%scan3A_26, %dma_wait3A] : memref<79x128xi32, #tpu.memory_space<vmem>> -> memref<1x128xi32, #tpu.memory_space<vmem>>
      %dma_wait3A_33 = tpu.memref_squeeze %dma_wait3A_32 : memref<1x128xi32, #tpu.memory_space<vmem>> -> memref<128xi32, #tpu.memory_space<vmem>>
      %dma_wait3A_34 = arith.constant 0 : i32
      %dma_wait3A_35 = arith.constant 0 : i32
      %dma_wait3A_36 = tpu.memref_slice %arg2[%dma_wait3A_34, %dma_wait3A_35] : memref<30000x128xf32, #tpu.memory_space<hbm>> -> memref<30000x128xf32, #tpu.memory_space<hbm>>
      tpu.wait_indirect_dma semaphore(%arg10 : memref<!tpu.dma_semaphore, #tpu.memory_space<semaphore_mem>>) src(%dma_wait3A_36 : memref<30000x128xf32, #tpu.memory_space<hbm>>) dst(%arg8 : memref<128x128xf32, #tpu.memory_space<vmem>>)
      "tpu.region"() ({
        %run_scoped3A = tpu.sem_alloc : memref<!tpu.dma_semaphore, #tpu.memory_space<semaphore_mem>>
        %dma_start3A_37 = arith.constant 0 : i32
        %dma_start3A_38 = tpu.memref_slice %arg7[%scan3A_26, %dma_start3A_37] : memref<79x128xi32, #tpu.memory_space<vmem>> -> memref<1x128xi32, #tpu.memory_space<vmem>>
        %dma_start3A_39 = tpu.memref_squeeze %dma_start3A_38 : memref<1x128xi32, #tpu.memory_space<vmem>> -> memref<128xi32, #tpu.memory_space<vmem>>
        %dma_start3A_40 = arith.constant 0 : i32
        %dma_start3A_41 = arith.constant 0 : i32
        %dma_start3A_42 = tpu.memref_slice %arg9[%dma_start3A_40, %dma_start3A_41] : memref<10240x128xf32, #tpu.memory_space<vmem_shared>> -> memref<10240x128xf32, #tpu.memory_space<vmem_shared>>
        tpu.enqueue_indirect_dma source(%arg8 : memref<128x128xf32, #tpu.memory_space<vmem>>) target(%dma_start3A_42 : memref<10240x128xf32, #tpu.memory_space<vmem_shared>>) offsets(%dma_start3A_39 : memref<128xi32, #tpu.memory_space<vmem>>) semaphore(%run_scoped3A : memref<!tpu.dma_semaphore, #tpu.memory_space<semaphore_mem>>) {add = true}
        %dma_wait3A_43 = arith.constant 0 : i32
        %dma_wait3A_44 = tpu.memref_slice %arg7[%scan3A_26, %dma_wait3A_43] : memref<79x128xi32, #tpu.memory_space<vmem>> -> memref<1x128xi32, #tpu.memory_space<vmem>>
        %dma_wait3A_45 = tpu.memref_squeeze %dma_wait3A_44 : memref<1x128xi32, #tpu.memory_space<vmem>> -> memref<128xi32, #tpu.memory_space<vmem>>
        %dma_wait3A_46 = arith.constant 0 : i32
        %dma_wait3A_47 = arith.constant 0 : i32
        %dma_wait3A_48 = tpu.memref_slice %arg9[%dma_wait3A_46, %dma_wait3A_47] : memref<10240x128xf32, #tpu.memory_space<vmem_shared>> -> memref<10240x128xf32, #tpu.memory_space<vmem_shared>>
        tpu.wait_indirect_dma semaphore(%run_scoped3A : memref<!tpu.dma_semaphore, #tpu.memory_space<semaphore_mem>>) src(%arg8 : memref<128x128xf32, #tpu.memory_space<vmem>>) dst(%dma_wait3A_48 : memref<10240x128xf32, #tpu.memory_space<vmem_shared>>)
        tpu.yield
      }) : () -> ()
    }
    %scan3A_18 = arith.constant 79 : i32
    %barrier3A_19 = arith.constant 0 : index
    tpu.barrier barrier_id(%barrier3A_19)
    %scan3A_20 = arith.constant 0 : i32
    %scan3A_21 = arith.constant 0 : i32
    %scan3A_22 = arith.constant 5 : i32
    %scan3A_23 = arith.addi %scan3A_21, %scan3A_22 : i32
    %scan3A_24 = arith.constant 1 : i32
    scf.for %scan3A_26 = %scan3A_21 to %scan3A_23 step %scan3A_24  : i32 {
      %mul3A_27 = arith.constant 640 : i32
      %mul3A_28 = arith.muli %arg1, %mul3A_27 : i32
      %mul3A_29 = arith.constant 128 : i32
      %mul3A_30 = arith.muli %scan3A_26, %mul3A_29 : i32
      %add3A_31 = arith.addi %mul3A_28, %mul3A_30 : i32
      "tpu.region"() ({
        %run_scoped3A = tpu.sem_alloc : memref<!tpu.dma_semaphore, #tpu.memory_space<semaphore_mem>>
        %dma_start3A = arith.constant 0 : i32
        %dma_start3A_32 = tpu.memref_slice %arg9[%add3A_31, %dma_start3A] : memref<10240x128xf32, #tpu.memory_space<vmem_shared>> -> memref<128x128xf32, #tpu.memory_space<vmem_shared>>
        %dma_start3A_33 = arith.constant 0 : i32
        %dma_start3A_34 = tpu.memref_slice %arg9[%add3A_31, %dma_start3A_33] : memref<10240x128xf32, #tpu.memory_space<vmem_shared>> -> memref<128x128xf32, #tpu.memory_space<vmem_shared>>
        tpu.enqueue_dma source(%dma_start3A_34 : memref<128x128xf32, #tpu.memory_space<vmem_shared>>) target(%arg8 : memref<128x128xf32, #tpu.memory_space<vmem>>) target_semaphore(%run_scoped3A : memref<!tpu.dma_semaphore, #tpu.memory_space<semaphore_mem>>)
        %dma_wait3A = arith.constant 0 : i32
        %dma_wait3A_35 = tpu.memref_slice %arg9[%add3A_31, %dma_wait3A] : memref<10240x128xf32, #tpu.memory_space<vmem_shared>> -> memref<128x128xf32, #tpu.memory_space<vmem_shared>>
        %dma_wait3A_36 = arith.constant 0 : i32
        %dma_wait3A_37 = tpu.memref_slice %arg9[%add3A_31, %dma_wait3A_36] : memref<10240x128xf32, #tpu.memory_space<vmem_shared>> -> memref<128x128xf32, #tpu.memory_space<vmem_shared>>
        tpu.wait_dma2 semaphore(%run_scoped3A : memref<!tpu.dma_semaphore, #tpu.memory_space<semaphore_mem>>) src(%dma_wait3A_37 : memref<128x128xf32, #tpu.memory_space<vmem_shared>>) dst(%arg8 : memref<128x128xf32, #tpu.memory_space<vmem>>)
        tpu.yield
      }) : () -> ()
      "tpu.region"() ({
        %run_scoped3A = tpu.sem_alloc : memref<!tpu.dma_semaphore, #tpu.memory_space<semaphore_mem>>
        %dma_start3A = arith.constant 0 : i32
        %dma_start3A_32 = tpu.memref_slice %arg5[%arg0, %add3A_31, %dma_start3A] : memref<2x10240x128xf32, #tpu.memory_space<hbm>> -> memref<1x128x128xf32, #tpu.memory_space<hbm>>
        %dma_start3A_33 = tpu.memref_squeeze %dma_start3A_32 : memref<1x128x128xf32, #tpu.memory_space<hbm>> -> memref<128x128xf32, #tpu.memory_space<hbm>>
        %dma_start3A_34 = arith.constant 0 : i32
        %dma_start3A_35 = tpu.memref_slice %arg5[%arg0, %add3A_31, %dma_start3A_34] : memref<2x10240x128xf32, #tpu.memory_space<hbm>> -> memref<1x128x128xf32, #tpu.memory_space<hbm>>
        %dma_start3A_36 = tpu.memref_squeeze %dma_start3A_35 : memref<1x128x128xf32, #tpu.memory_space<hbm>> -> memref<128x128xf32, #tpu.memory_space<hbm>>
        tpu.enqueue_dma source(%arg8 : memref<128x128xf32, #tpu.memory_space<vmem>>) target(%dma_start3A_36 : memref<128x128xf32, #tpu.memory_space<hbm>>) target_semaphore(%run_scoped3A : memref<!tpu.dma_semaphore, #tpu.memory_space<semaphore_mem>>)
        %dma_wait3A = arith.constant 0 : i32
        %dma_wait3A_37 = tpu.memref_slice %arg5[%arg0, %add3A_31, %dma_wait3A] : memref<2x10240x128xf32, #tpu.memory_space<hbm>> -> memref<1x128x128xf32, #tpu.memory_space<hbm>>
        %dma_wait3A_38 = tpu.memref_squeeze %dma_wait3A_37 : memref<1x128x128xf32, #tpu.memory_space<hbm>> -> memref<128x128xf32, #tpu.memory_space<hbm>>
        %dma_wait3A_39 = arith.constant 0 : i32
        %dma_wait3A_40 = tpu.memref_slice %arg5[%arg0, %add3A_31, %dma_wait3A_39] : memref<2x10240x128xf32, #tpu.memory_space<hbm>> -> memref<1x128x128xf32, #tpu.memory_space<hbm>>
        %dma_wait3A_41 = tpu.memref_squeeze %dma_wait3A_40 : memref<1x128x128xf32, #tpu.memory_space<hbm>> -> memref<128x128xf32, #tpu.memory_space<hbm>>
        tpu.wait_dma2 semaphore(%run_scoped3A : memref<!tpu.dma_semaphore, #tpu.memory_space<semaphore_mem>>) src(%arg8 : memref<128x128xf32, #tpu.memory_space<vmem>>) dst(%dma_wait3A_41 : memref<128x128xf32, #tpu.memory_space<hbm>>)
        tpu.yield
      }) : () -> ()
    }
    %scan3A_25 = arith.constant 5 : i32
    return
  }
}

module attributes {stable_mosaic.version = 14 : i64} {
  func.func @body(%arg0: i32, %arg1: memref<400x128xf32, #tpu.memory_space<vmem>>, %arg2: memref<3x128x128xf32, #tpu.memory_space<vmem>>, %arg3: memref<3x400x128xf32, #tpu.memory_space<vmem>>) attributes {dimension_semantics = [#tpu.dimension_semantics<arbitrary>], iteration_bounds = array<i64: 25>, scalar_prefetch = 0 : i64, scratch_operands = 0 : i64, tpu.core_type = #tpu.core_type<tc>, window_params = [{transform_indices = @transform_0, window_bounds = array<i64: 400, 128>}, {pipeline_mode = #tpu.pipeline_mode<synchronous>, transform_indices = @transform_1, window_bounds = array<i64: 3, 128, 128>}, {transform_indices = @transform_2, window_bounds = array<i64: 3, 400, 128>}]} {
    %get3A = arith.constant 0 : index
    %get3A_0 = arith.constant 0 : index
    %get3A_1 = vector.load %arg1[%get3A, %get3A_0] : memref<400x128xf32, #tpu.memory_space<vmem>>, vector<400x128xf32>
    %get3A_2 = arith.constant 0 : index
    %get3A_3 = arith.constant 0 : index
    %get3A_4 = arith.constant 0 : index
    %get3A_5 = vector.load %arg2[%get3A_2, %get3A_3, %get3A_4] : memref<3x128x128xf32, #tpu.memory_space<vmem>>, vector<1x128x128xf32>
    %get3A_6 = vector.shape_cast %get3A_5 : vector<1x128x128xf32> to vector<128x128xf32>
    %dot_general3A = arith.constant dense<0.000000e+00> : vector<400x128xf32>
    %dot_general3A_7 = tpu.matmul %get3A_1, %get3A_6, %dot_general3A {dimension_numbers = #tpu.dot_dimension_numbers<[1], [0], [0], [1], [0, 0, 1, 1], [], []>, transpose_lhs_hint = false} : vector<400x128xf32>, vector<128x128xf32>, vector<400x128xf32> -> vector<400x128xf32>
    %swap3A = arith.constant 0 : index
    %swap3A_8 = arith.constant 0 : index
    %swap3A_9 = arith.constant 0 : index
    %swap3A_10 = vector.load %arg3[%swap3A, %swap3A_8, %swap3A_9] : memref<3x400x128xf32, #tpu.memory_space<vmem>>, vector<1x400x128xf32>
    %swap3A_11 = vector.shape_cast %swap3A_10 : vector<1x400x128xf32> to vector<400x128xf32>
    %swap3A_12 = vector.shape_cast %dot_general3A_7 : vector<400x128xf32> to vector<1x400x128xf32>
    tpu.vector_store %arg3[%swap3A, %swap3A_8, %swap3A_9], %swap3A_12 {strides = array<i32>} : memref<3x400x128xf32, #tpu.memory_space<vmem>>, vector<1x400x128xf32>,
    %get3A_13 = arith.constant 1 : index
    %get3A_14 = arith.constant 0 : index
    %get3A_15 = arith.constant 0 : index
    %get3A_16 = vector.load %arg2[%get3A_13, %get3A_14, %get3A_15] : memref<3x128x128xf32, #tpu.memory_space<vmem>>, vector<1x128x128xf32>
    %get3A_17 = vector.shape_cast %get3A_16 : vector<1x128x128xf32> to vector<128x128xf32>
    %dot_general3A_18 = arith.constant dense<0.000000e+00> : vector<400x128xf32>
    %dot_general3A_19 = tpu.matmul %get3A_1, %get3A_17, %dot_general3A_18 {dimension_numbers = #tpu.dot_dimension_numbers<[1], [0], [0], [1], [0, 0, 1, 1], [], []>, transpose_lhs_hint = false} : vector<400x128xf32>, vector<128x128xf32>, vector<400x128xf32> -> vector<400x128xf32>
    %swap3A_20 = arith.constant 1 : index
    %swap3A_21 = arith.constant 0 : index
    %swap3A_22 = arith.constant 0 : index
    %swap3A_23 = vector.load %arg3[%swap3A_20, %swap3A_21, %swap3A_22] : memref<3x400x128xf32, #tpu.memory_space<vmem>>, vector<1x400x128xf32>
    %swap3A_24 = vector.shape_cast %swap3A_23 : vector<1x400x128xf32> to vector<400x128xf32>
    %swap3A_25 = vector.shape_cast %dot_general3A_19 : vector<400x128xf32> to vector<1x400x128xf32>
    tpu.vector_store %arg3[%swap3A_20, %swap3A_21, %swap3A_22], %swap3A_25 {strides = array<i32>} : memref<3x400x128xf32, #tpu.memory_space<vmem>>, vector<1x400x128xf32>,
    %get3A_26 = arith.constant 2 : index
    %get3A_27 = arith.constant 0 : index
    %get3A_28 = arith.constant 0 : index
    %get3A_29 = vector.load %arg2[%get3A_26, %get3A_27, %get3A_28] : memref<3x128x128xf32, #tpu.memory_space<vmem>>, vector<1x128x128xf32>
    %get3A_30 = vector.shape_cast %get3A_29 : vector<1x128x128xf32> to vector<128x128xf32>
    %dot_general3A_31 = arith.constant dense<0.000000e+00> : vector<400x128xf32>
    %dot_general3A_32 = tpu.matmul %get3A_1, %get3A_30, %dot_general3A_31 {dimension_numbers = #tpu.dot_dimension_numbers<[1], [0], [0], [1], [0, 0, 1, 1], [], []>, transpose_lhs_hint = false} : vector<400x128xf32>, vector<128x128xf32>, vector<400x128xf32> -> vector<400x128xf32>
    %swap3A_33 = arith.constant 2 : index
    %swap3A_34 = arith.constant 0 : index
    %swap3A_35 = arith.constant 0 : index
    %swap3A_36 = vector.load %arg3[%swap3A_33, %swap3A_34, %swap3A_35] : memref<3x400x128xf32, #tpu.memory_space<vmem>>, vector<1x400x128xf32>
    %swap3A_37 = vector.shape_cast %swap3A_36 : vector<1x400x128xf32> to vector<400x128xf32>
    %swap3A_38 = vector.shape_cast %dot_general3A_32 : vector<400x128xf32> to vector<1x400x128xf32>
    tpu.vector_store %arg3[%swap3A_33, %swap3A_34, %swap3A_35], %swap3A_38 {strides = array<i32>} : memref<3x400x128xf32, #tpu.memory_space<vmem>>, vector<1x400x128xf32>,
    return
  }
  func.func @transform_0(%arg0: i32) -> (i32, i32) {
    %c0_i32 = arith.constant 0 : i32
    %c0_i32_0 = arith.constant 0 : i32
    return %arg0, %c0_i32 : i32, i32
  }
  func.func @transform_1(%arg0: i32) -> (i32, i32, i32) {
    %c0_i32 = arith.constant 0 : i32
    %c0_i32_0 = arith.constant 0 : i32
    %c0_i32_1 = arith.constant 0 : i32
    %c0_i32_2 = arith.constant 0 : i32
    return %c0_i32, %c0_i32_0, %c0_i32_1 : i32, i32, i32
  }
  func.func @transform_2(%arg0: i32) -> (i32, i32, i32) {
    %c0_i32 = arith.constant 0 : i32
    %c0_i32_0 = arith.constant 0 : i32
    %c0_i32_1 = arith.constant 0 : i32
    return %c0_i32, %arg0, %c0_i32_0 : i32, i32, i32
  }
}

module attributes {stable_mosaic.version = 14 : i64} {
  func.func @body(%arg0: i32, %arg1: memref<400x128xf32, #tpu.memory_space<vmem>>, %arg2: memref<400x128xf32, #tpu.memory_space<vmem>>, %arg3: memref<400x128xf32, #tpu.memory_space<vmem>>, %arg4: memref<3x128x128xf32, #tpu.memory_space<vmem>>, %arg5: memref<128x384xf32, #tpu.memory_space<vmem>>, %arg6: memref<128x384xf32, #tpu.memory_space<vmem>>, %arg7: memref<1x384xf32, #tpu.memory_space<vmem>>, %arg8: memref<1x384xf32, #tpu.memory_space<vmem>>, %arg9: memref<400x128xf32, #tpu.memory_space<vmem>>, %arg10: memref<3x400x128xf32, #tpu.memory_space<vmem>>) attributes {dimension_semantics = [#tpu.dimension_semantics<arbitrary>], iteration_bounds = array<i64: 25>, scalar_prefetch = 0 : i64, scratch_operands = 0 : i64, tpu.core_type = #tpu.core_type<tc>, window_params = [{transform_indices = @transform_0, window_bounds = array<i64: 400, 128>}, {transform_indices = @transform_1, window_bounds = array<i64: 400, 128>}, {transform_indices = @transform_2, window_bounds = array<i64: 400, 128>}, {pipeline_mode = #tpu.pipeline_mode<synchronous>, transform_indices = @transform_3, window_bounds = array<i64: 3, 128, 128>}, {pipeline_mode = #tpu.pipeline_mode<synchronous>, transform_indices = @transform_4, window_bounds = array<i64: 128, 384>}, {pipeline_mode = #tpu.pipeline_mode<synchronous>, transform_indices = @transform_5, window_bounds = array<i64: 128, 384>}, {pipeline_mode = #tpu.pipeline_mode<synchronous>, transform_indices = @transform_6, window_bounds = array<i64: 1, 384>}, {pipeline_mode = #tpu.pipeline_mode<synchronous>, transform_indices = @transform_7, window_bounds = array<i64: 1, 384>}, {transform_indices = @transform_8, window_bounds = array<i64: 400, 128>}, {transform_indices = @transform_9, window_bounds = array<i64: 3, 400, 128>}]} {
    %get3A = arith.constant 0 : index
    %get3A_0 = arith.constant 0 : index
    %get3A_1 = vector.load %arg1[%get3A, %get3A_0] : memref<400x128xf32, #tpu.memory_space<vmem>>, vector<400x128xf32>
    %get3A_2 = arith.constant 0 : index
    %get3A_3 = arith.constant 0 : index
    %get3A_4 = vector.load %arg2[%get3A_2, %get3A_3] : memref<400x128xf32, #tpu.memory_space<vmem>>, vector<400x128xf32>
    %get3A_5 = arith.constant 0 : index
    %get3A_6 = arith.constant 0 : index
    %get3A_7 = vector.load %arg3[%get3A_5, %get3A_6] : memref<400x128xf32, #tpu.memory_space<vmem>>, vector<400x128xf32>
    %add3A = arith.addf %get3A_4, %get3A_7 : vector<400x128xf32>
    %get3A_8 = arith.constant 0 : index
    %get3A_9 = arith.constant 0 : index
    %get3A_10 = vector.load %arg5[%get3A_8, %get3A_9] : memref<128x384xf32, #tpu.memory_space<vmem>>, vector<128x384xf32>
    %dot_general3A = arith.constant dense<0.000000e+00> : vector<400x384xf32>
    %dot_general3A_11 = tpu.matmul %add3A, %get3A_10, %dot_general3A {dimension_numbers = #tpu.dot_dimension_numbers<[1], [0], [0], [1], [0, 0, 1, 1], [], []>, transpose_lhs_hint = false} : vector<400x128xf32>, vector<128x384xf32>, vector<400x384xf32> -> vector<400x384xf32>
    %get3A_12 = arith.constant 0 : index
    %get3A_13 = arith.constant 0 : index
    %get3A_14 = vector.load %arg7[%get3A_12, %get3A_13] : memref<1x384xf32, #tpu.memory_space<vmem>>, vector<1x384xf32>
    %add3A_15 = vector.broadcast %get3A_14 : vector<1x384xf32> to vector<400x384xf32>
    %add3A_16 = arith.addf %dot_general3A_11, %add3A_15 : vector<400x384xf32>
    %get3A_17 = arith.constant 0 : index
    %get3A_18 = arith.constant 0 : index
    %get3A_19 = vector.load %arg6[%get3A_17, %get3A_18] : memref<128x384xf32, #tpu.memory_space<vmem>>, vector<128x384xf32>
    %dot_general3A_20 = arith.constant dense<0.000000e+00> : vector<400x384xf32>
    %dot_general3A_21 = tpu.matmul %get3A_1, %get3A_19, %dot_general3A_20 {dimension_numbers = #tpu.dot_dimension_numbers<[1], [0], [0], [1], [0, 0, 1, 1], [], []>, transpose_lhs_hint = false} : vector<400x128xf32>, vector<128x384xf32>, vector<400x384xf32> -> vector<400x384xf32>
    %get3A_22 = arith.constant 0 : index
    %get3A_23 = arith.constant 0 : index
    %get3A_24 = vector.load %arg8[%get3A_22, %get3A_23] : memref<1x384xf32, #tpu.memory_space<vmem>>, vector<1x384xf32>
    %add3A_25 = vector.broadcast %get3A_24 : vector<1x384xf32> to vector<400x384xf32>
    %add3A_26 = arith.addf %dot_general3A_21, %add3A_25 : vector<400x384xf32>
    %slice3A = vector.extract_strided_slice %add3A_16 {offsets = [0, 0], sizes = [400, 128], strides = [1, 1]} : vector<400x384xf32> to vector<400x128xf32>
    %slice3A_27 = vector.extract_strided_slice %add3A_26 {offsets = [0, 0], sizes = [400, 128], strides = [1, 1]} : vector<400x384xf32> to vector<400x128xf32>
    %add3A_28 = arith.addf %slice3A, %slice3A_27 : vector<400x128xf32>
    %logistic3A = arith.negf %add3A_28 : vector<400x128xf32>
    %logistic3A_29 = math.exp %logistic3A : vector<400x128xf32>
    %logistic3A_30 = arith.constant 1.000000e+00 : f32
    %logistic3A_31 = vector.broadcast %logistic3A_30 : f32 to vector<400x128xf32>
    %logistic3A_32 = arith.addf %logistic3A_31, %logistic3A_29 : vector<400x128xf32>
    %logistic3A_33 = arith.divf %logistic3A_31, %logistic3A_32 : vector<400x128xf32>
    %slice3A_34 = vector.extract_strided_slice %add3A_16 {offsets = [0, 128], sizes = [400, 128], strides = [1, 1]} : vector<400x384xf32> to vector<400x128xf32>
    %slice3A_35 = vector.extract_strided_slice %add3A_26 {offsets = [0, 128], sizes = [400, 128], strides = [1, 1]} : vector<400x384xf32> to vector<400x128xf32>
    %add3A_36 = arith.addf %slice3A_34, %slice3A_35 : vector<400x128xf32>
    %logistic3A_37 = arith.negf %add3A_36 : vector<400x128xf32>
    %logistic3A_38 = math.exp %logistic3A_37 : vector<400x128xf32>
    %logistic3A_39 = arith.constant 1.000000e+00 : f32
    %logistic3A_40 = vector.broadcast %logistic3A_39 : f32 to vector<400x128xf32>
    %logistic3A_41 = arith.addf %logistic3A_40, %logistic3A_38 : vector<400x128xf32>
    %logistic3A_42 = arith.divf %logistic3A_40, %logistic3A_41 : vector<400x128xf32>
    %slice3A_43 = vector.extract_strided_slice %add3A_16 {offsets = [0, 256], sizes = [400, 128], strides = [1, 1]} : vector<400x384xf32> to vector<400x128xf32>
    %slice3A_44 = vector.extract_strided_slice %add3A_26 {offsets = [0, 256], sizes = [400, 128], strides = [1, 1]} : vector<400x384xf32> to vector<400x128xf32>
    %mul3A = arith.mulf %logistic3A_33, %slice3A_44 : vector<400x128xf32>
    %add3A_45 = arith.addf %slice3A_43, %mul3A : vector<400x128xf32>
    %tanh3A = math.tanh %add3A_45 : vector<400x128xf32>
    %sub3A = arith.constant 1.000000e+00 : f32
    %sub3A_46 = vector.broadcast %sub3A : f32 to vector<400x128xf32>
    %sub3A_47 = arith.subf %sub3A_46, %logistic3A_42 : vector<400x128xf32>
    %mul3A_48 = arith.mulf %sub3A_47, %tanh3A : vector<400x128xf32>
    %mul3A_49 = arith.mulf %logistic3A_42, %get3A_1 : vector<400x128xf32>
    %add3A_50 = arith.addf %mul3A_48, %mul3A_49 : vector<400x128xf32>
    %swap3A = arith.constant 0 : index
    %swap3A_51 = arith.constant 0 : index
    %swap3A_52 = vector.load %arg9[%swap3A, %swap3A_51] : memref<400x128xf32, #tpu.memory_space<vmem>>, vector<400x128xf32>
    tpu.vector_store %arg9[%swap3A, %swap3A_51], %add3A_50 {strides = array<i32>} : memref<400x128xf32, #tpu.memory_space<vmem>>, vector<400x128xf32>,
    %get3A_53 = arith.constant 0 : index
    %get3A_54 = arith.constant 0 : index
    %get3A_55 = arith.constant 0 : index
    %get3A_56 = vector.load %arg4[%get3A_53, %get3A_54, %get3A_55] : memref<3x128x128xf32, #tpu.memory_space<vmem>>, vector<1x128x128xf32>
    %get3A_57 = vector.shape_cast %get3A_56 : vector<1x128x128xf32> to vector<128x128xf32>
    %dot_general3A_58 = arith.constant dense<0.000000e+00> : vector<400x128xf32>
    %dot_general3A_59 = tpu.matmul %add3A_50, %get3A_57, %dot_general3A_58 {dimension_numbers = #tpu.dot_dimension_numbers<[1], [0], [0], [1], [0, 0, 1, 1], [], []>, transpose_lhs_hint = false} : vector<400x128xf32>, vector<128x128xf32>, vector<400x128xf32> -> vector<400x128xf32>
    %swap3A_60 = arith.constant 0 : index
    %swap3A_61 = arith.constant 0 : index
    %swap3A_62 = arith.constant 0 : index
    %swap3A_63 = vector.load %arg10[%swap3A_60, %swap3A_61, %swap3A_62] : memref<3x400x128xf32, #tpu.memory_space<vmem>>, vector<1x400x128xf32>
    %swap3A_64 = vector.shape_cast %swap3A_63 : vector<1x400x128xf32> to vector<400x128xf32>
    %swap3A_65 = vector.shape_cast %dot_general3A_59 : vector<400x128xf32> to vector<1x400x128xf32>
    tpu.vector_store %arg10[%swap3A_60, %swap3A_61, %swap3A_62], %swap3A_65 {strides = array<i32>} : memref<3x400x128xf32, #tpu.memory_space<vmem>>, vector<1x400x128xf32>,
    %get3A_66 = arith.constant 1 : index
    %get3A_67 = arith.constant 0 : index
    %get3A_68 = arith.constant 0 : index
    %get3A_69 = vector.load %arg4[%get3A_66, %get3A_67, %get3A_68] : memref<3x128x128xf32, #tpu.memory_space<vmem>>, vector<1x128x128xf32>
    %get3A_70 = vector.shape_cast %get3A_69 : vector<1x128x128xf32> to vector<128x128xf32>
    %dot_general3A_71 = arith.constant dense<0.000000e+00> : vector<400x128xf32>
    %dot_general3A_72 = tpu.matmul %add3A_50, %get3A_70, %dot_general3A_71 {dimension_numbers = #tpu.dot_dimension_numbers<[1], [0], [0], [1], [0, 0, 1, 1], [], []>, transpose_lhs_hint = false} : vector<400x128xf32>, vector<128x128xf32>, vector<400x128xf32> -> vector<400x128xf32>
    %swap3A_73 = arith.constant 1 : index
    %swap3A_74 = arith.constant 0 : index
    %swap3A_75 = arith.constant 0 : index
    %swap3A_76 = vector.load %arg10[%swap3A_73, %swap3A_74, %swap3A_75] : memref<3x400x128xf32, #tpu.memory_space<vmem>>, vector<1x400x128xf32>
    %swap3A_77 = vector.shape_cast %swap3A_76 : vector<1x400x128xf32> to vector<400x128xf32>
    %swap3A_78 = vector.shape_cast %dot_general3A_72 : vector<400x128xf32> to vector<1x400x128xf32>
    tpu.vector_store %arg10[%swap3A_73, %swap3A_74, %swap3A_75], %swap3A_78 {strides = array<i32>} : memref<3x400x128xf32, #tpu.memory_space<vmem>>, vector<1x400x128xf32>,
    %get3A_79 = arith.constant 2 : index
    %get3A_80 = arith.constant 0 : index
    %get3A_81 = arith.constant 0 : index
    %get3A_82 = vector.load %arg4[%get3A_79, %get3A_80, %get3A_81] : memref<3x128x128xf32, #tpu.memory_space<vmem>>, vector<1x128x128xf32>
    %get3A_83 = vector.shape_cast %get3A_82 : vector<1x128x128xf32> to vector<128x128xf32>
    %dot_general3A_84 = arith.constant dense<0.000000e+00> : vector<400x128xf32>
    %dot_general3A_85 = tpu.matmul %add3A_50, %get3A_83, %dot_general3A_84 {dimension_numbers = #tpu.dot_dimension_numbers<[1], [0], [0], [1], [0, 0, 1, 1], [], []>, transpose_lhs_hint = false} : vector<400x128xf32>, vector<128x128xf32>, vector<400x128xf32> -> vector<400x128xf32>
    %swap3A_86 = arith.constant 2 : index
    %swap3A_87 = arith.constant 0 : index
    %swap3A_88 = arith.constant 0 : index
    %swap3A_89 = vector.load %arg10[%swap3A_86, %swap3A_87, %swap3A_88] : memref<3x400x128xf32, #tpu.memory_space<vmem>>, vector<1x400x128xf32>
    %swap3A_90 = vector.shape_cast %swap3A_89 : vector<1x400x128xf32> to vector<400x128xf32>
    %swap3A_91 = vector.shape_cast %dot_general3A_85 : vector<400x128xf32> to vector<1x400x128xf32>
    tpu.vector_store %arg10[%swap3A_86, %swap3A_87, %swap3A_88], %swap3A_91 {strides = array<i32>} : memref<3x400x128xf32, #tpu.memory_space<vmem>>, vector<1x400x128xf32>,
    return
  }
  func.func @transform_0(%arg0: i32) -> (i32, i32) {
    %c0_i32 = arith.constant 0 : i32
    %c0_i32_0 = arith.constant 0 : i32
    return %arg0, %c0_i32 : i32, i32
  }
  func.func @transform_1(%arg0: i32) -> (i32, i32) {
    %c0_i32 = arith.constant 0 : i32
    %c0_i32_0 = arith.constant 0 : i32
    return %arg0, %c0_i32 : i32, i32
  }
  func.func @transform_2(%arg0: i32) -> (i32, i32) {
    %c0_i32 = arith.constant 0 : i32
    %c0_i32_0 = arith.constant 0 : i32
    return %arg0, %c0_i32 : i32, i32
  }
  func.func @transform_3(%arg0: i32) -> (i32, i32, i32) {
    %c0_i32 = arith.constant 0 : i32
    %c0_i32_0 = arith.constant 0 : i32
    %c0_i32_1 = arith.constant 0 : i32
    %c0_i32_2 = arith.constant 0 : i32
    return %c0_i32, %c0_i32_0, %c0_i32_1 : i32, i32, i32
  }
  func.func @transform_4(%arg0: i32) -> (i32, i32) {
    %c0_i32 = arith.constant 0 : i32
    %c0_i32_0 = arith.constant 0 : i32
    %c0_i32_1 = arith.constant 0 : i32
    return %c0_i32, %c0_i32_0 : i32, i32
  }
  func.func @transform_5(%arg0: i32) -> (i32, i32) {
    %c0_i32 = arith.constant 0 : i32
    %c0_i32_0 = arith.constant 0 : i32
    %c0_i32_1 = arith.constant 0 : i32
    return %c0_i32, %c0_i32_0 : i32, i32
  }
  func.func @transform_6(%arg0: i32) -> (i32, i32) {
    %c0_i32 = arith.constant 0 : i32
    %c0_i32_0 = arith.constant 0 : i32
    %c0_i32_1 = arith.constant 0 : i32
    return %c0_i32, %c0_i32_0 : i32, i32
  }
  func.func @transform_7(%arg0: i32) -> (i32, i32) {
    %c0_i32 = arith.constant 0 : i32
    %c0_i32_0 = arith.constant 0 : i32
    %c0_i32_1 = arith.constant 0 : i32
    return %c0_i32, %c0_i32_0 : i32, i32
  }
  func.func @transform_8(%arg0: i32) -> (i32, i32) {
    %c0_i32 = arith.constant 0 : i32
    %c0_i32_0 = arith.constant 0 : i32
    return %arg0, %c0_i32 : i32, i32
  }
  func.func @transform_9(%arg0: i32) -> (i32, i32, i32) {
    %c0_i32 = arith.constant 0 : i32
    %c0_i32_0 = arith.constant 0 : i32
    %c0_i32_1 = arith.constant 0 : i32
    return %c0_i32, %arg0, %c0_i32_0 : i32, i32, i32
  }
}

module attributes {stable_mosaic.version = 14 : i64} {
  func.func @body(%arg0: i32, %arg1: memref<400x128xf32, #tpu.memory_space<vmem>>, %arg2: memref<400x128xf32, #tpu.memory_space<vmem>>, %arg3: memref<400x128xf32, #tpu.memory_space<vmem>>, %arg4: memref<3x128x128xf32, #tpu.memory_space<vmem>>, %arg5: memref<128x384xf32, #tpu.memory_space<vmem>>, %arg6: memref<128x384xf32, #tpu.memory_space<vmem>>, %arg7: memref<1x384xf32, #tpu.memory_space<vmem>>, %arg8: memref<1x384xf32, #tpu.memory_space<vmem>>, %arg9: memref<400x128xf32, #tpu.memory_space<vmem>>) attributes {dimension_semantics = [#tpu.dimension_semantics<arbitrary>], iteration_bounds = array<i64: 25>, scalar_prefetch = 0 : i64, scratch_operands = 0 : i64, tpu.core_type = #tpu.core_type<tc>, window_params = [{transform_indices = @transform_0, window_bounds = array<i64: 400, 128>}, {transform_indices = @transform_1, window_bounds = array<i64: 400, 128>}, {transform_indices = @transform_2, window_bounds = array<i64: 400, 128>}, {pipeline_mode = #tpu.pipeline_mode<synchronous>, transform_indices = @transform_3, window_bounds = array<i64: 3, 128, 128>}, {pipeline_mode = #tpu.pipeline_mode<synchronous>, transform_indices = @transform_4, window_bounds = array<i64: 128, 384>}, {pipeline_mode = #tpu.pipeline_mode<synchronous>, transform_indices = @transform_5, window_bounds = array<i64: 128, 384>}, {pipeline_mode = #tpu.pipeline_mode<synchronous>, transform_indices = @transform_6, window_bounds = array<i64: 1, 384>}, {pipeline_mode = #tpu.pipeline_mode<synchronous>, transform_indices = @transform_7, window_bounds = array<i64: 1, 384>}, {transform_indices = @transform_8, window_bounds = array<i64: 400, 128>}]} {
    %get3A = arith.constant 0 : index
    %get3A_0 = arith.constant 0 : index
    %get3A_1 = vector.load %arg1[%get3A, %get3A_0] : memref<400x128xf32, #tpu.memory_space<vmem>>, vector<400x128xf32>
    %get3A_2 = arith.constant 0 : index
    %get3A_3 = arith.constant 0 : index
    %get3A_4 = vector.load %arg2[%get3A_2, %get3A_3] : memref<400x128xf32, #tpu.memory_space<vmem>>, vector<400x128xf32>
    %get3A_5 = arith.constant 0 : index
    %get3A_6 = arith.constant 0 : index
    %get3A_7 = vector.load %arg3[%get3A_5, %get3A_6] : memref<400x128xf32, #tpu.memory_space<vmem>>, vector<400x128xf32>
    %add3A = arith.addf %get3A_4, %get3A_7 : vector<400x128xf32>
    %get3A_8 = arith.constant 0 : index
    %get3A_9 = arith.constant 0 : index
    %get3A_10 = vector.load %arg5[%get3A_8, %get3A_9] : memref<128x384xf32, #tpu.memory_space<vmem>>, vector<128x384xf32>
    %dot_general3A = arith.constant dense<0.000000e+00> : vector<400x384xf32>
    %dot_general3A_11 = tpu.matmul %add3A, %get3A_10, %dot_general3A {dimension_numbers = #tpu.dot_dimension_numbers<[1], [0], [0], [1], [0, 0, 1, 1], [], []>, transpose_lhs_hint = false} : vector<400x128xf32>, vector<128x384xf32>, vector<400x384xf32> -> vector<400x384xf32>
    %get3A_12 = arith.constant 0 : index
    %get3A_13 = arith.constant 0 : index
    %get3A_14 = vector.load %arg7[%get3A_12, %get3A_13] : memref<1x384xf32, #tpu.memory_space<vmem>>, vector<1x384xf32>
    %add3A_15 = vector.broadcast %get3A_14 : vector<1x384xf32> to vector<400x384xf32>
    %add3A_16 = arith.addf %dot_general3A_11, %add3A_15 : vector<400x384xf32>
    %get3A_17 = arith.constant 0 : index
    %get3A_18 = arith.constant 0 : index
    %get3A_19 = vector.load %arg6[%get3A_17, %get3A_18] : memref<128x384xf32, #tpu.memory_space<vmem>>, vector<128x384xf32>
    %dot_general3A_20 = arith.constant dense<0.000000e+00> : vector<400x384xf32>
    %dot_general3A_21 = tpu.matmul %get3A_1, %get3A_19, %dot_general3A_20 {dimension_numbers = #tpu.dot_dimension_numbers<[1], [0], [0], [1], [0, 0, 1, 1], [], []>, transpose_lhs_hint = false} : vector<400x128xf32>, vector<128x384xf32>, vector<400x384xf32> -> vector<400x384xf32>
    %get3A_22 = arith.constant 0 : index
    %get3A_23 = arith.constant 0 : index
    %get3A_24 = vector.load %arg8[%get3A_22, %get3A_23] : memref<1x384xf32, #tpu.memory_space<vmem>>, vector<1x384xf32>
    %add3A_25 = vector.broadcast %get3A_24 : vector<1x384xf32> to vector<400x384xf32>
    %add3A_26 = arith.addf %dot_general3A_21, %add3A_25 : vector<400x384xf32>
    %slice3A = vector.extract_strided_slice %add3A_16 {offsets = [0, 0], sizes = [400, 128], strides = [1, 1]} : vector<400x384xf32> to vector<400x128xf32>
    %slice3A_27 = vector.extract_strided_slice %add3A_26 {offsets = [0, 0], sizes = [400, 128], strides = [1, 1]} : vector<400x384xf32> to vector<400x128xf32>
    %add3A_28 = arith.addf %slice3A, %slice3A_27 : vector<400x128xf32>
    %logistic3A = arith.negf %add3A_28 : vector<400x128xf32>
    %logistic3A_29 = math.exp %logistic3A : vector<400x128xf32>
    %logistic3A_30 = arith.constant 1.000000e+00 : f32
    %logistic3A_31 = vector.broadcast %logistic3A_30 : f32 to vector<400x128xf32>
    %logistic3A_32 = arith.addf %logistic3A_31, %logistic3A_29 : vector<400x128xf32>
    %logistic3A_33 = arith.divf %logistic3A_31, %logistic3A_32 : vector<400x128xf32>
    %slice3A_34 = vector.extract_strided_slice %add3A_16 {offsets = [0, 128], sizes = [400, 128], strides = [1, 1]} : vector<400x384xf32> to vector<400x128xf32>
    %slice3A_35 = vector.extract_strided_slice %add3A_26 {offsets = [0, 128], sizes = [400, 128], strides = [1, 1]} : vector<400x384xf32> to vector<400x128xf32>
    %add3A_36 = arith.addf %slice3A_34, %slice3A_35 : vector<400x128xf32>
    %logistic3A_37 = arith.negf %add3A_36 : vector<400x128xf32>
    %logistic3A_38 = math.exp %logistic3A_37 : vector<400x128xf32>
    %logistic3A_39 = arith.constant 1.000000e+00 : f32
    %logistic3A_40 = vector.broadcast %logistic3A_39 : f32 to vector<400x128xf32>
    %logistic3A_41 = arith.addf %logistic3A_40, %logistic3A_38 : vector<400x128xf32>
    %logistic3A_42 = arith.divf %logistic3A_40, %logistic3A_41 : vector<400x128xf32>
    %slice3A_43 = vector.extract_strided_slice %add3A_16 {offsets = [0, 256], sizes = [400, 128], strides = [1, 1]} : vector<400x384xf32> to vector<400x128xf32>
    %slice3A_44 = vector.extract_strided_slice %add3A_26 {offsets = [0, 256], sizes = [400, 128], strides = [1, 1]} : vector<400x384xf32> to vector<400x128xf32>
    %mul3A = arith.mulf %logistic3A_33, %slice3A_44 : vector<400x128xf32>
    %add3A_45 = arith.addf %slice3A_43, %mul3A : vector<400x128xf32>
    %tanh3A = math.tanh %add3A_45 : vector<400x128xf32>
    %sub3A = arith.constant 1.000000e+00 : f32
    %sub3A_46 = vector.broadcast %sub3A : f32 to vector<400x128xf32>
    %sub3A_47 = arith.subf %sub3A_46, %logistic3A_42 : vector<400x128xf32>
    %mul3A_48 = arith.mulf %sub3A_47, %tanh3A : vector<400x128xf32>
    %mul3A_49 = arith.mulf %logistic3A_42, %get3A_1 : vector<400x128xf32>
    %add3A_50 = arith.addf %mul3A_48, %mul3A_49 : vector<400x128xf32>
    %swap3A = arith.constant 0 : index
    %swap3A_51 = arith.constant 0 : index
    %swap3A_52 = vector.load %arg9[%swap3A, %swap3A_51] : memref<400x128xf32, #tpu.memory_space<vmem>>, vector<400x128xf32>
    tpu.vector_store %arg9[%swap3A, %swap3A_51], %add3A_50 {strides = array<i32>} : memref<400x128xf32, #tpu.memory_space<vmem>>, vector<400x128xf32>,
    return
  }
  func.func @transform_0(%arg0: i32) -> (i32, i32) {
    %c0_i32 = arith.constant 0 : i32
    %c0_i32_0 = arith.constant 0 : i32
    return %arg0, %c0_i32 : i32, i32
  }
  func.func @transform_1(%arg0: i32) -> (i32, i32) {
    %c0_i32 = arith.constant 0 : i32
    %c0_i32_0 = arith.constant 0 : i32
    return %arg0, %c0_i32 : i32, i32
  }
  func.func @transform_2(%arg0: i32) -> (i32, i32) {
    %c0_i32 = arith.constant 0 : i32
    %c0_i32_0 = arith.constant 0 : i32
    return %arg0, %c0_i32 : i32, i32
  }
  func.func @transform_3(%arg0: i32) -> (i32, i32, i32) {
    %c0_i32 = arith.constant 0 : i32
    %c0_i32_0 = arith.constant 0 : i32
    %c0_i32_1 = arith.constant 0 : i32
    %c0_i32_2 = arith.constant 0 : i32
    return %c0_i32, %c0_i32_0, %c0_i32_1 : i32, i32, i32
  }
  func.func @transform_4(%arg0: i32) -> (i32, i32) {
    %c0_i32 = arith.constant 0 : i32
    %c0_i32_0 = arith.constant 0 : i32
    %c0_i32_1 = arith.constant 0 : i32
    return %c0_i32, %c0_i32_0 : i32, i32
  }
  func.func @transform_5(%arg0: i32) -> (i32, i32) {
    %c0_i32 = arith.constant 0 : i32
    %c0_i32_0 = arith.constant 0 : i32
    %c0_i32_1 = arith.constant 0 : i32
    return %c0_i32, %c0_i32_0 : i32, i32
  }
  func.func @transform_6(%arg0: i32) -> (i32, i32) {
    %c0_i32 = arith.constant 0 : i32
    %c0_i32_0 = arith.constant 0 : i32
    %c0_i32_1 = arith.constant 0 : i32
    return %c0_i32, %c0_i32_0 : i32, i32
  }
  func.func @transform_7(%arg0: i32) -> (i32, i32) {
    %c0_i32 = arith.constant 0 : i32
    %c0_i32_0 = arith.constant 0 : i32
    %c0_i32_1 = arith.constant 0 : i32
    return %c0_i32, %c0_i32_0 : i32, i32
  }
  func.func @transform_8(%arg0: i32) -> (i32, i32) {
    %c0_i32 = arith.constant 0 : i32
    %c0_i32_0 = arith.constant 0 : i32
    return %arg0, %c0_i32 : i32, i32
  }
}

</mosaic_0001>

<sc_bundles>
// kernel: kernel.11.cloned.1.call-start
scs
__scs_entry_jumppad:
0x0: {  	(pc) =	sbr.rel $0x88, $3  }
0x1: {  	(tag) =	ssettag $0x0;
	lr =	simm.s32 $0x1  }
0x2: {  	[smem:$0x3F99] =	sst lr;
	_ =	strace $0xD0000000  }
0x3: {  	_ = 	snop  }
0x4: {  	_ = 	snop  }
0x5: {  	_ = 	snop  }
0x6: {  	_ = 	snop  }
0x7: {  	_ = 	snop  }
__scs_overlays_trampoline_lowered:
0x8: {  	[smem:$0x3FA8] =	sst s0  }
0x9: {  	[smem:$0x3FA9] =	sst s1  }
0xa: {  	[smem:$0x3FAA] =	sst s2  }
0xb: {  	[smem:$0x3FAB] =	sst s3  }
0xc: {  	[smem:$0x3FAC] =	sst s4  }
0xd: {  	[smem:$0x3FAD] =	sst s5  }
0xe: {  	[smem:$0x3FAE] =	sst s6  }
0xf: {  	[smem:$0x3FAF] =	sst s7  }
0x10: {  	[smem:$0x3FB0] =	sst s8  }
0x11: {  	[smem:$0x3FB1] =	sst s9;
	s0 =	simm.s32 @!p0 $0x0  }
0x12: {  	s1 =	sld [smem:$0x3F97];
	s0 =	simm.s32 @p0 $0x1  }
0x13: {  	[smem:$0x3FB2] =	sst s0;
	s0 =	simm.s32 @!p1 $0x0  }
0x14: {  	s2 =	sld [smem:$0x3F96];
	s0 =	simm.s32 @p1 $0x1  }
0x15: {  	[smem:$0x3FB3] =	sst s0;
	s0 =	simm.s32 @!p2 $0x0  }
0x16: {  	s3 =	sld [smem:$0x3FDB];
	s0 =	simm.s32 @p2 $0x1  }
0x17: {  	s4 =	simm.s32 $0x1BF5;
	[smem:$0x3FB5] =	sst s0  }
0x18: {  	s0 =	sld [smem:$0x3F98];
	_ =	swait.ge [sflag:s4], $0x0  }
0x19: {  	s7 =	sld [smem:$0x3F99]  }
0x1a: {  	s8 =	sadd.s32 $0xFFFFE003, lr  }
0x1b: {  	s9 =	sadd.s32 $0xFFFFFEF7, lr;
	s5 =	simm.s32 $0xFFFFFFFF;
	p2 =	slt.u32 s8, $0xFFFFF086  }
0x1c: {  	p1 =	slt.u32 s9, $0xF7A;
	s5 =	simm.s32 @!p2 $0x0  }
0x1d: {  	s5 =	simm.s32 @p1 $0x1;
	p0 =	seq.s32 s7, s2  }
0x1e: {  	s7 =	smul.u32 @!p0 $0xF7A, s2;
	p2 =	seq.s32 @!p0 s5, $0x0  }
0x1f: {  	s9 =	smul.u32 $0xF7A, s1;
	s8 =	simm.s32 @!p0 $0x1BF5;
	p2 =	por !p2, p0  }
0x20: {  	[sflag:s8] =	ssyncset.s32 @!p0 $0xFFFFF086;
	s6 =	sadd.s32 @!p0 s3, s7;
	s7 =	simm.s32 @!p0 $0x108  }
0x21: {  	s3 =	sadd.s32 s3, s9;
	s6 =	sadd.s32 @!p0 $0x88, s6;
	s7 =	simm.s32 @p2 $0x1082  }
0x22: {  	[simem:s7], [sflag:s8] =	dma.local @!p0 [hbm:s6], $0xF7A  }
0x23: {  	s9 =	sor.u32 $0xD0000000, s2;
	s6 =	simm.s32 $0x108;
	_ =	swait.ge @!p0 [sflag:s8], $0x0  }
0x24: {  	s3 =	sadd.s32 $0x88, s3;
	s6 =	simm.s32 @!p1 $0x1082;
	[sflag:s4] =	ssyncset.s32 $0xFFFFF086  }
0x25: {  	[simem:s6], [sflag:s4] =	dma.local [hbm:s3], $0xF7A  }
0x26: {  	[smem:$0x3F99] =	sst s1;
	(tag) =	ssettag s2;
	_ =	strace s9  }
0x27: {  	s1 =	sld [smem:$0x3FA9]  }
0x28: {  	s2 =	sld [smem:$0x3FAA]  }
0x29: {  	s4 =	sld [smem:$0x3FAC]  }
0x2a: {  	p0 =	seq.s32 s5, $0x0;
	s5 =	sld [smem:$0x3FAD]  }
0x2b: {  	s6 =	sld [smem:$0x3FAE]  }
0x2c: {  	s7 =	sld [smem:$0x3FAF]  }
0x2d: {  	s3 =	simm.s32 $0x108;
	s8 =	sld [smem:$0x3FB0]  }
0x2e: {  	s3 =	simm.s32 @!p0 $0x1082;
	s9 =	sld [smem:$0x3FB1]  }
0x2f: {  	lr =	sadd.s32 s0, s3;
	s0 =	sld [smem:$0x3FA8]  }
0x30: {  	s3 =	sld [smem:$0x3FAB]  }
0x31: {  	[smem:$0x3FB4] =	sst s10  }
0x32: {  	s10 =	sld [smem:$0x3FB2];
	_ =	sdelay $0x3  }
0x33: {  	p0 =	seq.s32 s10, $0x1;
	s10 =	sld [smem:$0x3FB4];
	_ =	sdelay $0x3  }
0x34: {  	[smem:$0x3FB4] =	sst s10  }
0x35: {  	s10 =	sld [smem:$0x3FB3];
	_ =	sdelay $0x3  }
0x36: {  	p1 =	seq.s32 s10, $0x1;
	s10 =	sld [smem:$0x3FB4];
	_ =	sdelay $0x3  }
0x37: {  	[smem:$0x3FB4] =	sst s10  }
0x38: {  	s10 =	sld [smem:$0x3FB5]  }
0x39: {  	_ = 	snop;
	(pc) =	sbr.ind lr, $3  }
0x3a: {  	_ = 	snop  }
0x3b: {  	_ = 	snop  }
0x3c: {  	p2 =	seq.s32 s10, $0x1;
	s10 =	sld [smem:$0x3FB4]  }
0x3d: {  	_ =	shalt  }
0x3e: {  	_ =	shalt  }
0x3f: {  	_ =	shalt  }
0x40: {  	_ =	shalt  }
0x41: {  	_ =	shalt  }
0x42: {  	_ =	shalt  }
0x43: {  	_ =	shalt  }
0x44: {  	_ =	shalt  }
0x45: {  	_ =	shalt  }
0x46: {  	_ =	shalt  }
0x47: {  	_ =	shalt  }
0x48: {  	_ =	shalt  }
0x49: {  	_ =	shalt  }
0x4a: {  	_ =	shalt  }
0x4b: {  	_ =	shalt  }
0x4c: {  	_ =	shalt  }
0x4d: {  	_ =	shalt  }
0x4e: {  	_ =	shalt  }
0x4f: {  	_ =	shalt  }
0x50: {  	_ =	shalt  }
0x51: {  	_ =	shalt  }
0x52: {  	_ =	shalt  }
0x53: {  	_ =	shalt  }
0x54: {  	_ =	shalt  }
0x55: {  	_ =	shalt  }
0x56: {  	_ =	shalt  }
0x57: {  	_ =	shalt  }
0x58: {  	_ =	shalt  }
0x59: {  	_ =	shalt  }
0x5a: {  	_ =	shalt  }
0x5b: {  	_ =	shalt  }
0x5c: {  	_ =	shalt  }
0x5d: {  	_ =	shalt  }
0x5e: {  	_ =	shalt  }
0x5f: {  	_ =	shalt  }
0x60: {  	_ =	shalt  }
0x61: {  	_ =	shalt  }
0x62: {  	_ =	shalt  }
0x63: {  	_ =	shalt  }
0x64: {  	_ =	shalt  }
0x65: {  	_ =	shalt  }
0x66: {  	_ =	shalt  }
0x67: {  	_ =	shalt  }
0x68: {  	_ =	shalt  }
0x69: {  	_ =	shalt  }
0x6a: {  	_ =	shalt  }
0x6b: {  	_ =	shalt  }
0x6c: {  	_ =	shalt  }
0x6d: {  	_ =	shalt  }
0x6e: {  	_ =	shalt  }
0x6f: {  	_ =	shalt  }
0x70: {  	_ =	shalt  }
0x71: {  	_ =	shalt  }
0x72: {  	_ =	shalt  }
0x73: {  	_ =	shalt  }
0x74: {  	_ =	shalt  }
0x75: {  	_ =	shalt  }
0x76: {  	_ =	shalt  }
0x77: {  	_ =	shalt  }
0x78: {  	_ =	shalt  }
0x79: {  	_ =	shalt  }
0x7a: {  	_ =	shalt  }
0x7b: {  	_ =	shalt  }
0x7c: {  	_ =	shalt  }
0x7d: {  	_ =	shalt  }
0x7e: {  	_ =	shalt  }
0x7f: {  	_ =	shalt  }
0x80: {  	_ =	shalt  }
0x81: {  	_ =	shalt  }
0x82: {  	_ =	shalt  }
0x83: {  	_ =	shalt  }
0x84: {  	_ =	shalt  }
0x85: {  	_ =	shalt  }
0x86: {  	_ =	shalt  }
0x87: {  	_ =	shalt  }
.Lfunc_end0:
.L_simem_size_0:
called_computation_lowered:
.L_overlay_start_0:
0x88: {  	s2 =	sld [smem:$0x3FD9]  }
0x89: {  	s3 =	sld [smem:$0x3FFE];
	_ =	sdelay $0x1  }
0x8a: {  	s1 =	srdreg.scid  }
0x8b: {  	s0 =	sand.u32 $0x1, s1  }
0x8c: {  	s17 =	sshll.u32 s0, $0xA;
	s2 =	sadd.s32 s3, s2  }
0x8d: {  	s2 =	sadd.s32 s2, s17  }
0x8e: {  	[smem:$0x3FC0] =	sst s2  }
0x8f: {  	_ = 	snop  }
0x90: {  	s2 =	sld [smem:$0x3FD0];
	(tm) =	ssettm $0x1  }
0x91: {  	s18 =	sld [smem:$0x3FFB];
	_ =	sdelay $0x3  }
0x92: {  	_ =	strace s18  }
0x93: {  	s3 =	sld [smem:$0x3FFC];
	_ =	sdelay $0x3  }
0x94: {  	_ =	strace s3  }
0x95: {  	s3 =	sld [smem:$0x3FFD];
	_ =	sdelay $0x3  }
0x96: {  	_ =	strace s3  }
0x97: {  	_ =	strace $0x8FFFFFFF  }
0x98: {  	s19 =	sld [smem:$0x3FDB];
	_ =	sdelay $0x1  }
0x99: {  	s4 =	simm.s32 $_scs_section_size  }
0x9a: {  	s5 =	simm.s32 $_size__tile_overlayer_lowered;
	s6 =	simm.s32 $_tile_overlayer_lowered  }
0x9b: {  	s22 =	simm.s32 $0x1BFF;
	s21 =	sshll.u32 s6, $0x1;
	s3 =	sadd.s32 s4, s19  }
0x9c: {  	s7 =	simm.s32 $0x0;
	s20 =	sshll.u32 s5, $0x1;
	s5 =	sadd.s32 s21, s3  }
0x9d: {  	[timem:s7], [sflag:s22] =	dma.local [hbm:s5], s20  }
0x9e: {  	_ =	swait.ge [sflag:s22], s20  }
0x9f: {  	s4 =	ssub.s32 $0x0, s20;
	[sflag:s22] =	ssyncset.done $0x0  }
0xa0: {  	[sflag:s22] =	ssyncadd.s32 s4;
	_ =	sdelay $0x1  }
0xa1: {  	s23 =	simm.s32 $0x1B8B  }
0xa2: {  	_ =	swait.ge [sflag:s23], $0x1  }
0xa3: {  	[sflag:s23] =	ssyncset.done $0x0  }
0xa4: {  	s25 =	simm.s32 $0x1B8E;
	s24 =	sld [smem:$0x3FFE];
	[sflag:s23] =	ssyncadd.s32 $0xFFFFFFFF  }
0xa5: {  	s26 =	simm.s32 $execute0_lowered;
	[smem:$0x3FD2] =	sst s25  }
0xa6: {  	s5 =	sshll.u32 s26, $0x1;
	_ =	strace $0x80000046;
	[dreg:$0x1] =	wrdreg $0xFFFFFFFF  }
0xa7: {  	s28 =	simm.s32 $_size_execute0_lowered;
	s3 =	sadd.s32 s3, s5;
	[dreg:$0x0] =	wrdreg $0x0  }
0xa8: {  	s5 =	sshll.u32 s28, $0x1;
	[dreg:$0x2] =	wrdreg s3  }
0xa9: {  	[dreg:$0x3] =	wrdreg s5  }
0xaa: {  	[dreg:$0x4] =	wrdreg $0xC0  }
0xab: {  	_ =	task [dreg:s7], $0x5FFFF  }
0xac: {  	[dreg:$0x1] =	wrdreg $0xFFFFFFFF  }
0xad: {  	[dreg:$0x0] =	wrdreg $0x60  }
0xae: {  	[dreg:$0x2] =	wrdreg s24  }
0xaf: {  	[dreg:$0x3] =	wrdreg s2  }
0xb0: {  	[dreg:$0x4] =	wrdreg $0x8F000  }
0xb1: {  	[dreg:$0x5] =	wrdreg $0x9  }
0xb2: {  	_ =	task.clear_ibuf [dreg:s7], $0x6FFFF;
	_ =	strace $0x90000046  }
0xb3: {  	s29 =	simm.s32 $0x9;
	_ =	strace $0x80000048  }
0xb4: {  	_ =	swait.ge [sflag:s29], $0x1  }
0xb5: {  	[sflag:s29] =	ssyncadd.s32 $0xFFFFFFFF  }
0xb6: {  	_ =	strace $0x90000048  }
0xb7: {  	_ =	sfence  }
0xb8: {  	s30 =	sld [smem:$0x0];
	_ =	sdelay $0x2  }
0xb9: {  	s31 =	sshll.u32 s1, $0xD;
	s1 =	sshrl.u32 s1, $0x2  }
0xba: {  	s3 =	sand.u32 $0x4000, s31;
	s1 =	sadd.s32 s1, s30  }
0xbb: {  	s0 =	sor.u32 s3, s0;
	s1 =	sshll.u32 s1, $0x11  }
0xbc: {  	s0 =	sor.u32 s1, s0  }
0xbd: {  	s0 =	sadd.s32 $0x8F2B, s0  }
0xbe: {  	[sflag:s0] =	ssyncadd.remote.s32 $0x1  }
0xbf: {  	_ =	sfence.sel $0xFFFF  }
0xc0: {  	[dreg:$0x0] =	wrdreg $0xFFFFFFFF;
	(pc) =	sbr.abs _section_cstart, $3  }
0xc1: {  	[dreg:$0x1] =	wrdreg $0xFFFFFFFF  }
0xc2: {  	_ =	task.clear_ibuf [dreg:s7], $0x2FFFF;
	_ =	strace $0x9FFFFFFF  }
0xc3: {  	(tm) =	ssettm $0x7FFFFFFF  }
tec
execute0_lowered:
.L_overlay_start_1:
0x0: {  	(tag) =	ssettag $0x1  }
0x1: {  	s5 =	rddreg [dreg:$0x0]  }
0x2: {  	s6 =	rddreg [dreg:$0x1]  }
0x3: {  	s1 =	rddreg [dreg:$0x2]  }
0x4: {  	s2 =	srdreg.scid;
	s3 =	simm.s32 $0x0;
	s0 =	stileid.u32  }
0x5: {  	s25 =	simm.s32 $0x2780;
	s28 =	simm.s32 $0x1;
	s29 =	simm.s32 $0x0  }
0x6: {  	s7 =	sand.u32 $0x1, s2;
	[smem:$0x7FF] =	sst s3;
	s10 =	smul.u32 $0x50000, s0  }
0x7: {  	s22 =	sadd.s32 $0x81E00, s5;
	s18 =	smul.u32 $0x14000, s0;
	s4 =	sshll.u32 s7, $0x4  }
0x8: {  	_ =	strace $0x80000047;
	s9 =	ssub.s32 $0x2, s7;
	s19 =	smul.u32 $0x140000, s7  }
0x9: {  	s4 =	sor.u32 s0, s4;
	s26 =	sshrl.u32 s9, $0x1;
	s30 =	sshrl.u32 s10, $0x2  }
0xa: {  	s15 =	sadd.s32 $0x4000, s18;
	s20 =	sadd.s32 $0x8000, s18;
	s21 =	sadd.s32 $0xC000, s18  }
0xb: {  	s23 =	sadd.s32 $0x10000, s18;
	s8 =	smul.u32 $0x4F0, s4;
	s4 =	sadd.s32 $0xCA00, s5  }
0xc: {  	s9 =	ssub.s32 s9, s26;
	s13 =	sadd.s32 s19, s18;
	s16 =	sadd.s32 s19, s15  }
0xd: {  	s15 =	sadd.s32 s15, s1;
	s17 =	sadd.s32 s20, s1;
	s20 =	sadd.s32 s19, s20  }
0xe: {  	s31 =	sadd.s32 s19, s21;
	s24 =	sadd.s32 s19, s23;
	s19 =	sadd.s32 s21, s1  }
0xf: {  	s21 =	sadd.s32 s23, s1;
	s23 =	simm.s32 $0x4F00;
	s26 =	simm.s32 $0x80  }
0x10: {  	s9 =	smax.u32 s9, $0x1;
	s14 =	sshrl.u32 s13, $0x3;
	s16 =	sshrl.u32 s16, $0x3  }
0x11: {  	s20 =	sshrl.u32 s20, $0x3;
	s24 =	sshrl.u32 s24, $0x3;
	s11 =	sadd.s32 s8, s5  }
0x12: {  	s5 =	sadd.s32 s30, s1;
	s6 =	sadd.s32 s6, s8;
	s8 =	sadd.s32 s18, s1  }
0x13: {  	s14 =	sadd.s32 s22, s14;
	s16 =	sadd.s32 s22, s16;
	s18 =	sadd.s32 s22, s20  }
0x14: {  	s20 =	sshrl.u32 s31, $0x3;
	s7 =	sadd.s32 $0x2C00, s11;
	s10 =	sadd.s32 $0x4000, s5  }
0x15: {  	s11 =	sadd.s32 $0x8000, s5;
	s12 =	sadd.s32 $0xC000, s5;
	s13 =	sadd.s32 $0x10000, s5  }
0x16: {  	v0 =	vimm.f32 $0.0e+00;
	s20 =	sadd.s32 s22, s20;
	s22 =	sadd.s32 s22, s24;
	s24 =	simm.s32 $0x2  }
.LBB2_1:
0x17: {  	s30 =	simm.s32 $0x0;
	s31 =	simm.s32 $0x200  }
.LBB2_2:
0x18: {  	p0 =	sne.s32 s31, $0xFE00;
	[tilespmem:s30+$0x4F70] =	vst v0  }
0x19: {  	[tilespmem:s30+$0x4F00] =	vst v0  }
0x1a: {  	[tilespmem:s30+$0x4F10] =	vst v0  }
.Ltmp0:
0x1b: {  	[tilespmem:s30+$0x4F20] =	vst v0;
	(pc) =	sbr.rel @p0 .LBB2_2-.Ltmp0, $4  }
0x1c: {  	[tilespmem:s30+$0x4F30] =	vst v0  }
0x1d: {  	[tilespmem:s30+$0x4F40] =	vst v0  }
0x1e: {  	[tilespmem:s30+$0x4F50] =	vst v0  }
0x1f: {  	[tilespmem:s30+$0x4F60] =	vst v0;
	s30 =	sshra.s32 s31, $0x2;
	s31 =	sadd.s32 $0x200, s31  }
0x20: {  	[tilespmem:s30+$0x4F70] =	vst v0  }
0x21: {  	[tilespmem:s30+$0x4F00] =	vst v0  }
0x22: {  	[tilespmem:s30+$0x4F10] =	vst v0  }
0x23: {  	[tilespmem:s30+$0x4F20] =	vst v0  }
0x24: {  	[tilespmem:s30+$0x4F30] =	vst v0  }
0x25: {  	[tilespmem:s30+$0x4F40] =	vst v0  }
0x26: {  	[tilespmem:s30+$0x4F50] =	vst v0  }
0x27: {  	[tilespmem:s30+$0x4F60] =	vst v0  }
0x28: {  	[spmem:s5] =	stream.linear.scatter [tilespmem:s23], [sflag:$0x2], $0x4000, $0x38;
	[tilespmem:$0x1CF00] =	vst v63  }
0x29: {  	_ =	swait.ge [sflag:s24], $0x4000  }
0x2a: {  	[sflag:s24] =	ssyncset.done $0x0  }
0x2b: {  	[sflag:s24] =	ssyncadd.s32 $0xFFFFC000  }
0x2c: {  	[spmem:s10] =	stream.linear.scatter [tilespmem:s23], [sflag:$0x2], $0x4000, $0x38;
	[tilespmem:$0x1CF00] =	vst v63  }
0x2d: {  	_ =	swait.ge [sflag:s24], $0x4000  }
0x2e: {  	[sflag:s24] =	ssyncset.done $0x0  }
0x2f: {  	[sflag:s24] =	ssyncadd.s32 $0xFFFFC000  }
0x30: {  	[spmem:s11] =	stream.linear.scatter [tilespmem:s23], [sflag:$0x2], $0x4000, $0x38;
	[tilespmem:$0x1CF00] =	vst v63  }
0x31: {  	_ =	swait.ge [sflag:s24], $0x4000  }
0x32: {  	[sflag:s24] =	ssyncset.done $0x0  }
0x33: {  	[sflag:s24] =	ssyncadd.s32 $0xFFFFC000  }
0x34: {  	[spmem:s12] =	stream.linear.scatter [tilespmem:s23], [sflag:$0x2], $0x4000, $0x38;
	[tilespmem:$0x1CF00] =	vst v63  }
0x35: {  	_ =	swait.ge [sflag:s24], $0x4000  }
0x36: {  	[sflag:s24] =	ssyncset.done $0x0  }
0x37: {  	[sflag:s24] =	ssyncadd.s32 $0xFFFFC000  }
0x38: {  	[spmem:s13] =	stream.linear.scatter [tilespmem:s23], [sflag:$0x2], $0x4000, $0x38;
	[tilespmem:$0x1CF00] =	vst v63  }
0x39: {  	_ =	swait.ge [sflag:s24], $0x4000  }
0x3a: {  	[sflag:s24] =	ssyncset.done $0x0  }
0x3b: {  	[sflag:s24] =	ssyncadd.s32 $0xFFFFC000  }
0x3c: {  	s30 =	simm.s32 $0x0;
	[bflag:$0x0] =	sbarrier.arrive $0xFFFF  }
0x3d: {  	[tilespmem:s30], [sflag:$0x2] =	stream.linear.gather [hbm4b:s6+s30], $0x2780, $0x38;
	[tilespmem:$0x1CF00] =	vst v63  }
0x3e: {  	_ =	swait.ge [sflag:s24], $0x2780  }
0x3f: {  	[sflag:s24] =	ssyncset.done $0x0  }
0x40: {  	[sflag:s24] =	ssyncadd.s32 $0xFFFFD880  }
0x41: {  	[tilespmem:s25], [sflag:$0x2] =	stream.linear.gather [hbm4b:s7+s30], $0x2780, $0x38;
	[tilespmem:$0x1CF00] =	vst v63  }
0x42: {  	_ =	swait.ge [sflag:s24], $0x2780  }
0x43: {  	[sflag:s24] =	ssyncset.done $0x0  }
0x44: {  	s30 =	simm.s32 $0x0;
	[sflag:s24] =	ssyncadd.s32 $0xFFFFD880  }
0x45: {  	[tilespmem:s23], [sflag:$0x1] =	stream.indirect.gather [hbm4b:s4+s26], $0x80, s30, s26, $0xb8;
	[tilespmem:$0x1CF00] =	vst v63  }
0x46: {  	_ =	swait.ge [sflag:s28], $0x4000  }
0x47: {  	[sflag:s28] =	ssyncset.done $0x0  }
0x48: {  	s30 =	simm.s32 $0x2780;
	[sflag:s28] =	ssyncadd.s32 $0xFFFFC000  }
0x49: {  	[spmem:s1] =	stream.indirect.scatter.add.f32 [tilespmem:s23], [sflag:$0x2], $0x80, s30, s26, $0xb8;
	[tilespmem:$0x1CF00] =	vst v63  }
0x4a: {  	_ =	swait.ge [sflag:s24], $0x4000  }
0x4b: {  	s31 =	simm.s32 $0x400;
	s30 =	simm.s32 $0x200;
	[sflag:s24] =	ssyncset.done $0x0  }
.LBB2_4:
0x4c: {  	s0 =	sshra.s32 s30, $0x2  }
0x4d: {  	[sflag:s24] =	ssyncadd.s32 $0xFFFFC000;
	s30 =	smov.u32 s31;
	s2 =	sadd.s32 $0x200, s31  }
0x4e: {  	[tilespmem:s23], [sflag:$0x1] =	stream.indirect.gather [hbm4b:s4+s26], $0x80, s0, s26, $0xb8;
	[tilespmem:$0x1CF00] =	vst v63  }
0x4f: {  	p0 =	sne.s32 s31, $0x9C00;
	_ =	swait.ge [sflag:s28], $0x4000  }
.Ltmp1:
0x50: {  	[sflag:s28] =	ssyncset.done $0x0;
	(pc) =	sbr.rel @p0 .LBB2_4-.Ltmp1, $4  }
0x51: {  	s0 =	sadd.s32 $0x2780, s0;
	[sflag:s28] =	ssyncadd.s32 $0xFFFFC000  }
0x52: {  	[spmem:s1] =	stream.indirect.scatter.add.f32 [tilespmem:s23], [sflag:$0x2], $0x80, s0, s26, $0xb8;
	[tilespmem:$0x1CF00] =	vst v63  }
0x53: {  	_ =	swait.ge [sflag:s24], $0x4000  }
0x54: {  	s31 =	smov.u32 s2;
	[sflag:s24] =	ssyncset.done $0x0  }
0x55: {  	s0 =	sshra.s32 s30, $0x2;
	[sflag:s24] =	ssyncadd.s32 $0xFFFFC000  }
0x56: {  	[tilespmem:s23], [sflag:$0x1] =	stream.indirect.gather [hbm4b:s4+s26], $0x80, s0, s26, $0xb8;
	[tilespmem:$0x1CF00] =	vst v63  }
0x57: {  	_ =	swait.ge [sflag:s28], $0x4000  }
0x58: {  	[sflag:s28] =	ssyncset.done $0x0  }
0x59: {  	s0 =	sadd.s32 $0x2780, s0;
	[sflag:s28] =	ssyncadd.s32 $0xFFFFC000  }
0x5a: {  	[spmem:s1] =	stream.indirect.scatter.add.f32 [tilespmem:s23], [sflag:$0x2], $0x80, s0, s26, $0xb8;
	[tilespmem:$0x1CF00] =	vst v63  }
0x5b: {  	_ =	swait.ge [sflag:s24], $0x4000  }
0x5c: {  	[sflag:s24] =	ssyncset.done $0x0  }
0x5d: {  	[sflag:s24] =	ssyncadd.s32 $0xFFFFC000  }
0x5e: {  	[bflag:$0x0] =	sbarrier.arrive $0xFFFF  }
0x5f: {  	[tilespmem:s23], [sflag:$0x2] =	stream.linear.gather [spmem:s8], $0x4000, $0x38;
	[tilespmem:$0x1CF00] =	vst v63  }
0x60: {  	_ =	swait.ge [sflag:s24], $0x4000  }
0x61: {  	[sflag:s24] =	ssyncset.done $0x0  }
0x62: {  	[sflag:s24] =	ssyncadd.s32 $0xFFFFC000  }
0x63: {  	[hbm4b:s14+s3] =	stream.linear.scatter [tilespmem:s23], [sflag:$0x2], $0x4000, $0x38;
	[tilespmem:$0x1CF00] =	vst v63  }
0x64: {  	_ =	swait.ge [sflag:s24], $0x4000  }
0x65: {  	[sflag:s24] =	ssyncset.done $0x0  }
0x66: {  	[sflag:s24] =	ssyncadd.s32 $0xFFFFC000  }
0x67: {  	[tilespmem:s23], [sflag:$0x2] =	stream.linear.gather [spmem:s15], $0x4000, $0x38;
	[tilespmem:$0x1CF00] =	vst v63  }
0x68: {  	_ =	swait.ge [sflag:s24], $0x4000  }
0x69: {  	[sflag:s24] =	ssyncset.done $0x0  }
0x6a: {  	[sflag:s24] =	ssyncadd.s32 $0xFFFFC000  }
0x6b: {  	[hbm4b:s16+s3] =	stream.linear.scatter [tilespmem:s23], [sflag:$0x2], $0x4000, $0x38;
	[tilespmem:$0x1CF00] =	vst v63  }
0x6c: {  	_ =	swait.ge [sflag:s24], $0x4000  }
0x6d: {  	[sflag:s24] =	ssyncset.done $0x0  }
0x6e: {  	[sflag:s24] =	ssyncadd.s32 $0xFFFFC000  }
0x6f: {  	[tilespmem:s23], [sflag:$0x2] =	stream.linear.gather [spmem:s17], $0x4000, $0x38;
	[tilespmem:$0x1CF00] =	vst v63  }
0x70: {  	_ =	swait.ge [sflag:s24], $0x4000  }
0x71: {  	[sflag:s24] =	ssyncset.done $0x0  }
0x72: {  	[sflag:s24] =	ssyncadd.s32 $0xFFFFC000  }
0x73: {  	[hbm4b:s18+s3] =	stream.linear.scatter [tilespmem:s23], [sflag:$0x2], $0x4000, $0x38;
	[tilespmem:$0x1CF00] =	vst v63  }
0x74: {  	_ =	swait.ge [sflag:s24], $0x4000  }
0x75: {  	[sflag:s24] =	ssyncset.done $0x0  }
0x76: {  	[sflag:s24] =	ssyncadd.s32 $0xFFFFC000  }
0x77: {  	[tilespmem:s23], [sflag:$0x2] =	stream.linear.gather [spmem:s19], $0x4000, $0x38;
	[tilespmem:$0x1CF00] =	vst v63  }
0x78: {  	_ =	swait.ge [sflag:s24], $0x4000  }
0x79: {  	[sflag:s24] =	ssyncset.done $0x0  }
0x7a: {  	[sflag:s24] =	ssyncadd.s32 $0xFFFFC000  }
0x7b: {  	[hbm4b:s20+s3] =	stream.linear.scatter [tilespmem:s23], [sflag:$0x2], $0x4000, $0x38;
	[tilespmem:$0x1CF00] =	vst v63  }
0x7c: {  	_ =	swait.ge [sflag:s24], $0x4000  }
0x7d: {  	[sflag:s24] =	ssyncset.done $0x0  }
0x7e: {  	[sflag:s24] =	ssyncadd.s32 $0xFFFFC000  }
0x7f: {  	[tilespmem:s23], [sflag:$0x2] =	stream.linear.gather [spmem:s21], $0x4000, $0x38;
	[tilespmem:$0x1CF00] =	vst v63  }
0x80: {  	s29 =	sadd.s32 $0x1, s29;
	_ =	swait.ge [sflag:s24], $0x4000  }
0x81: {  	p0 =	sne.s32 s29, s9;
	[sflag:s24] =	ssyncset.done $0x0  }
.Ltmp2:
0x82: {  	[sflag:s24] =	ssyncadd.s32 $0xFFFFC000;
	(pc) =	sbr.rel @p0 .LBB2_1-.Ltmp2, $4  }
0x83: {  	[hbm4b:s22+s3] =	stream.linear.scatter [tilespmem:s23], [sflag:$0x2], $0x4000, $0x38;
	[tilespmem:$0x1CF00] =	vst v63  }
0x84: {  	_ =	swait.ge [sflag:s24], $0x4000  }
0x85: {  	[sflag:s24] =	ssyncset.done $0x0  }
0x86: {  	[sflag:s24] =	ssyncadd.s32 $0xFFFFC000  }
0x87: {  	_ =	sfence.sel $0x180000  }
0x88: {  	[bflag:$0x0] =	sbarrier.arrive $0xFFFF  }
0x89: {  	_ =	strace $0x90000047  }
0x8a: {  	s0 =	stileid.u32;
	[bflag:$0x2] =	sbarrier.arrive $0xFFFF  }
0x8b: {  	p0 =	sne.s32 s0, $0x0;
	s0 =	rddreg [dreg:$0x3]  }
0x8c: {  	s0 =	sadd.s32 @!p0 $0x100000, s0  }
0x8d: {  	[sflag:s0] =	ssyncadd.tile.s32 @!p0 $0x1;
	_ =	shalt  }
.Lfunc_end2:
_tile_overlayer_lowered:
.L_overlay_start_2:
0x8e: {  	(tag) =	ssettag $0x2  }
0x8f: {  	s0 =	rddreg [dreg:$0x0];
	s2 =	stileid.u32  }
0x90: {  	s1 =	rddreg [dreg:$0x1];
	p0 =	sne.s32 s2, $0x0  }
0x91: {  	s3 =	rddreg [dreg:$0x2];
	[bflag:$0x3] =	sbarrier.arrive $0xFFFF;
	s2 =	simm.s32 @!p0 $0x1C02  }
0x92: {  	[timem:s3], [sflag:s2] =	dma.local @!p0 [hbm:s0], s1  }
0x93: {  	s0 =	simm.s32 @!p0 $0x2  }
0x94: {  	_ =	swait.ge @!p0 [sflag:s0], s1  }
0x95: {  	s1 =	ssub.s32 @!p0 $0x0, s1;
	[sflag:s0] =	ssyncset.done @!p0 $0x0  }
0x96: {  	[sflag:s0] =	ssyncadd.s32 @!p0 s1  }
0x97: {  	[bflag:$0x3] =	sbarrier.arrive $0xFFFF  }
0x98: {  	_ =	shalt  }

// kernel: kernel.14.cloned.1.call-start
scs
__scs_entry_jumppad:
0x0: {  	(pc) =	sbr.rel $0x88, $3  }
0x1: {  	(tag) =	ssettag $0x0;
	lr =	simm.s32 $0x1  }
0x2: {  	[smem:$0x3F99] =	sst lr;
	_ =	strace $0xD0000000  }
0x3: {  	_ = 	snop  }
0x4: {  	_ = 	snop  }
0x5: {  	_ = 	snop  }
0x6: {  	_ = 	snop  }
0x7: {  	_ = 	snop  }
__scs_overlays_trampoline_lowered:
0x8: {  	[smem:$0x3FA8] =	sst s0  }
0x9: {  	[smem:$0x3FA9] =	sst s1  }
0xa: {  	[smem:$0x3FAA] =	sst s2  }
0xb: {  	[smem:$0x3FAB] =	sst s3  }
0xc: {  	[smem:$0x3FAC] =	sst s4  }
0xd: {  	[smem:$0x3FAD] =	sst s5  }
0xe: {  	[smem:$0x3FAE] =	sst s6  }
0xf: {  	[smem:$0x3FAF] =	sst s7  }
0x10: {  	[smem:$0x3FB0] =	sst s8  }
0x11: {  	[smem:$0x3FB1] =	sst s9;
	s0 =	simm.s32 @!p0 $0x0  }
0x12: {  	s1 =	sld [smem:$0x3F97];
	s0 =	simm.s32 @p0 $0x1  }
0x13: {  	[smem:$0x3FB2] =	sst s0;
	s0 =	simm.s32 @!p1 $0x0  }
0x14: {  	s2 =	sld [smem:$0x3F96];
	s0 =	simm.s32 @p1 $0x1  }
0x15: {  	[smem:$0x3FB3] =	sst s0;
	s0 =	simm.s32 @!p2 $0x0  }
0x16: {  	s3 =	sld [smem:$0x3FDB];
	s0 =	simm.s32 @p2 $0x1  }
0x17: {  	s4 =	simm.s32 $0x1BF5;
	[smem:$0x3FB5] =	sst s0  }
0x18: {  	s0 =	sld [smem:$0x3F98];
	_ =	swait.ge [sflag:s4], $0x0  }
0x19: {  	s7 =	sld [smem:$0x3F99]  }
0x1a: {  	s8 =	sadd.s32 $0xFFFFE003, lr  }
0x1b: {  	s9 =	sadd.s32 $0xFFFFFEF7, lr;
	s5 =	simm.s32 $0xFFFFFFFF;
	p2 =	slt.u32 s8, $0xFFFFF086  }
0x1c: {  	p1 =	slt.u32 s9, $0xF7A;
	s5 =	simm.s32 @!p2 $0x0  }
0x1d: {  	s5 =	simm.s32 @p1 $0x1;
	p0 =	seq.s32 s7, s2  }
0x1e: {  	s7 =	smul.u32 @!p0 $0xF7A, s2;
	p2 =	seq.s32 @!p0 s5, $0x0  }
0x1f: {  	s9 =	smul.u32 $0xF7A, s1;
	s8 =	simm.s32 @!p0 $0x1BF5;
	p2 =	por !p2, p0  }
0x20: {  	[sflag:s8] =	ssyncset.s32 @!p0 $0xFFFFF086;
	s6 =	sadd.s32 @!p0 s3, s7;
	s7 =	simm.s32 @!p0 $0x108  }
0x21: {  	s3 =	sadd.s32 s3, s9;
	s6 =	sadd.s32 @!p0 $0x88, s6;
	s7 =	simm.s32 @p2 $0x1082  }
0x22: {  	[simem:s7], [sflag:s8] =	dma.local @!p0 [hbm:s6], $0xF7A  }
0x23: {  	s9 =	sor.u32 $0xD0000000, s2;
	s6 =	simm.s32 $0x108;
	_ =	swait.ge @!p0 [sflag:s8], $0x0  }
0x24: {  	s3 =	sadd.s32 $0x88, s3;
	s6 =	simm.s32 @!p1 $0x1082;
	[sflag:s4] =	ssyncset.s32 $0xFFFFF086  }
0x25: {  	[simem:s6], [sflag:s4] =	dma.local [hbm:s3], $0xF7A  }
0x26: {  	[smem:$0x3F99] =	sst s1;
	(tag) =	ssettag s2;
	_ =	strace s9  }
0x27: {  	s1 =	sld [smem:$0x3FA9]  }
0x28: {  	s2 =	sld [smem:$0x3FAA]  }
0x29: {  	s4 =	sld [smem:$0x3FAC]  }
0x2a: {  	p0 =	seq.s32 s5, $0x0;
	s5 =	sld [smem:$0x3FAD]  }
0x2b: {  	s6 =	sld [smem:$0x3FAE]  }
0x2c: {  	s7 =	sld [smem:$0x3FAF]  }
0x2d: {  	s3 =	simm.s32 $0x108;
	s8 =	sld [smem:$0x3FB0]  }
0x2e: {  	s3 =	simm.s32 @!p0 $0x1082;
	s9 =	sld [smem:$0x3FB1]  }
0x2f: {  	lr =	sadd.s32 s0, s3;
	s0 =	sld [smem:$0x3FA8]  }
0x30: {  	s3 =	sld [smem:$0x3FAB]  }
0x31: {  	[smem:$0x3FB4] =	sst s10  }
0x32: {  	s10 =	sld [smem:$0x3FB2];
	_ =	sdelay $0x3  }
0x33: {  	p0 =	seq.s32 s10, $0x1;
	s10 =	sld [smem:$0x3FB4];
	_ =	sdelay $0x3  }
0x34: {  	[smem:$0x3FB4] =	sst s10  }
0x35: {  	s10 =	sld [smem:$0x3FB3];
	_ =	sdelay $0x3  }
0x36: {  	p1 =	seq.s32 s10, $0x1;
	s10 =	sld [smem:$0x3FB4];
	_ =	sdelay $0x3  }
0x37: {  	[smem:$0x3FB4] =	sst s10  }
0x38: {  	s10 =	sld [smem:$0x3FB5]  }
0x39: {  	_ = 	snop;
	(pc) =	sbr.ind lr, $3  }
0x3a: {  	_ = 	snop  }
0x3b: {  	_ = 	snop  }
0x3c: {  	p2 =	seq.s32 s10, $0x1;
	s10 =	sld [smem:$0x3FB4]  }
0x3d: {  	_ =	shalt  }
0x3e: {  	_ =	shalt  }
0x3f: {  	_ =	shalt  }
0x40: {  	_ =	shalt  }
0x41: {  	_ =	shalt  }
0x42: {  	_ =	shalt  }
0x43: {  	_ =	shalt  }
0x44: {  	_ =	shalt  }
0x45: {  	_ =	shalt  }
0x46: {  	_ =	shalt  }
0x47: {  	_ =	shalt  }
0x48: {  	_ =	shalt  }
0x49: {  	_ =	shalt  }
0x4a: {  	_ =	shalt  }
0x4b: {  	_ =	shalt  }
0x4c: {  	_ =	shalt  }
0x4d: {  	_ =	shalt  }
0x4e: {  	_ =	shalt  }
0x4f: {  	_ =	shalt  }
0x50: {  	_ =	shalt  }
0x51: {  	_ =	shalt  }
0x52: {  	_ =	shalt  }
0x53: {  	_ =	shalt  }
0x54: {  	_ =	shalt  }
0x55: {  	_ =	shalt  }
0x56: {  	_ =	shalt  }
0x57: {  	_ =	shalt  }
0x58: {  	_ =	shalt  }
0x59: {  	_ =	shalt  }
0x5a: {  	_ =	shalt  }
0x5b: {  	_ =	shalt  }
0x5c: {  	_ =	shalt  }
0x5d: {  	_ =	shalt  }
0x5e: {  	_ =	shalt  }
0x5f: {  	_ =	shalt  }
0x60: {  	_ =	shalt  }
0x61: {  	_ =	shalt  }
0x62: {  	_ =	shalt  }
0x63: {  	_ =	shalt  }
0x64: {  	_ =	shalt  }
0x65: {  	_ =	shalt  }
0x66: {  	_ =	shalt  }
0x67: {  	_ =	shalt  }
0x68: {  	_ =	shalt  }
0x69: {  	_ =	shalt  }
0x6a: {  	_ =	shalt  }
0x6b: {  	_ =	shalt  }
0x6c: {  	_ =	shalt  }
0x6d: {  	_ =	shalt  }
0x6e: {  	_ =	shalt  }
0x6f: {  	_ =	shalt  }
0x70: {  	_ =	shalt  }
0x71: {  	_ =	shalt  }
0x72: {  	_ =	shalt  }
0x73: {  	_ =	shalt  }
0x74: {  	_ =	shalt  }
0x75: {  	_ =	shalt  }
0x76: {  	_ =	shalt  }
0x77: {  	_ =	shalt  }
0x78: {  	_ =	shalt  }
0x79: {  	_ =	shalt  }
0x7a: {  	_ =	shalt  }
0x7b: {  	_ =	shalt  }
0x7c: {  	_ =	shalt  }
0x7d: {  	_ =	shalt  }
0x7e: {  	_ =	shalt  }
0x7f: {  	_ =	shalt  }
0x80: {  	_ =	shalt  }
0x81: {  	_ =	shalt  }
0x82: {  	_ =	shalt  }
0x83: {  	_ =	shalt  }
0x84: {  	_ =	shalt  }
0x85: {  	_ =	shalt  }
0x86: {  	_ =	shalt  }
0x87: {  	_ =	shalt  }
.Lfunc_end0:
.L_simem_size_0:
called_computation.1_lowered:
.L_overlay_start_0:
0x88: {  	s2 =	sld [smem:$0x3FD9]  }
0x89: {  	s3 =	sld [smem:$0x3FFE];
	_ =	sdelay $0x1  }
0x8a: {  	s1 =	srdreg.scid  }
0x8b: {  	s0 =	sand.u32 $0x1, s1  }
0x8c: {  	s17 =	sshll.u32 s0, $0xA;
	s2 =	sadd.s32 s3, s2  }
0x8d: {  	s2 =	sadd.s32 s2, s17  }
0x8e: {  	[smem:$0x3FC0] =	sst s2  }
0x8f: {  	_ = 	snop  }
0x90: {  	s2 =	sld [smem:$0x3FD0];
	(tm) =	ssettm $0x1  }
0x91: {  	s18 =	sld [smem:$0x3FFB];
	_ =	sdelay $0x3  }
0x92: {  	_ =	strace s18  }
0x93: {  	s3 =	sld [smem:$0x3FFC];
	_ =	sdelay $0x3  }
0x94: {  	_ =	strace s3  }
0x95: {  	s3 =	sld [smem:$0x3FFD];
	_ =	sdelay $0x3  }
0x96: {  	_ =	strace s3  }
0x97: {  	_ =	strace $0x8FFFFFFF  }
0x98: {  	s19 =	sld [smem:$0x3FDB];
	_ =	sdelay $0x1  }
0x99: {  	s4 =	simm.s32 $_scs_section_size  }
0x9a: {  	s5 =	simm.s32 $_size__tile_overlayer_lowered;
	s6 =	simm.s32 $_tile_overlayer_lowered  }
0x9b: {  	s22 =	simm.s32 $0x1BFF;
	s21 =	sshll.u32 s6, $0x1;
	s3 =	sadd.s32 s4, s19  }
0x9c: {  	s7 =	simm.s32 $0x0;
	s20 =	sshll.u32 s5, $0x1;
	s5 =	sadd.s32 s21, s3  }
0x9d: {  	[timem:s7], [sflag:s22] =	dma.local [hbm:s5], s20  }
0x9e: {  	_ =	swait.ge [sflag:s22], s20  }
0x9f: {  	s4 =	ssub.s32 $0x0, s20;
	[sflag:s22] =	ssyncset.done $0x0  }
0xa0: {  	[sflag:s22] =	ssyncadd.s32 s4;
	_ =	sdelay $0x1  }
0xa1: {  	s23 =	simm.s32 $0x1B8B  }
0xa2: {  	_ =	swait.ge [sflag:s23], $0x1  }
0xa3: {  	[sflag:s23] =	ssyncset.done $0x0  }
0xa4: {  	s25 =	simm.s32 $0x1B8E;
	s24 =	sld [smem:$0x3FFE];
	[sflag:s23] =	ssyncadd.s32 $0xFFFFFFFF  }
0xa5: {  	s26 =	simm.s32 $execute0_lowered;
	[smem:$0x3FD2] =	sst s25  }
0xa6: {  	s5 =	sshll.u32 s26, $0x1;
	_ =	strace $0x80000049;
	[dreg:$0x1] =	wrdreg $0xFFFFFFFF  }
0xa7: {  	s28 =	simm.s32 $_size_execute0_lowered;
	s3 =	sadd.s32 s3, s5;
	[dreg:$0x0] =	wrdreg $0x0  }
0xa8: {  	s5 =	sshll.u32 s28, $0x1;
	[dreg:$0x2] =	wrdreg s3  }
0xa9: {  	[dreg:$0x3] =	wrdreg s5  }
0xaa: {  	[dreg:$0x4] =	wrdreg $0xC0  }
0xab: {  	_ =	task [dreg:s7], $0x5FFFF  }
0xac: {  	[dreg:$0x1] =	wrdreg $0xFFFFFFFF  }
0xad: {  	[dreg:$0x0] =	wrdreg $0x60  }
0xae: {  	[dreg:$0x2] =	wrdreg s24  }
0xaf: {  	[dreg:$0x3] =	wrdreg s2  }
0xb0: {  	[dreg:$0x4] =	wrdreg $0x8F000  }
0xb1: {  	[dreg:$0x5] =	wrdreg $0x9  }
0xb2: {  	_ =	task.clear_ibuf [dreg:s7], $0x6FFFF;
	_ =	strace $0x90000049  }
0xb3: {  	s29 =	simm.s32 $0x9;
	_ =	strace $0x8000004B  }
0xb4: {  	_ =	swait.ge [sflag:s29], $0x1  }
0xb5: {  	[sflag:s29] =	ssyncadd.s32 $0xFFFFFFFF  }
0xb6: {  	_ =	strace $0x9000004B  }
0xb7: {  	_ =	sfence  }
0xb8: {  	s30 =	sld [smem:$0x0];
	_ =	sdelay $0x2  }
0xb9: {  	s31 =	sshll.u32 s1, $0xD;
	s1 =	sshrl.u32 s1, $0x2  }
0xba: {  	s3 =	sand.u32 $0x4000, s31;
	s1 =	sadd.s32 s1, s30  }
0xbb: {  	s0 =	sor.u32 s3, s0;
	s1 =	sshll.u32 s1, $0x11  }
0xbc: {  	s0 =	sor.u32 s1, s0  }
0xbd: {  	s0 =	sadd.s32 $0x8F2B, s0  }
0xbe: {  	[sflag:s0] =	ssyncadd.remote.s32 $0x1  }
0xbf: {  	_ =	sfence.sel $0xFFFF  }
0xc0: {  	[dreg:$0x0] =	wrdreg $0xFFFFFFFF;
	(pc) =	sbr.abs _section_cstart, $3  }
0xc1: {  	[dreg:$0x1] =	wrdreg $0xFFFFFFFF  }
0xc2: {  	_ =	task.clear_ibuf [dreg:s7], $0x2FFFF;
	_ =	strace $0x9FFFFFFF  }
0xc3: {  	(tm) =	ssettm $0x7FFFFFFF  }
tec
execute0_lowered:
.L_overlay_start_1:
0x0: {  	(tag) =	ssettag $0x1  }
0x1: {  	s5 =	rddreg [dreg:$0x0]  }
0x2: {  	s6 =	rddreg [dreg:$0x1]  }
0x3: {  	s1 =	rddreg [dreg:$0x2]  }
0x4: {  	s2 =	srdreg.scid;
	s3 =	simm.s32 $0x0;
	s0 =	stileid.u32  }
0x5: {  	s25 =	simm.s32 $0x2780;
	s28 =	simm.s32 $0x1;
	s29 =	simm.s32 $0x0  }
0x6: {  	s7 =	sand.u32 $0x1, s2;
	[smem:$0x7FF] =	sst s3;
	s10 =	smul.u32 $0x50000, s0  }
0x7: {  	s22 =	sadd.s32 $0x81E00, s5;
	s18 =	smul.u32 $0x14000, s0;
	s4 =	sshll.u32 s7, $0x4  }
0x8: {  	_ =	strace $0x8000004A;
	s9 =	ssub.s32 $0x2, s7;
	s19 =	smul.u32 $0x140000, s7  }
0x9: {  	s4 =	sor.u32 s0, s4;
	s26 =	sshrl.u32 s9, $0x1;
	s30 =	sshrl.u32 s10, $0x2  }
0xa: {  	s15 =	sadd.s32 $0x4000, s18;
	s20 =	sadd.s32 $0x8000, s18;
	s21 =	sadd.s32 $0xC000, s18  }
0xb: {  	s23 =	sadd.s32 $0x10000, s18;
	s8 =	smul.u32 $0x4F0, s4;
	s4 =	sadd.s32 $0xCA00, s5  }
0xc: {  	s9 =	ssub.s32 s9, s26;
	s13 =	sadd.s32 s19, s18;
	s16 =	sadd.s32 s19, s15  }
0xd: {  	s15 =	sadd.s32 s15, s1;
	s17 =	sadd.s32 s20, s1;
	s20 =	sadd.s32 s19, s20  }
0xe: {  	s31 =	sadd.s32 s19, s21;
	s24 =	sadd.s32 s19, s23;
	s19 =	sadd.s32 s21, s1  }
0xf: {  	s21 =	sadd.s32 s23, s1;
	s23 =	simm.s32 $0x4F00;
	s26 =	simm.s32 $0x80  }
0x10: {  	s9 =	smax.u32 s9, $0x1;
	s14 =	sshrl.u32 s13, $0x3;
	s16 =	sshrl.u32 s16, $0x3  }
0x11: {  	s20 =	sshrl.u32 s20, $0x3;
	s24 =	sshrl.u32 s24, $0x3;
	s11 =	sadd.s32 s8, s5  }
0x12: {  	s5 =	sadd.s32 s30, s1;
	s6 =	sadd.s32 s6, s8;
	s8 =	sadd.s32 s18, s1  }
0x13: {  	s14 =	sadd.s32 s22, s14;
	s16 =	sadd.s32 s22, s16;
	s18 =	sadd.s32 s22, s20  }
0x14: {  	s20 =	sshrl.u32 s31, $0x3;
	s7 =	sadd.s32 $0x2C00, s11;
	s10 =	sadd.s32 $0x4000, s5  }
0x15: {  	s11 =	sadd.s32 $0x8000, s5;
	s12 =	sadd.s32 $0xC000, s5;
	s13 =	sadd.s32 $0x10000, s5  }
0x16: {  	v0 =	vimm.f32 $0.0e+00;
	s20 =	sadd.s32 s22, s20;
	s22 =	sadd.s32 s22, s24;
	s24 =	simm.s32 $0x2  }
.LBB2_1:
0x17: {  	s30 =	simm.s32 $0x0;
	s31 =	simm.s32 $0x200  }
.LBB2_2:
0x18: {  	p0 =	sne.s32 s31, $0xFE00;
	[tilespmem:s30+$0x4F70] =	vst v0  }
0x19: {  	[tilespmem:s30+$0x4F00] =	vst v0  }
0x1a: {  	[tilespmem:s30+$0x4F10] =	vst v0  }
.Ltmp0:
0x1b: {  	[tilespmem:s30+$0x4F20] =	vst v0;
	(pc) =	sbr.rel @p0 .LBB2_2-.Ltmp0, $4  }
0x1c: {  	[tilespmem:s30+$0x4F30] =	vst v0  }
0x1d: {  	[tilespmem:s30+$0x4F40] =	vst v0  }
0x1e: {  	[tilespmem:s30+$0x4F50] =	vst v0  }
0x1f: {  	[tilespmem:s30+$0x4F60] =	vst v0;
	s30 =	sshra.s32 s31, $0x2;
	s31 =	sadd.s32 $0x200, s31  }
0x20: {  	[tilespmem:s30+$0x4F70] =	vst v0  }
0x21: {  	[tilespmem:s30+$0x4F00] =	vst v0  }
0x22: {  	[tilespmem:s30+$0x4F10] =	vst v0  }
0x23: {  	[tilespmem:s30+$0x4F20] =	vst v0  }
0x24: {  	[tilespmem:s30+$0x4F30] =	vst v0  }
0x25: {  	[tilespmem:s30+$0x4F40] =	vst v0  }
0x26: {  	[tilespmem:s30+$0x4F50] =	vst v0  }
0x27: {  	[tilespmem:s30+$0x4F60] =	vst v0  }
0x28: {  	[spmem:s5] =	stream.linear.scatter [tilespmem:s23], [sflag:$0x2], $0x4000, $0x38;
	[tilespmem:$0x1CF00] =	vst v63  }
0x29: {  	_ =	swait.ge [sflag:s24], $0x4000  }
0x2a: {  	[sflag:s24] =	ssyncset.done $0x0  }
0x2b: {  	[sflag:s24] =	ssyncadd.s32 $0xFFFFC000  }
0x2c: {  	[spmem:s10] =	stream.linear.scatter [tilespmem:s23], [sflag:$0x2], $0x4000, $0x38;
	[tilespmem:$0x1CF00] =	vst v63  }
0x2d: {  	_ =	swait.ge [sflag:s24], $0x4000  }
0x2e: {  	[sflag:s24] =	ssyncset.done $0x0  }
0x2f: {  	[sflag:s24] =	ssyncadd.s32 $0xFFFFC000  }
0x30: {  	[spmem:s11] =	stream.linear.scatter [tilespmem:s23], [sflag:$0x2], $0x4000, $0x38;
	[tilespmem:$0x1CF00] =	vst v63  }
0x31: {  	_ =	swait.ge [sflag:s24], $0x4000  }
0x32: {  	[sflag:s24] =	ssyncset.done $0x0  }
0x33: {  	[sflag:s24] =	ssyncadd.s32 $0xFFFFC000  }
0x34: {  	[spmem:s12] =	stream.linear.scatter [tilespmem:s23], [sflag:$0x2], $0x4000, $0x38;
	[tilespmem:$0x1CF00] =	vst v63  }
0x35: {  	_ =	swait.ge [sflag:s24], $0x4000  }
0x36: {  	[sflag:s24] =	ssyncset.done $0x0  }
0x37: {  	[sflag:s24] =	ssyncadd.s32 $0xFFFFC000  }
0x38: {  	[spmem:s13] =	stream.linear.scatter [tilespmem:s23], [sflag:$0x2], $0x4000, $0x38;
	[tilespmem:$0x1CF00] =	vst v63  }
0x39: {  	_ =	swait.ge [sflag:s24], $0x4000  }
0x3a: {  	[sflag:s24] =	ssyncset.done $0x0  }
0x3b: {  	[sflag:s24] =	ssyncadd.s32 $0xFFFFC000  }
0x3c: {  	s30 =	simm.s32 $0x0;
	[bflag:$0x0] =	sbarrier.arrive $0xFFFF  }
0x3d: {  	[tilespmem:s30], [sflag:$0x2] =	stream.linear.gather [hbm4b:s6+s30], $0x2780, $0x38;
	[tilespmem:$0x1CF00] =	vst v63  }
0x3e: {  	_ =	swait.ge [sflag:s24], $0x2780  }
0x3f: {  	[sflag:s24] =	ssyncset.done $0x0  }
0x40: {  	[sflag:s24] =	ssyncadd.s32 $0xFFFFD880  }
0x41: {  	[tilespmem:s25], [sflag:$0x2] =	stream.linear.gather [hbm4b:s7+s30], $0x2780, $0x38;
	[tilespmem:$0x1CF00] =	vst v63  }
0x42: {  	_ =	swait.ge [sflag:s24], $0x2780  }
0x43: {  	[sflag:s24] =	ssyncset.done $0x0  }
0x44: {  	s30 =	simm.s32 $0x0;
	[sflag:s24] =	ssyncadd.s32 $0xFFFFD880  }
0x45: {  	[tilespmem:s23], [sflag:$0x1] =	stream.indirect.gather [hbm4b:s4+s26], $0x80, s30, s26, $0xb8;
	[tilespmem:$0x1CF00] =	vst v63  }
0x46: {  	_ =	swait.ge [sflag:s28], $0x4000  }
0x47: {  	[sflag:s28] =	ssyncset.done $0x0  }
0x48: {  	s30 =	simm.s32 $0x2780;
	[sflag:s28] =	ssyncadd.s32 $0xFFFFC000  }
0x49: {  	[spmem:s1] =	stream.indirect.scatter.add.f32 [tilespmem:s23], [sflag:$0x2], $0x80, s30, s26, $0xb8;
	[tilespmem:$0x1CF00] =	vst v63  }
0x4a: {  	_ =	swait.ge [sflag:s24], $0x4000  }
0x4b: {  	s31 =	simm.s32 $0x400;
	s30 =	simm.s32 $0x200;
	[sflag:s24] =	ssyncset.done $0x0  }
.LBB2_4:
0x4c: {  	s0 =	sshra.s32 s30, $0x2  }
0x4d: {  	[sflag:s24] =	ssyncadd.s32 $0xFFFFC000;
	s30 =	smov.u32 s31;
	s2 =	sadd.s32 $0x200, s31  }
0x4e: {  	[tilespmem:s23], [sflag:$0x1] =	stream.indirect.gather [hbm4b:s4+s26], $0x80, s0, s26, $0xb8;
	[tilespmem:$0x1CF00] =	vst v63  }
0x4f: {  	p0 =	sne.s32 s31, $0x9C00;
	_ =	swait.ge [sflag:s28], $0x4000  }
.Ltmp1:
0x50: {  	[sflag:s28] =	ssyncset.done $0x0;
	(pc) =	sbr.rel @p0 .LBB2_4-.Ltmp1, $4  }
0x51: {  	s0 =	sadd.s32 $0x2780, s0;
	[sflag:s28] =	ssyncadd.s32 $0xFFFFC000  }
0x52: {  	[spmem:s1] =	stream.indirect.scatter.add.f32 [tilespmem:s23], [sflag:$0x2], $0x80, s0, s26, $0xb8;
	[tilespmem:$0x1CF00] =	vst v63  }
0x53: {  	_ =	swait.ge [sflag:s24], $0x4000  }
0x54: {  	s31 =	smov.u32 s2;
	[sflag:s24] =	ssyncset.done $0x0  }
0x55: {  	s0 =	sshra.s32 s30, $0x2;
	[sflag:s24] =	ssyncadd.s32 $0xFFFFC000  }
0x56: {  	[tilespmem:s23], [sflag:$0x1] =	stream.indirect.gather [hbm4b:s4+s26], $0x80, s0, s26, $0xb8;
	[tilespmem:$0x1CF00] =	vst v63  }
0x57: {  	_ =	swait.ge [sflag:s28], $0x4000  }
0x58: {  	[sflag:s28] =	ssyncset.done $0x0  }
0x59: {  	s0 =	sadd.s32 $0x2780, s0;
	[sflag:s28] =	ssyncadd.s32 $0xFFFFC000  }
0x5a: {  	[spmem:s1] =	stream.indirect.scatter.add.f32 [tilespmem:s23], [sflag:$0x2], $0x80, s0, s26, $0xb8;
	[tilespmem:$0x1CF00] =	vst v63  }
0x5b: {  	_ =	swait.ge [sflag:s24], $0x4000  }
0x5c: {  	[sflag:s24] =	ssyncset.done $0x0  }
0x5d: {  	[sflag:s24] =	ssyncadd.s32 $0xFFFFC000  }
0x5e: {  	[bflag:$0x0] =	sbarrier.arrive $0xFFFF  }
0x5f: {  	[tilespmem:s23], [sflag:$0x2] =	stream.linear.gather [spmem:s8], $0x4000, $0x38;
	[tilespmem:$0x1CF00] =	vst v63  }
0x60: {  	_ =	swait.ge [sflag:s24], $0x4000  }
0x61: {  	[sflag:s24] =	ssyncset.done $0x0  }
0x62: {  	[sflag:s24] =	ssyncadd.s32 $0xFFFFC000  }
0x63: {  	[hbm4b:s14+s3] =	stream.linear.scatter [tilespmem:s23], [sflag:$0x2], $0x4000, $0x38;
	[tilespmem:$0x1CF00] =	vst v63  }
0x64: {  	_ =	swait.ge [sflag:s24], $0x4000  }
0x65: {  	[sflag:s24] =	ssyncset.done $0x0  }
0x66: {  	[sflag:s24] =	ssyncadd.s32 $0xFFFFC000  }
0x67: {  	[tilespmem:s23], [sflag:$0x2] =	stream.linear.gather [spmem:s15], $0x4000, $0x38;
	[tilespmem:$0x1CF00] =	vst v63  }
0x68: {  	_ =	swait.ge [sflag:s24], $0x4000  }
0x69: {  	[sflag:s24] =	ssyncset.done $0x0  }
0x6a: {  	[sflag:s24] =	ssyncadd.s32 $0xFFFFC000  }
0x6b: {  	[hbm4b:s16+s3] =	stream.linear.scatter [tilespmem:s23], [sflag:$0x2], $0x4000, $0x38;
	[tilespmem:$0x1CF00] =	vst v63  }
0x6c: {  	_ =	swait.ge [sflag:s24], $0x4000  }
0x6d: {  	[sflag:s24] =	ssyncset.done $0x0  }
0x6e: {  	[sflag:s24] =	ssyncadd.s32 $0xFFFFC000  }
0x6f: {  	[tilespmem:s23], [sflag:$0x2] =	stream.linear.gather [spmem:s17], $0x4000, $0x38;
	[tilespmem:$0x1CF00] =	vst v63  }
0x70: {  	_ =	swait.ge [sflag:s24], $0x4000  }
0x71: {  	[sflag:s24] =	ssyncset.done $0x0  }
0x72: {  	[sflag:s24] =	ssyncadd.s32 $0xFFFFC000  }
0x73: {  	[hbm4b:s18+s3] =	stream.linear.scatter [tilespmem:s23], [sflag:$0x2], $0x4000, $0x38;
	[tilespmem:$0x1CF00] =	vst v63  }
0x74: {  	_ =	swait.ge [sflag:s24], $0x4000  }
0x75: {  	[sflag:s24] =	ssyncset.done $0x0  }
0x76: {  	[sflag:s24] =	ssyncadd.s32 $0xFFFFC000  }
0x77: {  	[tilespmem:s23], [sflag:$0x2] =	stream.linear.gather [spmem:s19], $0x4000, $0x38;
	[tilespmem:$0x1CF00] =	vst v63  }
0x78: {  	_ =	swait.ge [sflag:s24], $0x4000  }
0x79: {  	[sflag:s24] =	ssyncset.done $0x0  }
0x7a: {  	[sflag:s24] =	ssyncadd.s32 $0xFFFFC000  }
0x7b: {  	[hbm4b:s20+s3] =	stream.linear.scatter [tilespmem:s23], [sflag:$0x2], $0x4000, $0x38;
	[tilespmem:$0x1CF00] =	vst v63  }
0x7c: {  	_ =	swait.ge [sflag:s24], $0x4000  }
0x7d: {  	[sflag:s24] =	ssyncset.done $0x0  }
0x7e: {  	[sflag:s24] =	ssyncadd.s32 $0xFFFFC000  }
0x7f: {  	[tilespmem:s23], [sflag:$0x2] =	stream.linear.gather [spmem:s21], $0x4000, $0x38;
	[tilespmem:$0x1CF00] =	vst v63  }
0x80: {  	s29 =	sadd.s32 $0x1, s29;
	_ =	swait.ge [sflag:s24], $0x4000  }
0x81: {  	p0 =	sne.s32 s29, s9;
	[sflag:s24] =	ssyncset.done $0x0  }
.Ltmp2:
0x82: {  	[sflag:s24] =	ssyncadd.s32 $0xFFFFC000;
	(pc) =	sbr.rel @p0 .LBB2_1-.Ltmp2, $4  }
0x83: {  	[hbm4b:s22+s3] =	stream.linear.scatter [tilespmem:s23], [sflag:$0x2], $0x4000, $0x38;
	[tilespmem:$0x1CF00] =	vst v63  }
0x84: {  	_ =	swait.ge [sflag:s24], $0x4000  }
0x85: {  	[sflag:s24] =	ssyncset.done $0x0  }
0x86: {  	[sflag:s24] =	ssyncadd.s32 $0xFFFFC000  }
0x87: {  	_ =	sfence.sel $0x180000  }
0x88: {  	[bflag:$0x0] =	sbarrier.arrive $0xFFFF  }
0x89: {  	_ =	strace $0x9000004A  }
0x8a: {  	s0 =	stileid.u32;
	[bflag:$0x2] =	sbarrier.arrive $0xFFFF  }
0x8b: {  	p0 =	sne.s32 s0, $0x0;
	s0 =	rddreg [dreg:$0x3]  }
0x8c: {  	s0 =	sadd.s32 @!p0 $0x100000, s0  }
0x8d: {  	[sflag:s0] =	ssyncadd.tile.s32 @!p0 $0x1;
	_ =	shalt  }
.Lfunc_end2:
_tile_overlayer_lowered:
.L_overlay_start_2:
0x8e: {  	(tag) =	ssettag $0x2  }
0x8f: {  	s0 =	rddreg [dreg:$0x0];
	s2 =	stileid.u32  }
0x90: {  	s1 =	rddreg [dreg:$0x1];
	p0 =	sne.s32 s2, $0x0  }
0x91: {  	s3 =	rddreg [dreg:$0x2];
	[bflag:$0x3] =	sbarrier.arrive $0xFFFF;
	s2 =	simm.s32 @!p0 $0x1C02  }
0x92: {  	[timem:s3], [sflag:s2] =	dma.local @!p0 [hbm:s0], s1  }
0x93: {  	s0 =	simm.s32 @!p0 $0x2  }
0x94: {  	_ =	swait.ge @!p0 [sflag:s0], s1  }
0x95: {  	s1 =	ssub.s32 @!p0 $0x0, s1;
	[sflag:s0] =	ssyncset.done @!p0 $0x0  }
0x96: {  	[sflag:s0] =	ssyncadd.s32 @!p0 s1  }
0x97: {  	[bflag:$0x3] =	sbarrier.arrive $0xFFFF  }
0x98: {  	_ =	shalt  }

// kernel: kernel.17.cloned.1.call-start
scs
__scs_entry_jumppad:
0x0: {  	(pc) =	sbr.rel $0x88, $3  }
0x1: {  	(tag) =	ssettag $0x0;
	lr =	simm.s32 $0x1  }
0x2: {  	[smem:$0x3F99] =	sst lr;
	_ =	strace $0xD0000000  }
0x3: {  	_ = 	snop  }
0x4: {  	_ = 	snop  }
0x5: {  	_ = 	snop  }
0x6: {  	_ = 	snop  }
0x7: {  	_ = 	snop  }
__scs_overlays_trampoline_lowered:
0x8: {  	[smem:$0x3FA8] =	sst s0  }
0x9: {  	[smem:$0x3FA9] =	sst s1  }
0xa: {  	[smem:$0x3FAA] =	sst s2  }
0xb: {  	[smem:$0x3FAB] =	sst s3  }
0xc: {  	[smem:$0x3FAC] =	sst s4  }
0xd: {  	[smem:$0x3FAD] =	sst s5  }
0xe: {  	[smem:$0x3FAE] =	sst s6  }
0xf: {  	[smem:$0x3FAF] =	sst s7  }
0x10: {  	[smem:$0x3FB0] =	sst s8  }
0x11: {  	[smem:$0x3FB1] =	sst s9;
	s0 =	simm.s32 @!p0 $0x0  }
0x12: {  	s1 =	sld [smem:$0x3F97];
	s0 =	simm.s32 @p0 $0x1  }
0x13: {  	[smem:$0x3FB2] =	sst s0;
	s0 =	simm.s32 @!p1 $0x0  }
0x14: {  	s2 =	sld [smem:$0x3F96];
	s0 =	simm.s32 @p1 $0x1  }
0x15: {  	[smem:$0x3FB3] =	sst s0;
	s0 =	simm.s32 @!p2 $0x0  }
0x16: {  	s3 =	sld [smem:$0x3FDB];
	s0 =	simm.s32 @p2 $0x1  }
0x17: {  	s4 =	simm.s32 $0x1BF5;
	[smem:$0x3FB5] =	sst s0  }
0x18: {  	s0 =	sld [smem:$0x3F98];
	_ =	swait.ge [sflag:s4], $0x0  }
0x19: {  	s7 =	sld [smem:$0x3F99]  }
0x1a: {  	s8 =	sadd.s32 $0xFFFFE003, lr  }
0x1b: {  	s9 =	sadd.s32 $0xFFFFFEF7, lr;
	s5 =	simm.s32 $0xFFFFFFFF;
	p2 =	slt.u32 s8, $0xFFFFF086  }
0x1c: {  	p1 =	slt.u32 s9, $0xF7A;
	s5 =	simm.s32 @!p2 $0x0  }
0x1d: {  	s5 =	simm.s32 @p1 $0x1;
	p0 =	seq.s32 s7, s2  }
0x1e: {  	s7 =	smul.u32 @!p0 $0xF7A, s2;
	p2 =	seq.s32 @!p0 s5, $0x0  }
0x1f: {  	s9 =	smul.u32 $0xF7A, s1;
	s8 =	simm.s32 @!p0 $0x1BF5;
	p2 =	por !p2, p0  }
0x20: {  	[sflag:s8] =	ssyncset.s32 @!p0 $0xFFFFF086;
	s6 =	sadd.s32 @!p0 s3, s7;
	s7 =	simm.s32 @!p0 $0x108  }
0x21: {  	s3 =	sadd.s32 s3, s9;
	s6 =	sadd.s32 @!p0 $0x88, s6;
	s7 =	simm.s32 @p2 $0x1082  }
0x22: {  	[simem:s7], [sflag:s8] =	dma.local @!p0 [hbm:s6], $0xF7A  }
0x23: {  	s9 =	sor.u32 $0xD0000000, s2;
	s6 =	simm.s32 $0x108;
	_ =	swait.ge @!p0 [sflag:s8], $0x0  }
0x24: {  	s3 =	sadd.s32 $0x88, s3;
	s6 =	simm.s32 @!p1 $0x1082;
	[sflag:s4] =	ssyncset.s32 $0xFFFFF086  }
0x25: {  	[simem:s6], [sflag:s4] =	dma.local [hbm:s3], $0xF7A  }
0x26: {  	[smem:$0x3F99] =	sst s1;
	(tag) =	ssettag s2;
	_ =	strace s9  }
0x27: {  	s1 =	sld [smem:$0x3FA9]  }
0x28: {  	s2 =	sld [smem:$0x3FAA]  }
0x29: {  	s4 =	sld [smem:$0x3FAC]  }
0x2a: {  	p0 =	seq.s32 s5, $0x0;
	s5 =	sld [smem:$0x3FAD]  }
0x2b: {  	s6 =	sld [smem:$0x3FAE]  }
0x2c: {  	s7 =	sld [smem:$0x3FAF]  }
0x2d: {  	s3 =	simm.s32 $0x108;
	s8 =	sld [smem:$0x3FB0]  }
0x2e: {  	s3 =	simm.s32 @!p0 $0x1082;
	s9 =	sld [smem:$0x3FB1]  }
0x2f: {  	lr =	sadd.s32 s0, s3;
	s0 =	sld [smem:$0x3FA8]  }
0x30: {  	s3 =	sld [smem:$0x3FAB]  }
0x31: {  	[smem:$0x3FB4] =	sst s10  }
0x32: {  	s10 =	sld [smem:$0x3FB2];
	_ =	sdelay $0x3  }
0x33: {  	p0 =	seq.s32 s10, $0x1;
	s10 =	sld [smem:$0x3FB4];
	_ =	sdelay $0x3  }
0x34: {  	[smem:$0x3FB4] =	sst s10  }
0x35: {  	s10 =	sld [smem:$0x3FB3];
	_ =	sdelay $0x3  }
0x36: {  	p1 =	seq.s32 s10, $0x1;
	s10 =	sld [smem:$0x3FB4];
	_ =	sdelay $0x3  }
0x37: {  	[smem:$0x3FB4] =	sst s10  }
0x38: {  	s10 =	sld [smem:$0x3FB5]  }
0x39: {  	_ = 	snop;
	(pc) =	sbr.ind lr, $3  }
0x3a: {  	_ = 	snop  }
0x3b: {  	_ = 	snop  }
0x3c: {  	p2 =	seq.s32 s10, $0x1;
	s10 =	sld [smem:$0x3FB4]  }
0x3d: {  	_ =	shalt  }
0x3e: {  	_ =	shalt  }
0x3f: {  	_ =	shalt  }
0x40: {  	_ =	shalt  }
0x41: {  	_ =	shalt  }
0x42: {  	_ =	shalt  }
0x43: {  	_ =	shalt  }
0x44: {  	_ =	shalt  }
0x45: {  	_ =	shalt  }
0x46: {  	_ =	shalt  }
0x47: {  	_ =	shalt  }
0x48: {  	_ =	shalt  }
0x49: {  	_ =	shalt  }
0x4a: {  	_ =	shalt  }
0x4b: {  	_ =	shalt  }
0x4c: {  	_ =	shalt  }
0x4d: {  	_ =	shalt  }
0x4e: {  	_ =	shalt  }
0x4f: {  	_ =	shalt  }
0x50: {  	_ =	shalt  }
0x51: {  	_ =	shalt  }
0x52: {  	_ =	shalt  }
0x53: {  	_ =	shalt  }
0x54: {  	_ =	shalt  }
0x55: {  	_ =	shalt  }
0x56: {  	_ =	shalt  }
0x57: {  	_ =	shalt  }
0x58: {  	_ =	shalt  }
0x59: {  	_ =	shalt  }
0x5a: {  	_ =	shalt  }
0x5b: {  	_ =	shalt  }
0x5c: {  	_ =	shalt  }
0x5d: {  	_ =	shalt  }
0x5e: {  	_ =	shalt  }
0x5f: {  	_ =	shalt  }
0x60: {  	_ =	shalt  }
0x61: {  	_ =	shalt  }
0x62: {  	_ =	shalt  }
0x63: {  	_ =	shalt  }
0x64: {  	_ =	shalt  }
0x65: {  	_ =	shalt  }
0x66: {  	_ =	shalt  }
0x67: {  	_ =	shalt  }
0x68: {  	_ =	shalt  }
0x69: {  	_ =	shalt  }
0x6a: {  	_ =	shalt  }
0x6b: {  	_ =	shalt  }
0x6c: {  	_ =	shalt  }
0x6d: {  	_ =	shalt  }
0x6e: {  	_ =	shalt  }
0x6f: {  	_ =	shalt  }
0x70: {  	_ =	shalt  }
0x71: {  	_ =	shalt  }
0x72: {  	_ =	shalt  }
0x73: {  	_ =	shalt  }
0x74: {  	_ =	shalt  }
0x75: {  	_ =	shalt  }
0x76: {  	_ =	shalt  }
0x77: {  	_ =	shalt  }
0x78: {  	_ =	shalt  }
0x79: {  	_ =	shalt  }
0x7a: {  	_ =	shalt  }
0x7b: {  	_ =	shalt  }
0x7c: {  	_ =	shalt  }
0x7d: {  	_ =	shalt  }
0x7e: {  	_ =	shalt  }
0x7f: {  	_ =	shalt  }
0x80: {  	_ =	shalt  }
0x81: {  	_ =	shalt  }
0x82: {  	_ =	shalt  }
0x83: {  	_ =	shalt  }
0x84: {  	_ =	shalt  }
0x85: {  	_ =	shalt  }
0x86: {  	_ =	shalt  }
0x87: {  	_ =	shalt  }
.Lfunc_end0:
.L_simem_size_0:
called_computation.2_lowered:
.L_overlay_start_0:
0x88: {  	s2 =	sld [smem:$0x3FD9]  }
0x89: {  	s3 =	sld [smem:$0x3FFE];
	_ =	sdelay $0x1  }
0x8a: {  	s1 =	srdreg.scid  }
0x8b: {  	s0 =	sand.u32 $0x1, s1  }
0x8c: {  	s17 =	sshll.u32 s0, $0xA;
	s2 =	sadd.s32 s3, s2  }
0x8d: {  	s2 =	sadd.s32 s2, s17  }
0x8e: {  	[smem:$0x3FC0] =	sst s2  }
0x8f: {  	_ = 	snop  }
0x90: {  	s2 =	sld [smem:$0x3FD0];
	(tm) =	ssettm $0x1  }
0x91: {  	s18 =	sld [smem:$0x3FFB];
	_ =	sdelay $0x3  }
0x92: {  	_ =	strace s18  }
0x93: {  	s3 =	sld [smem:$0x3FFC];
	_ =	sdelay $0x3  }
0x94: {  	_ =	strace s3  }
0x95: {  	s3 =	sld [smem:$0x3FFD];
	_ =	sdelay $0x3  }
0x96: {  	_ =	strace s3  }
0x97: {  	_ =	strace $0x8FFFFFFF  }
0x98: {  	s19 =	sld [smem:$0x3FDB];
	_ =	sdelay $0x1  }
0x99: {  	s4 =	simm.s32 $_scs_section_size  }
0x9a: {  	s5 =	simm.s32 $_size__tile_overlayer_lowered;
	s6 =	simm.s32 $_tile_overlayer_lowered  }
0x9b: {  	s22 =	simm.s32 $0x1BFF;
	s21 =	sshll.u32 s6, $0x1;
	s3 =	sadd.s32 s4, s19  }
0x9c: {  	s7 =	simm.s32 $0x0;
	s20 =	sshll.u32 s5, $0x1;
	s5 =	sadd.s32 s21, s3  }
0x9d: {  	[timem:s7], [sflag:s22] =	dma.local [hbm:s5], s20  }
0x9e: {  	_ =	swait.ge [sflag:s22], s20  }
0x9f: {  	s4 =	ssub.s32 $0x0, s20;
	[sflag:s22] =	ssyncset.done $0x0  }
0xa0: {  	[sflag:s22] =	ssyncadd.s32 s4;
	_ =	sdelay $0x1  }
0xa1: {  	s23 =	simm.s32 $0x1B8B  }
0xa2: {  	_ =	swait.ge [sflag:s23], $0x1  }
0xa3: {  	[sflag:s23] =	ssyncset.done $0x0  }
0xa4: {  	s25 =	simm.s32 $0x1B8E;
	s24 =	sld [smem:$0x3FFE];
	[sflag:s23] =	ssyncadd.s32 $0xFFFFFFFF  }
0xa5: {  	s26 =	simm.s32 $execute0_lowered;
	[smem:$0x3FD2] =	sst s25  }
0xa6: {  	s5 =	sshll.u32 s26, $0x1;
	_ =	strace $0x8000004C;
	[dreg:$0x1] =	wrdreg $0xFFFFFFFF  }
0xa7: {  	s28 =	simm.s32 $_size_execute0_lowered;
	s3 =	sadd.s32 s3, s5;
	[dreg:$0x0] =	wrdreg $0x0  }
0xa8: {  	s5 =	sshll.u32 s28, $0x1;
	[dreg:$0x2] =	wrdreg s3  }
0xa9: {  	[dreg:$0x3] =	wrdreg s5  }
0xaa: {  	[dreg:$0x4] =	wrdreg $0xC0  }
0xab: {  	_ =	task [dreg:s7], $0x5FFFF  }
0xac: {  	[dreg:$0x1] =	wrdreg $0xFFFFFFFF  }
0xad: {  	[dreg:$0x0] =	wrdreg $0x60  }
0xae: {  	[dreg:$0x2] =	wrdreg s24  }
0xaf: {  	[dreg:$0x3] =	wrdreg s2  }
0xb0: {  	[dreg:$0x4] =	wrdreg $0x8F000  }
0xb1: {  	[dreg:$0x5] =	wrdreg $0x9  }
0xb2: {  	_ =	task.clear_ibuf [dreg:s7], $0x6FFFF;
	_ =	strace $0x9000004C  }
0xb3: {  	s29 =	simm.s32 $0x9;
	_ =	strace $0x8000004E  }
0xb4: {  	_ =	swait.ge [sflag:s29], $0x1  }
0xb5: {  	[sflag:s29] =	ssyncadd.s32 $0xFFFFFFFF  }
0xb6: {  	_ =	strace $0x9000004E  }
0xb7: {  	_ =	sfence  }
0xb8: {  	s30 =	sld [smem:$0x0];
	_ =	sdelay $0x2  }
0xb9: {  	s31 =	sshll.u32 s1, $0xD;
	s1 =	sshrl.u32 s1, $0x2  }
0xba: {  	s3 =	sand.u32 $0x4000, s31;
	s1 =	sadd.s32 s1, s30  }
0xbb: {  	s0 =	sor.u32 s3, s0;
	s1 =	sshll.u32 s1, $0x11  }
0xbc: {  	s0 =	sor.u32 s1, s0  }
0xbd: {  	s0 =	sadd.s32 $0x8F2B, s0  }
0xbe: {  	[sflag:s0] =	ssyncadd.remote.s32 $0x1  }
0xbf: {  	_ =	sfence.sel $0xFFFF  }
0xc0: {  	[dreg:$0x0] =	wrdreg $0xFFFFFFFF;
	(pc) =	sbr.abs _section_cstart, $3  }
0xc1: {  	[dreg:$0x1] =	wrdreg $0xFFFFFFFF  }
0xc2: {  	_ =	task.clear_ibuf [dreg:s7], $0x2FFFF;
	_ =	strace $0x9FFFFFFF  }
0xc3: {  	(tm) =	ssettm $0x7FFFFFFF  }
tec
execute0_lowered:
.L_overlay_start_1:
0x0: {  	(tag) =	ssettag $0x1  }
0x1: {  	s5 =	rddreg [dreg:$0x0]  }
0x2: {  	s6 =	rddreg [dreg:$0x1]  }
0x3: {  	s1 =	rddreg [dreg:$0x2]  }
0x4: {  	s2 =	srdreg.scid;
	s3 =	simm.s32 $0x0;
	s0 =	stileid.u32  }
0x5: {  	s25 =	simm.s32 $0x2780;
	s28 =	simm.s32 $0x1;
	s29 =	simm.s32 $0x0  }
0x6: {  	s7 =	sand.u32 $0x1, s2;
	[smem:$0x7FF] =	sst s3;
	s10 =	smul.u32 $0x50000, s0  }
0x7: {  	s22 =	sadd.s32 $0x81E00, s5;
	s18 =	smul.u32 $0x14000, s0;
	s4 =	sshll.u32 s7, $0x4  }
0x8: {  	_ =	strace $0x8000004D;
	s9 =	ssub.s32 $0x2, s7;
	s19 =	smul.u32 $0x140000, s7  }
0x9: {  	s4 =	sor.u32 s0, s4;
	s26 =	sshrl.u32 s9, $0x1;
	s30 =	sshrl.u32 s10, $0x2  }
0xa: {  	s15 =	sadd.s32 $0x4000, s18;
	s20 =	sadd.s32 $0x8000, s18;
	s21 =	sadd.s32 $0xC000, s18  }
0xb: {  	s23 =	sadd.s32 $0x10000, s18;
	s8 =	smul.u32 $0x4F0, s4;
	s4 =	sadd.s32 $0xCA00, s5  }
0xc: {  	s9 =	ssub.s32 s9, s26;
	s13 =	sadd.s32 s19, s18;
	s16 =	sadd.s32 s19, s15  }
0xd: {  	s15 =	sadd.s32 s15, s1;
	s17 =	sadd.s32 s20, s1;
	s20 =	sadd.s32 s19, s20  }
0xe: {  	s31 =	sadd.s32 s19, s21;
	s24 =	sadd.s32 s19, s23;
	s19 =	sadd.s32 s21, s1  }
0xf: {  	s21 =	sadd.s32 s23, s1;
	s23 =	simm.s32 $0x4F00;
	s26 =	simm.s32 $0x80  }
0x10: {  	s9 =	smax.u32 s9, $0x1;
	s14 =	sshrl.u32 s13, $0x3;
	s16 =	sshrl.u32 s16, $0x3  }
0x11: {  	s20 =	sshrl.u32 s20, $0x3;
	s24 =	sshrl.u32 s24, $0x3;
	s11 =	sadd.s32 s8, s5  }
0x12: {  	s5 =	sadd.s32 s30, s1;
	s6 =	sadd.s32 s6, s8;
	s8 =	sadd.s32 s18, s1  }
0x13: {  	s14 =	sadd.s32 s22, s14;
	s16 =	sadd.s32 s22, s16;
	s18 =	sadd.s32 s22, s20  }
0x14: {  	s20 =	sshrl.u32 s31, $0x3;
	s7 =	sadd.s32 $0x2C00, s11;
	s10 =	sadd.s32 $0x4000, s5  }
0x15: {  	s11 =	sadd.s32 $0x8000, s5;
	s12 =	sadd.s32 $0xC000, s5;
	s13 =	sadd.s32 $0x10000, s5  }
0x16: {  	v0 =	vimm.f32 $0.0e+00;
	s20 =	sadd.s32 s22, s20;
	s22 =	sadd.s32 s22, s24;
	s24 =	simm.s32 $0x2  }
.LBB2_1:
0x17: {  	s30 =	simm.s32 $0x0;
	s31 =	simm.s32 $0x200  }
.LBB2_2:
0x18: {  	p0 =	sne.s32 s31, $0xFE00;
	[tilespmem:s30+$0x4F70] =	vst v0  }
0x19: {  	[tilespmem:s30+$0x4F00] =	vst v0  }
0x1a: {  	[tilespmem:s30+$0x4F10] =	vst v0  }
.Ltmp0:
0x1b: {  	[tilespmem:s30+$0x4F20] =	vst v0;
	(pc) =	sbr.rel @p0 .LBB2_2-.Ltmp0, $4  }
0x1c: {  	[tilespmem:s30+$0x4F30] =	vst v0  }
0x1d: {  	[tilespmem:s30+$0x4F40] =	vst v0  }
0x1e: {  	[tilespmem:s30+$0x4F50] =	vst v0  }
0x1f: {  	[tilespmem:s30+$0x4F60] =	vst v0;
	s30 =	sshra.s32 s31, $0x2;
	s31 =	sadd.s32 $0x200, s31  }
0x20: {  	[tilespmem:s30+$0x4F70] =	vst v0  }
0x21: {  	[tilespmem:s30+$0x4F00] =	vst v0  }
0x22: {  	[tilespmem:s30+$0x4F10] =	vst v0  }
0x23: {  	[tilespmem:s30+$0x4F20] =	vst v0  }
0x24: {  	[tilespmem:s30+$0x4F30] =	vst v0  }
0x25: {  	[tilespmem:s30+$0x4F40] =	vst v0  }
0x26: {  	[tilespmem:s30+$0x4F50] =	vst v0  }
0x27: {  	[tilespmem:s30+$0x4F60] =	vst v0  }
0x28: {  	[spmem:s5] =	stream.linear.scatter [tilespmem:s23], [sflag:$0x2], $0x4000, $0x38;
	[tilespmem:$0x1CF00] =	vst v63  }
0x29: {  	_ =	swait.ge [sflag:s24], $0x4000  }
0x2a: {  	[sflag:s24] =	ssyncset.done $0x0  }
0x2b: {  	[sflag:s24] =	ssyncadd.s32 $0xFFFFC000  }
0x2c: {  	[spmem:s10] =	stream.linear.scatter [tilespmem:s23], [sflag:$0x2], $0x4000, $0x38;
	[tilespmem:$0x1CF00] =	vst v63  }
0x2d: {  	_ =	swait.ge [sflag:s24], $0x4000  }
0x2e: {  	[sflag:s24] =	ssyncset.done $0x0  }
0x2f: {  	[sflag:s24] =	ssyncadd.s32 $0xFFFFC000  }
0x30: {  	[spmem:s11] =	stream.linear.scatter [tilespmem:s23], [sflag:$0x2], $0x4000, $0x38;
	[tilespmem:$0x1CF00] =	vst v63  }
0x31: {  	_ =	swait.ge [sflag:s24], $0x4000  }
0x32: {  	[sflag:s24] =	ssyncset.done $0x0  }
0x33: {  	[sflag:s24] =	ssyncadd.s32 $0xFFFFC000  }
0x34: {  	[spmem:s12] =	stream.linear.scatter [tilespmem:s23], [sflag:$0x2], $0x4000, $0x38;
	[tilespmem:$0x1CF00] =	vst v63  }
0x35: {  	_ =	swait.ge [sflag:s24], $0x4000  }
0x36: {  	[sflag:s24] =	ssyncset.done $0x0  }
0x37: {  	[sflag:s24] =	ssyncadd.s32 $0xFFFFC000  }
0x38: {  	[spmem:s13] =	stream.linear.scatter [tilespmem:s23], [sflag:$0x2], $0x4000, $0x38;
	[tilespmem:$0x1CF00] =	vst v63  }
0x39: {  	_ =	swait.ge [sflag:s24], $0x4000  }
0x3a: {  	[sflag:s24] =	ssyncset.done $0x0  }
0x3b: {  	[sflag:s24] =	ssyncadd.s32 $0xFFFFC000  }
0x3c: {  	s30 =	simm.s32 $0x0;
	[bflag:$0x0] =	sbarrier.arrive $0xFFFF  }
0x3d: {  	[tilespmem:s30], [sflag:$0x2] =	stream.linear.gather [hbm4b:s6+s30], $0x2780, $0x38;
	[tilespmem:$0x1CF00] =	vst v63  }
0x3e: {  	_ =	swait.ge [sflag:s24], $0x2780  }
0x3f: {  	[sflag:s24] =	ssyncset.done $0x0  }
0x40: {  	[sflag:s24] =	ssyncadd.s32 $0xFFFFD880  }
0x41: {  	[tilespmem:s25], [sflag:$0x2] =	stream.linear.gather [hbm4b:s7+s30], $0x2780, $0x38;
	[tilespmem:$0x1CF00] =	vst v63  }
0x42: {  	_ =	swait.ge [sflag:s24], $0x2780  }
0x43: {  	[sflag:s24] =	ssyncset.done $0x0  }
0x44: {  	s30 =	simm.s32 $0x0;
	[sflag:s24] =	ssyncadd.s32 $0xFFFFD880  }
0x45: {  	[tilespmem:s23], [sflag:$0x1] =	stream.indirect.gather [hbm4b:s4+s26], $0x80, s30, s26, $0xb8;
	[tilespmem:$0x1CF00] =	vst v63  }
0x46: {  	_ =	swait.ge [sflag:s28], $0x4000  }
0x47: {  	[sflag:s28] =	ssyncset.done $0x0  }
0x48: {  	s30 =	simm.s32 $0x2780;
	[sflag:s28] =	ssyncadd.s32 $0xFFFFC000  }
0x49: {  	[spmem:s1] =	stream.indirect.scatter.add.f32 [tilespmem:s23], [sflag:$0x2], $0x80, s30, s26, $0xb8;
	[tilespmem:$0x1CF00] =	vst v63  }
0x4a: {  	_ =	swait.ge [sflag:s24], $0x4000  }
0x4b: {  	s31 =	simm.s32 $0x400;
	s30 =	simm.s32 $0x200;
	[sflag:s24] =	ssyncset.done $0x0  }
.LBB2_4:
0x4c: {  	s0 =	sshra.s32 s30, $0x2  }
0x4d: {  	[sflag:s24] =	ssyncadd.s32 $0xFFFFC000;
	s30 =	smov.u32 s31;
	s2 =	sadd.s32 $0x200, s31  }
0x4e: {  	[tilespmem:s23], [sflag:$0x1] =	stream.indirect.gather [hbm4b:s4+s26], $0x80, s0, s26, $0xb8;
	[tilespmem:$0x1CF00] =	vst v63  }
0x4f: {  	p0 =	sne.s32 s31, $0x9C00;
	_ =	swait.ge [sflag:s28], $0x4000  }
.Ltmp1:
0x50: {  	[sflag:s28] =	ssyncset.done $0x0;
	(pc) =	sbr.rel @p0 .LBB2_4-.Ltmp1, $4  }
0x51: {  	s0 =	sadd.s32 $0x2780, s0;
	[sflag:s28] =	ssyncadd.s32 $0xFFFFC000  }
0x52: {  	[spmem:s1] =	stream.indirect.scatter.add.f32 [tilespmem:s23], [sflag:$0x2], $0x80, s0, s26, $0xb8;
	[tilespmem:$0x1CF00] =	vst v63  }
0x53: {  	_ =	swait.ge [sflag:s24], $0x4000  }
0x54: {  	s31 =	smov.u32 s2;
	[sflag:s24] =	ssyncset.done $0x0  }
0x55: {  	s0 =	sshra.s32 s30, $0x2;
	[sflag:s24] =	ssyncadd.s32 $0xFFFFC000  }
0x56: {  	[tilespmem:s23], [sflag:$0x1] =	stream.indirect.gather [hbm4b:s4+s26], $0x80, s0, s26, $0xb8;
	[tilespmem:$0x1CF00] =	vst v63  }
0x57: {  	_ =	swait.ge [sflag:s28], $0x4000  }
0x58: {  	[sflag:s28] =	ssyncset.done $0x0  }
0x59: {  	s0 =	sadd.s32 $0x2780, s0;
	[sflag:s28] =	ssyncadd.s32 $0xFFFFC000  }
0x5a: {  	[spmem:s1] =	stream.indirect.scatter.add.f32 [tilespmem:s23], [sflag:$0x2], $0x80, s0, s26, $0xb8;
	[tilespmem:$0x1CF00] =	vst v63  }
0x5b: {  	_ =	swait.ge [sflag:s24], $0x4000  }
0x5c: {  	[sflag:s24] =	ssyncset.done $0x0  }
0x5d: {  	[sflag:s24] =	ssyncadd.s32 $0xFFFFC000  }
0x5e: {  	[bflag:$0x0] =	sbarrier.arrive $0xFFFF  }
0x5f: {  	[tilespmem:s23], [sflag:$0x2] =	stream.linear.gather [spmem:s8], $0x4000, $0x38;
	[tilespmem:$0x1CF00] =	vst v63  }
0x60: {  	_ =	swait.ge [sflag:s24], $0x4000  }
0x61: {  	[sflag:s24] =	ssyncset.done $0x0  }
0x62: {  	[sflag:s24] =	ssyncadd.s32 $0xFFFFC000  }
0x63: {  	[hbm4b:s14+s3] =	stream.linear.scatter [tilespmem:s23], [sflag:$0x2], $0x4000, $0x38;
	[tilespmem:$0x1CF00] =	vst v63  }
0x64: {  	_ =	swait.ge [sflag:s24], $0x4000  }
0x65: {  	[sflag:s24] =	ssyncset.done $0x0  }
0x66: {  	[sflag:s24] =	ssyncadd.s32 $0xFFFFC000  }
0x67: {  	[tilespmem:s23], [sflag:$0x2] =	stream.linear.gather [spmem:s15], $0x4000, $0x38;
	[tilespmem:$0x1CF00] =	vst v63  }
0x68: {  	_ =	swait.ge [sflag:s24], $0x4000  }
0x69: {  	[sflag:s24] =	ssyncset.done $0x0  }
0x6a: {  	[sflag:s24] =	ssyncadd.s32 $0xFFFFC000  }
0x6b: {  	[hbm4b:s16+s3] =	stream.linear.scatter [tilespmem:s23], [sflag:$0x2], $0x4000, $0x38;
	[tilespmem:$0x1CF00] =	vst v63  }
0x6c: {  	_ =	swait.ge [sflag:s24], $0x4000  }
0x6d: {  	[sflag:s24] =	ssyncset.done $0x0  }
0x6e: {  	[sflag:s24] =	ssyncadd.s32 $0xFFFFC000  }
0x6f: {  	[tilespmem:s23], [sflag:$0x2] =	stream.linear.gather [spmem:s17], $0x4000, $0x38;
	[tilespmem:$0x1CF00] =	vst v63  }
0x70: {  	_ =	swait.ge [sflag:s24], $0x4000  }
0x71: {  	[sflag:s24] =	ssyncset.done $0x0  }
0x72: {  	[sflag:s24] =	ssyncadd.s32 $0xFFFFC000  }
0x73: {  	[hbm4b:s18+s3] =	stream.linear.scatter [tilespmem:s23], [sflag:$0x2], $0x4000, $0x38;
	[tilespmem:$0x1CF00] =	vst v63  }
0x74: {  	_ =	swait.ge [sflag:s24], $0x4000  }
0x75: {  	[sflag:s24] =	ssyncset.done $0x0  }
0x76: {  	[sflag:s24] =	ssyncadd.s32 $0xFFFFC000  }
0x77: {  	[tilespmem:s23], [sflag:$0x2] =	stream.linear.gather [spmem:s19], $0x4000, $0x38;
	[tilespmem:$0x1CF00] =	vst v63  }
0x78: {  	_ =	swait.ge [sflag:s24], $0x4000  }
0x79: {  	[sflag:s24] =	ssyncset.done $0x0  }
0x7a: {  	[sflag:s24] =	ssyncadd.s32 $0xFFFFC000  }
0x7b: {  	[hbm4b:s20+s3] =	stream.linear.scatter [tilespmem:s23], [sflag:$0x2], $0x4000, $0x38;
	[tilespmem:$0x1CF00] =	vst v63  }
0x7c: {  	_ =	swait.ge [sflag:s24], $0x4000  }
0x7d: {  	[sflag:s24] =	ssyncset.done $0x0  }
0x7e: {  	[sflag:s24] =	ssyncadd.s32 $0xFFFFC000  }
0x7f: {  	[tilespmem:s23], [sflag:$0x2] =	stream.linear.gather [spmem:s21], $0x4000, $0x38;
	[tilespmem:$0x1CF00] =	vst v63  }
0x80: {  	s29 =	sadd.s32 $0x1, s29;
	_ =	swait.ge [sflag:s24], $0x4000  }
0x81: {  	p0 =	sne.s32 s29, s9;
	[sflag:s24] =	ssyncset.done $0x0  }
.Ltmp2:
0x82: {  	[sflag:s24] =	ssyncadd.s32 $0xFFFFC000;
	(pc) =	sbr.rel @p0 .LBB2_1-.Ltmp2, $4  }
0x83: {  	[hbm4b:s22+s3] =	stream.linear.scatter [tilespmem:s23], [sflag:$0x2], $0x4000, $0x38;
	[tilespmem:$0x1CF00] =	vst v63  }
0x84: {  	_ =	swait.ge [sflag:s24], $0x4000  }
0x85: {  	[sflag:s24] =	ssyncset.done $0x0  }
0x86: {  	[sflag:s24] =	ssyncadd.s32 $0xFFFFC000  }
0x87: {  	_ =	sfence.sel $0x180000  }
0x88: {  	[bflag:$0x0] =	sbarrier.arrive $0xFFFF  }
0x89: {  	_ =	strace $0x9000004D  }
0x8a: {  	s0 =	stileid.u32;
	[bflag:$0x2] =	sbarrier.arrive $0xFFFF  }
0x8b: {  	p0 =	sne.s32 s0, $0x0;
	s0 =	rddreg [dreg:$0x3]  }
0x8c: {  	s0 =	sadd.s32 @!p0 $0x100000, s0  }
0x8d: {  	[sflag:s0] =	ssyncadd.tile.s32 @!p0 $0x1;
	_ =	shalt  }
.Lfunc_end2:
_tile_overlayer_lowered:
.L_overlay_start_2:
0x8e: {  	(tag) =	ssettag $0x2  }
0x8f: {  	s0 =	rddreg [dreg:$0x0];
	s2 =	stileid.u32  }
0x90: {  	s1 =	rddreg [dreg:$0x1];
	p0 =	sne.s32 s2, $0x0  }
0x91: {  	s3 =	rddreg [dreg:$0x2];
	[bflag:$0x3] =	sbarrier.arrive $0xFFFF;
	s2 =	simm.s32 @!p0 $0x1C02  }
0x92: {  	[timem:s3], [sflag:s2] =	dma.local @!p0 [hbm:s0], s1  }
0x93: {  	s0 =	simm.s32 @!p0 $0x2  }
0x94: {  	_ =	swait.ge @!p0 [sflag:s0], s1  }
0x95: {  	s1 =	ssub.s32 @!p0 $0x0, s1;
	[sflag:s0] =	ssyncset.done @!p0 $0x0  }
0x96: {  	[sflag:s0] =	ssyncadd.s32 @!p0 s1  }
0x97: {  	[bflag:$0x3] =	sbarrier.arrive $0xFFFF  }
0x98: {  	_ =	shalt  }

// kernel: kernel.20.cloned.1.call-start
scs
__scs_entry_jumppad:
0x0: {  	(pc) =	sbr.rel $0x88, $3  }
0x1: {  	(tag) =	ssettag $0x0;
	lr =	simm.s32 $0x1  }
0x2: {  	[smem:$0x3F99] =	sst lr;
	_ =	strace $0xD0000000  }
0x3: {  	_ = 	snop  }
0x4: {  	_ = 	snop  }
0x5: {  	_ = 	snop  }
0x6: {  	_ = 	snop  }
0x7: {  	_ = 	snop  }
__scs_overlays_trampoline_lowered:
0x8: {  	[smem:$0x3FA8] =	sst s0  }
0x9: {  	[smem:$0x3FA9] =	sst s1  }
0xa: {  	[smem:$0x3FAA] =	sst s2  }
0xb: {  	[smem:$0x3FAB] =	sst s3  }
0xc: {  	[smem:$0x3FAC] =	sst s4  }
0xd: {  	[smem:$0x3FAD] =	sst s5  }
0xe: {  	[smem:$0x3FAE] =	sst s6  }
0xf: {  	[smem:$0x3FAF] =	sst s7  }
0x10: {  	[smem:$0x3FB0] =	sst s8  }
0x11: {  	[smem:$0x3FB1] =	sst s9;
	s0 =	simm.s32 @!p0 $0x0  }
0x12: {  	s1 =	sld [smem:$0x3F97];
	s0 =	simm.s32 @p0 $0x1  }
0x13: {  	[smem:$0x3FB2] =	sst s0;
	s0 =	simm.s32 @!p1 $0x0  }
0x14: {  	s2 =	sld [smem:$0x3F96];
	s0 =	simm.s32 @p1 $0x1  }
0x15: {  	[smem:$0x3FB3] =	sst s0;
	s0 =	simm.s32 @!p2 $0x0  }
0x16: {  	s3 =	sld [smem:$0x3FDB];
	s0 =	simm.s32 @p2 $0x1  }
0x17: {  	s4 =	simm.s32 $0x1BF5;
	[smem:$0x3FB5] =	sst s0  }
0x18: {  	s0 =	sld [smem:$0x3F98];
	_ =	swait.ge [sflag:s4], $0x0  }
0x19: {  	s7 =	sld [smem:$0x3F99]  }
0x1a: {  	s8 =	sadd.s32 $0xFFFFE003, lr  }
0x1b: {  	s9 =	sadd.s32 $0xFFFFFEF7, lr;
	s5 =	simm.s32 $0xFFFFFFFF;
	p2 =	slt.u32 s8, $0xFFFFF086  }
0x1c: {  	p1 =	slt.u32 s9, $0xF7A;
	s5 =	simm.s32 @!p2 $0x0  }
0x1d: {  	s5 =	simm.s32 @p1 $0x1;
	p0 =	seq.s32 s7, s2  }
0x1e: {  	s7 =	smul.u32 @!p0 $0xF7A, s2;
	p2 =	seq.s32 @!p0 s5, $0x0  }
0x1f: {  	s9 =	smul.u32 $0xF7A, s1;
	s8 =	simm.s32 @!p0 $0x1BF5;
	p2 =	por !p2, p0  }
0x20: {  	[sflag:s8] =	ssyncset.s32 @!p0 $0xFFFFF086;
	s6 =	sadd.s32 @!p0 s3, s7;
	s7 =	simm.s32 @!p0 $0x108  }
0x21: {  	s3 =	sadd.s32 s3, s9;
	s6 =	sadd.s32 @!p0 $0x88, s6;
	s7 =	simm.s32 @p2 $0x1082  }
0x22: {  	[simem:s7], [sflag:s8] =	dma.local @!p0 [hbm:s6], $0xF7A  }
0x23: {  	s9 =	sor.u32 $0xD0000000, s2;
	s6 =	simm.s32 $0x108;
	_ =	swait.ge @!p0 [sflag:s8], $0x0  }
0x24: {  	s3 =	sadd.s32 $0x88, s3;
	s6 =	simm.s32 @!p1 $0x1082;
	[sflag:s4] =	ssyncset.s32 $0xFFFFF086  }
0x25: {  	[simem:s6], [sflag:s4] =	dma.local [hbm:s3], $0xF7A  }
0x26: {  	[smem:$0x3F99] =	sst s1;
	(tag) =	ssettag s2;
	_ =	strace s9  }
0x27: {  	s1 =	sld [smem:$0x3FA9]  }
0x28: {  	s2 =	sld [smem:$0x3FAA]  }
0x29: {  	s4 =	sld [smem:$0x3FAC]  }
0x2a: {  	p0 =	seq.s32 s5, $0x0;
	s5 =	sld [smem:$0x3FAD]  }
0x2b: {  	s6 =	sld [smem:$0x3FAE]  }
0x2c: {  	s7 =	sld [smem:$0x3FAF]  }
0x2d: {  	s3 =	simm.s32 $0x108;
	s8 =	sld [smem:$0x3FB0]  }
0x2e: {  	s3 =	simm.s32 @!p0 $0x1082;
	s9 =	sld [smem:$0x3FB1]  }
0x2f: {  	lr =	sadd.s32 s0, s3;
	s0 =	sld [smem:$0x3FA8]  }
0x30: {  	s3 =	sld [smem:$0x3FAB]  }
0x31: {  	[smem:$0x3FB4] =	sst s10  }
0x32: {  	s10 =	sld [smem:$0x3FB2];
	_ =	sdelay $0x3  }
0x33: {  	p0 =	seq.s32 s10, $0x1;
	s10 =	sld [smem:$0x3FB4];
	_ =	sdelay $0x3  }
0x34: {  	[smem:$0x3FB4] =	sst s10  }
0x35: {  	s10 =	sld [smem:$0x3FB3];
	_ =	sdelay $0x3  }
0x36: {  	p1 =	seq.s32 s10, $0x1;
	s10 =	sld [smem:$0x3FB4];
	_ =	sdelay $0x3  }
0x37: {  	[smem:$0x3FB4] =	sst s10  }
0x38: {  	s10 =	sld [smem:$0x3FB5]  }
0x39: {  	_ = 	snop;
	(pc) =	sbr.ind lr, $3  }
0x3a: {  	_ = 	snop  }
0x3b: {  	_ = 	snop  }
0x3c: {  	p2 =	seq.s32 s10, $0x1;
	s10 =	sld [smem:$0x3FB4]  }
0x3d: {  	_ =	shalt  }
0x3e: {  	_ =	shalt  }
0x3f: {  	_ =	shalt  }
0x40: {  	_ =	shalt  }
0x41: {  	_ =	shalt  }
0x42: {  	_ =	shalt  }
0x43: {  	_ =	shalt  }
0x44: {  	_ =	shalt  }
0x45: {  	_ =	shalt  }
0x46: {  	_ =	shalt  }
0x47: {  	_ =	shalt  }
0x48: {  	_ =	shalt  }
0x49: {  	_ =	shalt  }
0x4a: {  	_ =	shalt  }
0x4b: {  	_ =	shalt  }
0x4c: {  	_ =	shalt  }
0x4d: {  	_ =	shalt  }
0x4e: {  	_ =	shalt  }
0x4f: {  	_ =	shalt  }
0x50: {  	_ =	shalt  }
0x51: {  	_ =	shalt  }
0x52: {  	_ =	shalt  }
0x53: {  	_ =	shalt  }
0x54: {  	_ =	shalt  }
0x55: {  	_ =	shalt  }
0x56: {  	_ =	shalt  }
0x57: {  	_ =	shalt  }
0x58: {  	_ =	shalt  }
0x59: {  	_ =	shalt  }
0x5a: {  	_ =	shalt  }
0x5b: {  	_ =	shalt  }
0x5c: {  	_ =	shalt  }
0x5d: {  	_ =	shalt  }
0x5e: {  	_ =	shalt  }
0x5f: {  	_ =	shalt  }
0x60: {  	_ =	shalt  }
0x61: {  	_ =	shalt  }
0x62: {  	_ =	shalt  }
0x63: {  	_ =	shalt  }
0x64: {  	_ =	shalt  }
0x65: {  	_ =	shalt  }
0x66: {  	_ =	shalt  }
0x67: {  	_ =	shalt  }
0x68: {  	_ =	shalt  }
0x69: {  	_ =	shalt  }
0x6a: {  	_ =	shalt  }
0x6b: {  	_ =	shalt  }
0x6c: {  	_ =	shalt  }
0x6d: {  	_ =	shalt  }
0x6e: {  	_ =	shalt  }
0x6f: {  	_ =	shalt  }
0x70: {  	_ =	shalt  }
0x71: {  	_ =	shalt  }
0x72: {  	_ =	shalt  }
0x73: {  	_ =	shalt  }
0x74: {  	_ =	shalt  }
0x75: {  	_ =	shalt  }
0x76: {  	_ =	shalt  }
0x77: {  	_ =	shalt  }
0x78: {  	_ =	shalt  }
0x79: {  	_ =	shalt  }
0x7a: {  	_ =	shalt  }
0x7b: {  	_ =	shalt  }
0x7c: {  	_ =	shalt  }
0x7d: {  	_ =	shalt  }
0x7e: {  	_ =	shalt  }
0x7f: {  	_ =	shalt  }
0x80: {  	_ =	shalt  }
0x81: {  	_ =	shalt  }
0x82: {  	_ =	shalt  }
0x83: {  	_ =	shalt  }
0x84: {  	_ =	shalt  }
0x85: {  	_ =	shalt  }
0x86: {  	_ =	shalt  }
0x87: {  	_ =	shalt  }
.Lfunc_end0:
.L_simem_size_0:
called_computation.3_lowered:
.L_overlay_start_0:
0x88: {  	s2 =	sld [smem:$0x3FD9]  }
0x89: {  	s3 =	sld [smem:$0x3FFE];
	_ =	sdelay $0x1  }
0x8a: {  	s1 =	srdreg.scid  }
0x8b: {  	s0 =	sand.u32 $0x1, s1  }
0x8c: {  	s17 =	sshll.u32 s0, $0xA;
	s2 =	sadd.s32 s3, s2  }
0x8d: {  	s2 =	sadd.s32 s2, s17  }
0x8e: {  	[smem:$0x3FC0] =	sst s2  }
0x8f: {  	_ = 	snop  }
0x90: {  	s2 =	sld [smem:$0x3FD0];
	(tm) =	ssettm $0x1  }
0x91: {  	s18 =	sld [smem:$0x3FFB];
	_ =	sdelay $0x3  }
0x92: {  	_ =	strace s18  }
0x93: {  	s3 =	sld [smem:$0x3FFC];
	_ =	sdelay $0x3  }
0x94: {  	_ =	strace s3  }
0x95: {  	s3 =	sld [smem:$0x3FFD];
	_ =	sdelay $0x3  }
0x96: {  	_ =	strace s3  }
0x97: {  	_ =	strace $0x8FFFFFFF  }
0x98: {  	s19 =	sld [smem:$0x3FDB];
	_ =	sdelay $0x1  }
0x99: {  	s4 =	simm.s32 $_scs_section_size  }
0x9a: {  	s5 =	simm.s32 $_size__tile_overlayer_lowered;
	s6 =	simm.s32 $_tile_overlayer_lowered  }
0x9b: {  	s22 =	simm.s32 $0x1BFF;
	s21 =	sshll.u32 s6, $0x1;
	s3 =	sadd.s32 s4, s19  }
0x9c: {  	s7 =	simm.s32 $0x0;
	s20 =	sshll.u32 s5, $0x1;
	s5 =	sadd.s32 s21, s3  }
0x9d: {  	[timem:s7], [sflag:s22] =	dma.local [hbm:s5], s20  }
0x9e: {  	_ =	swait.ge [sflag:s22], s20  }
0x9f: {  	s4 =	ssub.s32 $0x0, s20;
	[sflag:s22] =	ssyncset.done $0x0  }
0xa0: {  	[sflag:s22] =	ssyncadd.s32 s4;
	_ =	sdelay $0x1  }
0xa1: {  	s23 =	simm.s32 $0x1B8B  }
0xa2: {  	_ =	swait.ge [sflag:s23], $0x1  }
0xa3: {  	[sflag:s23] =	ssyncset.done $0x0  }
0xa4: {  	s25 =	simm.s32 $0x1B8E;
	s24 =	sld [smem:$0x3FFE];
	[sflag:s23] =	ssyncadd.s32 $0xFFFFFFFF  }
0xa5: {  	s26 =	simm.s32 $execute0_lowered;
	[smem:$0x3FD2] =	sst s25  }
0xa6: {  	s5 =	sshll.u32 s26, $0x1;
	_ =	strace $0x8000004F;
	[dreg:$0x1] =	wrdreg $0xFFFFFFFF  }
0xa7: {  	s28 =	simm.s32 $_size_execute0_lowered;
	s3 =	sadd.s32 s3, s5;
	[dreg:$0x0] =	wrdreg $0x0  }
0xa8: {  	s5 =	sshll.u32 s28, $0x1;
	[dreg:$0x2] =	wrdreg s3  }
0xa9: {  	[dreg:$0x3] =	wrdreg s5  }
0xaa: {  	[dreg:$0x4] =	wrdreg $0xC0  }
0xab: {  	_ =	task [dreg:s7], $0x5FFFF  }
0xac: {  	[dreg:$0x1] =	wrdreg $0xFFFFFFFF  }
0xad: {  	[dreg:$0x0] =	wrdreg $0x60  }
0xae: {  	[dreg:$0x2] =	wrdreg s24  }
0xaf: {  	[dreg:$0x3] =	wrdreg s2  }
0xb0: {  	[dreg:$0x4] =	wrdreg $0x8F000  }
0xb1: {  	[dreg:$0x5] =	wrdreg $0x9  }
0xb2: {  	_ =	task.clear_ibuf [dreg:s7], $0x6FFFF;
	_ =	strace $0x9000004F  }
0xb3: {  	s29 =	simm.s32 $0x9;
	_ =	strace $0x80000051  }
0xb4: {  	_ =	swait.ge [sflag:s29], $0x1  }
0xb5: {  	[sflag:s29] =	ssyncadd.s32 $0xFFFFFFFF  }
0xb6: {  	_ =	strace $0x90000051  }
0xb7: {  	_ =	sfence  }
0xb8: {  	s30 =	sld [smem:$0x0];
	_ =	sdelay $0x2  }
0xb9: {  	s31 =	sshll.u32 s1, $0xD;
	s1 =	sshrl.u32 s1, $0x2  }
0xba: {  	s3 =	sand.u32 $0x4000, s31;
	s1 =	sadd.s32 s1, s30  }
0xbb: {  	s0 =	sor.u32 s3, s0;
	s1 =	sshll.u32 s1, $0x11  }
0xbc: {  	s0 =	sor.u32 s1, s0  }
0xbd: {  	s0 =	sadd.s32 $0x8F2B, s0  }
0xbe: {  	[sflag:s0] =	ssyncadd.remote.s32 $0x1  }
0xbf: {  	_ =	sfence.sel $0xFFFF  }
0xc0: {  	[dreg:$0x0] =	wrdreg $0xFFFFFFFF;
	(pc) =	sbr.abs _section_cstart, $3  }
0xc1: {  	[dreg:$0x1] =	wrdreg $0xFFFFFFFF  }
0xc2: {  	_ =	task.clear_ibuf [dreg:s7], $0x2FFFF;
	_ =	strace $0x9FFFFFFF  }
0xc3: {  	(tm) =	ssettm $0x7FFFFFFF  }
tec
execute0_lowered:
.L_overlay_start_1:
0x0: {  	(tag) =	ssettag $0x1  }
0x1: {  	s5 =	rddreg [dreg:$0x0]  }
0x2: {  	s6 =	rddreg [dreg:$0x1]  }
0x3: {  	s1 =	rddreg [dreg:$0x2]  }
0x4: {  	s2 =	srdreg.scid;
	s3 =	simm.s32 $0x0;
	s0 =	stileid.u32  }
0x5: {  	s25 =	simm.s32 $0x2780;
	s28 =	simm.s32 $0x1;
	s29 =	simm.s32 $0x0  }
0x6: {  	s7 =	sand.u32 $0x1, s2;
	[smem:$0x7FF] =	sst s3;
	s10 =	smul.u32 $0x50000, s0  }
0x7: {  	s22 =	sadd.s32 $0x81E00, s5;
	s18 =	smul.u32 $0x14000, s0;
	s4 =	sshll.u32 s7, $0x4  }
0x8: {  	_ =	strace $0x80000050;
	s9 =	ssub.s32 $0x2, s7;
	s19 =	smul.u32 $0x140000, s7  }
0x9: {  	s4 =	sor.u32 s0, s4;
	s26 =	sshrl.u32 s9, $0x1;
	s30 =	sshrl.u32 s10, $0x2  }
0xa: {  	s15 =	sadd.s32 $0x4000, s18;
	s20 =	sadd.s32 $0x8000, s18;
	s21 =	sadd.s32 $0xC000, s18  }
0xb: {  	s23 =	sadd.s32 $0x10000, s18;
	s8 =	smul.u32 $0x4F0, s4;
	s4 =	sadd.s32 $0xCA00, s5  }
0xc: {  	s9 =	ssub.s32 s9, s26;
	s13 =	sadd.s32 s19, s18;
	s16 =	sadd.s32 s19, s15  }
0xd: {  	s15 =	sadd.s32 s15, s1;
	s17 =	sadd.s32 s20, s1;
	s20 =	sadd.s32 s19, s20  }
0xe: {  	s31 =	sadd.s32 s19, s21;
	s24 =	sadd.s32 s19, s23;
	s19 =	sadd.s32 s21, s1  }
0xf: {  	s21 =	sadd.s32 s23, s1;
	s23 =	simm.s32 $0x4F00;
	s26 =	simm.s32 $0x80  }
0x10: {  	s9 =	smax.u32 s9, $0x1;
	s14 =	sshrl.u32 s13, $0x3;
	s16 =	sshrl.u32 s16, $0x3  }
0x11: {  	s20 =	sshrl.u32 s20, $0x3;
	s24 =	sshrl.u32 s24, $0x3;
	s11 =	sadd.s32 s8, s5  }
0x12: {  	s5 =	sadd.s32 s30, s1;
	s6 =	sadd.s32 s6, s8;
	s8 =	sadd.s32 s18, s1  }
0x13: {  	s14 =	sadd.s32 s22, s14;
	s16 =	sadd.s32 s22, s16;
	s18 =	sadd.s32 s22, s20  }
0x14: {  	s20 =	sshrl.u32 s31, $0x3;
	s7 =	sadd.s32 $0x2C00, s11;
	s10 =	sadd.s32 $0x4000, s5  }
0x15: {  	s11 =	sadd.s32 $0x8000, s5;
	s12 =	sadd.s32 $0xC000, s5;
	s13 =	sadd.s32 $0x10000, s5  }
0x16: {  	v0 =	vimm.f32 $0.0e+00;
	s20 =	sadd.s32 s22, s20;
	s22 =	sadd.s32 s22, s24;
	s24 =	simm.s32 $0x2  }
.LBB2_1:
0x17: {  	s30 =	simm.s32 $0x0;
	s31 =	simm.s32 $0x200  }
.LBB2_2:
0x18: {  	p0 =	sne.s32 s31, $0xFE00;
	[tilespmem:s30+$0x4F70] =	vst v0  }
0x19: {  	[tilespmem:s30+$0x4F00] =	vst v0  }
0x1a: {  	[tilespmem:s30+$0x4F10] =	vst v0  }
.Ltmp0:
0x1b: {  	[tilespmem:s30+$0x4F20] =	vst v0;
	(pc) =	sbr.rel @p0 .LBB2_2-.Ltmp0, $4  }
0x1c: {  	[tilespmem:s30+$0x4F30] =	vst v0  }
0x1d: {  	[tilespmem:s30+$0x4F40] =	vst v0  }
0x1e: {  	[tilespmem:s30+$0x4F50] =	vst v0  }
0x1f: {  	[tilespmem:s30+$0x4F60] =	vst v0;
	s30 =	sshra.s32 s31, $0x2;
	s31 =	sadd.s32 $0x200, s31  }
0x20: {  	[tilespmem:s30+$0x4F70] =	vst v0  }
0x21: {  	[tilespmem:s30+$0x4F00] =	vst v0  }
0x22: {  	[tilespmem:s30+$0x4F10] =	vst v0  }
0x23: {  	[tilespmem:s30+$0x4F20] =	vst v0  }
0x24: {  	[tilespmem:s30+$0x4F30] =	vst v0  }
0x25: {  	[tilespmem:s30+$0x4F40] =	vst v0  }
0x26: {  	[tilespmem:s30+$0x4F50] =	vst v0  }
0x27: {  	[tilespmem:s30+$0x4F60] =	vst v0  }
0x28: {  	[spmem:s5] =	stream.linear.scatter [tilespmem:s23], [sflag:$0x2], $0x4000, $0x38;
	[tilespmem:$0x1CF00] =	vst v63  }
0x29: {  	_ =	swait.ge [sflag:s24], $0x4000  }
0x2a: {  	[sflag:s24] =	ssyncset.done $0x0  }
0x2b: {  	[sflag:s24] =	ssyncadd.s32 $0xFFFFC000  }
0x2c: {  	[spmem:s10] =	stream.linear.scatter [tilespmem:s23], [sflag:$0x2], $0x4000, $0x38;
	[tilespmem:$0x1CF00] =	vst v63  }
0x2d: {  	_ =	swait.ge [sflag:s24], $0x4000  }
0x2e: {  	[sflag:s24] =	ssyncset.done $0x0  }
0x2f: {  	[sflag:s24] =	ssyncadd.s32 $0xFFFFC000  }
0x30: {  	[spmem:s11] =	stream.linear.scatter [tilespmem:s23], [sflag:$0x2], $0x4000, $0x38;
	[tilespmem:$0x1CF00] =	vst v63  }
0x31: {  	_ =	swait.ge [sflag:s24], $0x4000  }
0x32: {  	[sflag:s24] =	ssyncset.done $0x0  }
0x33: {  	[sflag:s24] =	ssyncadd.s32 $0xFFFFC000  }
0x34: {  	[spmem:s12] =	stream.linear.scatter [tilespmem:s23], [sflag:$0x2], $0x4000, $0x38;
	[tilespmem:$0x1CF00] =	vst v63  }
0x35: {  	_ =	swait.ge [sflag:s24], $0x4000  }
0x36: {  	[sflag:s24] =	ssyncset.done $0x0  }
0x37: {  	[sflag:s24] =	ssyncadd.s32 $0xFFFFC000  }
0x38: {  	[spmem:s13] =	stream.linear.scatter [tilespmem:s23], [sflag:$0x2], $0x4000, $0x38;
	[tilespmem:$0x1CF00] =	vst v63  }
0x39: {  	_ =	swait.ge [sflag:s24], $0x4000  }
0x3a: {  	[sflag:s24] =	ssyncset.done $0x0  }
0x3b: {  	[sflag:s24] =	ssyncadd.s32 $0xFFFFC000  }
0x3c: {  	s30 =	simm.s32 $0x0;
	[bflag:$0x0] =	sbarrier.arrive $0xFFFF  }
0x3d: {  	[tilespmem:s30], [sflag:$0x2] =	stream.linear.gather [hbm4b:s6+s30], $0x2780, $0x38;
	[tilespmem:$0x1CF00] =	vst v63  }
0x3e: {  	_ =	swait.ge [sflag:s24], $0x2780  }
0x3f: {  	[sflag:s24] =	ssyncset.done $0x0  }
0x40: {  	[sflag:s24] =	ssyncadd.s32 $0xFFFFD880  }
0x41: {  	[tilespmem:s25], [sflag:$0x2] =	stream.linear.gather [hbm4b:s7+s30], $0x2780, $0x38;
	[tilespmem:$0x1CF00] =	vst v63  }
0x42: {  	_ =	swait.ge [sflag:s24], $0x2780  }
0x43: {  	[sflag:s24] =	ssyncset.done $0x0  }
0x44: {  	s30 =	simm.s32 $0x0;
	[sflag:s24] =	ssyncadd.s32 $0xFFFFD880  }
0x45: {  	[tilespmem:s23], [sflag:$0x1] =	stream.indirect.gather [hbm4b:s4+s26], $0x80, s30, s26, $0xb8;
	[tilespmem:$0x1CF00] =	vst v63  }
0x46: {  	_ =	swait.ge [sflag:s28], $0x4000  }
0x47: {  	[sflag:s28] =	ssyncset.done $0x0  }
0x48: {  	s30 =	simm.s32 $0x2780;
	[sflag:s28] =	ssyncadd.s32 $0xFFFFC000  }
0x49: {  	[spmem:s1] =	stream.indirect.scatter.add.f32 [tilespmem:s23], [sflag:$0x2], $0x80, s30, s26, $0xb8;
	[tilespmem:$0x1CF00] =	vst v63  }
0x4a: {  	_ =	swait.ge [sflag:s24], $0x4000  }
0x4b: {  	s31 =	simm.s32 $0x400;
	s30 =	simm.s32 $0x200;
	[sflag:s24] =	ssyncset.done $0x0  }
.LBB2_4:
0x4c: {  	s0 =	sshra.s32 s30, $0x2  }
0x4d: {  	[sflag:s24] =	ssyncadd.s32 $0xFFFFC000;
	s30 =	smov.u32 s31;
	s2 =	sadd.s32 $0x200, s31  }
0x4e: {  	[tilespmem:s23], [sflag:$0x1] =	stream.indirect.gather [hbm4b:s4+s26], $0x80, s0, s26, $0xb8;
	[tilespmem:$0x1CF00] =	vst v63  }
0x4f: {  	p0 =	sne.s32 s31, $0x9C00;
	_ =	swait.ge [sflag:s28], $0x4000  }
.Ltmp1:
0x50: {  	[sflag:s28] =	ssyncset.done $0x0;
	(pc) =	sbr.rel @p0 .LBB2_4-.Ltmp1, $4  }
0x51: {  	s0 =	sadd.s32 $0x2780, s0;
	[sflag:s28] =	ssyncadd.s32 $0xFFFFC000  }
0x52: {  	[spmem:s1] =	stream.indirect.scatter.add.f32 [tilespmem:s23], [sflag:$0x2], $0x80, s0, s26, $0xb8;
	[tilespmem:$0x1CF00] =	vst v63  }
0x53: {  	_ =	swait.ge [sflag:s24], $0x4000  }
0x54: {  	s31 =	smov.u32 s2;
	[sflag:s24] =	ssyncset.done $0x0  }
0x55: {  	s0 =	sshra.s32 s30, $0x2;
	[sflag:s24] =	ssyncadd.s32 $0xFFFFC000  }
0x56: {  	[tilespmem:s23], [sflag:$0x1] =	stream.indirect.gather [hbm4b:s4+s26], $0x80, s0, s26, $0xb8;
	[tilespmem:$0x1CF00] =	vst v63  }
0x57: {  	_ =	swait.ge [sflag:s28], $0x4000  }
0x58: {  	[sflag:s28] =	ssyncset.done $0x0  }
0x59: {  	s0 =	sadd.s32 $0x2780, s0;
	[sflag:s28] =	ssyncadd.s32 $0xFFFFC000  }
0x5a: {  	[spmem:s1] =	stream.indirect.scatter.add.f32 [tilespmem:s23], [sflag:$0x2], $0x80, s0, s26, $0xb8;
	[tilespmem:$0x1CF00] =	vst v63  }
0x5b: {  	_ =	swait.ge [sflag:s24], $0x4000  }
0x5c: {  	[sflag:s24] =	ssyncset.done $0x0  }
0x5d: {  	[sflag:s24] =	ssyncadd.s32 $0xFFFFC000  }
0x5e: {  	[bflag:$0x0] =	sbarrier.arrive $0xFFFF  }
0x5f: {  	[tilespmem:s23], [sflag:$0x2] =	stream.linear.gather [spmem:s8], $0x4000, $0x38;
	[tilespmem:$0x1CF00] =	vst v63  }
0x60: {  	_ =	swait.ge [sflag:s24], $0x4000  }
0x61: {  	[sflag:s24] =	ssyncset.done $0x0  }
0x62: {  	[sflag:s24] =	ssyncadd.s32 $0xFFFFC000  }
0x63: {  	[hbm4b:s14+s3] =	stream.linear.scatter [tilespmem:s23], [sflag:$0x2], $0x4000, $0x38;
	[tilespmem:$0x1CF00] =	vst v63  }
0x64: {  	_ =	swait.ge [sflag:s24], $0x4000  }
0x65: {  	[sflag:s24] =	ssyncset.done $0x0  }
0x66: {  	[sflag:s24] =	ssyncadd.s32 $0xFFFFC000  }
0x67: {  	[tilespmem:s23], [sflag:$0x2] =	stream.linear.gather [spmem:s15], $0x4000, $0x38;
	[tilespmem:$0x1CF00] =	vst v63  }
0x68: {  	_ =	swait.ge [sflag:s24], $0x4000  }
0x69: {  	[sflag:s24] =	ssyncset.done $0x0  }
0x6a: {  	[sflag:s24] =	ssyncadd.s32 $0xFFFFC000  }
0x6b: {  	[hbm4b:s16+s3] =	stream.linear.scatter [tilespmem:s23], [sflag:$0x2], $0x4000, $0x38;
	[tilespmem:$0x1CF00] =	vst v63  }
0x6c: {  	_ =	swait.ge [sflag:s24], $0x4000  }
0x6d: {  	[sflag:s24] =	ssyncset.done $0x0  }
0x6e: {  	[sflag:s24] =	ssyncadd.s32 $0xFFFFC000  }
0x6f: {  	[tilespmem:s23], [sflag:$0x2] =	stream.linear.gather [spmem:s17], $0x4000, $0x38;
	[tilespmem:$0x1CF00] =	vst v63  }
0x70: {  	_ =	swait.ge [sflag:s24], $0x4000  }
0x71: {  	[sflag:s24] =	ssyncset.done $0x0  }
0x72: {  	[sflag:s24] =	ssyncadd.s32 $0xFFFFC000  }
0x73: {  	[hbm4b:s18+s3] =	stream.linear.scatter [tilespmem:s23], [sflag:$0x2], $0x4000, $0x38;
	[tilespmem:$0x1CF00] =	vst v63  }
0x74: {  	_ =	swait.ge [sflag:s24], $0x4000  }
0x75: {  	[sflag:s24] =	ssyncset.done $0x0  }
0x76: {  	[sflag:s24] =	ssyncadd.s32 $0xFFFFC000  }
0x77: {  	[tilespmem:s23], [sflag:$0x2] =	stream.linear.gather [spmem:s19], $0x4000, $0x38;
	[tilespmem:$0x1CF00] =	vst v63  }
0x78: {  	_ =	swait.ge [sflag:s24], $0x4000  }
0x79: {  	[sflag:s24] =	ssyncset.done $0x0  }
0x7a: {  	[sflag:s24] =	ssyncadd.s32 $0xFFFFC000  }
0x7b: {  	[hbm4b:s20+s3] =	stream.linear.scatter [tilespmem:s23], [sflag:$0x2], $0x4000, $0x38;
	[tilespmem:$0x1CF00] =	vst v63  }
0x7c: {  	_ =	swait.ge [sflag:s24], $0x4000  }
0x7d: {  	[sflag:s24] =	ssyncset.done $0x0  }
0x7e: {  	[sflag:s24] =	ssyncadd.s32 $0xFFFFC000  }
0x7f: {  	[tilespmem:s23], [sflag:$0x2] =	stream.linear.gather [spmem:s21], $0x4000, $0x38;
	[tilespmem:$0x1CF00] =	vst v63  }
0x80: {  	s29 =	sadd.s32 $0x1, s29;
	_ =	swait.ge [sflag:s24], $0x4000  }
0x81: {  	p0 =	sne.s32 s29, s9;
	[sflag:s24] =	ssyncset.done $0x0  }
.Ltmp2:
0x82: {  	[sflag:s24] =	ssyncadd.s32 $0xFFFFC000;
	(pc) =	sbr.rel @p0 .LBB2_1-.Ltmp2, $4  }
0x83: {  	[hbm4b:s22+s3] =	stream.linear.scatter [tilespmem:s23], [sflag:$0x2], $0x4000, $0x38;
	[tilespmem:$0x1CF00] =	vst v63  }
0x84: {  	_ =	swait.ge [sflag:s24], $0x4000  }
0x85: {  	[sflag:s24] =	ssyncset.done $0x0  }
0x86: {  	[sflag:s24] =	ssyncadd.s32 $0xFFFFC000  }
0x87: {  	_ =	sfence.sel $0x180000  }
0x88: {  	[bflag:$0x0] =	sbarrier.arrive $0xFFFF  }
0x89: {  	_ =	strace $0x90000050  }
0x8a: {  	s0 =	stileid.u32;
	[bflag:$0x2] =	sbarrier.arrive $0xFFFF  }
0x8b: {  	p0 =	sne.s32 s0, $0x0;
	s0 =	rddreg [dreg:$0x3]  }
0x8c: {  	s0 =	sadd.s32 @!p0 $0x100000, s0  }
0x8d: {  	[sflag:s0] =	ssyncadd.tile.s32 @!p0 $0x1;
	_ =	shalt  }
.Lfunc_end2:
_tile_overlayer_lowered:
.L_overlay_start_2:
0x8e: {  	(tag) =	ssettag $0x2  }
0x8f: {  	s0 =	rddreg [dreg:$0x0];
	s2 =	stileid.u32  }
0x90: {  	s1 =	rddreg [dreg:$0x1];
	p0 =	sne.s32 s2, $0x0  }
0x91: {  	s3 =	rddreg [dreg:$0x2];
	[bflag:$0x3] =	sbarrier.arrive $0xFFFF;
	s2 =	simm.s32 @!p0 $0x1C02  }
0x92: {  	[timem:s3], [sflag:s2] =	dma.local @!p0 [hbm:s0], s1  }
0x93: {  	s0 =	simm.s32 @!p0 $0x2  }
0x94: {  	_ =	swait.ge @!p0 [sflag:s0], s1  }
0x95: {  	s1 =	ssub.s32 @!p0 $0x0, s1;
	[sflag:s0] =	ssyncset.done @!p0 $0x0  }
0x96: {  	[sflag:s0] =	ssyncadd.s32 @!p0 s1  }
0x97: {  	[bflag:$0x3] =	sbarrier.arrive $0xFFFF  }
0x98: {  	_ =	shalt  }

</sc_bundles>
